<compile_context>
chip_gen: v7x
topology: tpu7x:2x2x1
jax: 0.10.2.dev20260603
libtpu: 0.0.44.dev20260713+nightly
codegen_flags: <defaults>
</compile_context>

<pallas_src>
import functools

import jax
import jax.numpy as jnp
from jax import lax
from jax.experimental import pallas as pl
from jax.experimental.pallas import tpu as pltpu
from jax.experimental.pallas import tpu_sc as plsc

N = 10000
DX = 128
H = 16
C = 64
E = 320000

NC = 2
NS = 16
B = 128
K = 80
KIDX = 84
EPAD = NC * NS * KIDX * B
DUMMY = N
R = 10112
ZROWS = R // NS

def _sc_body(y_hbm, src_hbm, dst_hbm, out_hbm,
             src_v, dst_v, rows_v, zw_v, agg_sh, sem_ga, sem_gb):
    c = lax.axis_index("c")
    s = lax.axis_index("s")

    pltpu.sync_copy(src_hbm.at[c, s], src_v)
    pltpu.sync_copy(dst_hbm.at[c, s], dst_v)

    def _zero(i, carry):
        zw_v[i, :] = jnp.zeros((16,), jnp.float32)
        return carry
    lax.fori_loop(0, ZROWS, _zero, 0)
    pltpu.sync_copy(zw_v, agg_sh.at[pl.ds(s * ZROWS, ZROWS)])
    plsc.subcore_barrier()

    def _g_start(chunk, buf, sem):
        pltpu.async_copy(y_hbm.at[src_v.at[chunk]], rows_v.at[buf], sem)

    def _g_wait(chunk, buf, sem):
        pltpu.make_async_copy(
            y_hbm.at[src_v.at[chunk]], rows_v.at[buf], sem).wait()

    for b in range(4):
        _g_start(b, b, sem_ga)

    def _phase(base, bufo, sem_cur, sem_nxt):
        for b in range(4):
            _g_wait(base + b, bufo + b, sem_cur)
            _g_start(base + 4 + b, (bufo + 4) % 8 + b, sem_nxt)
        for b in range(4):
            pltpu.sync_copy(
                rows_v.at[bufo + b], agg_sh.at[dst_v.at[base + b]], add=True)

    def _group(i, carry):
        _phase(8 * i, 0, sem_ga, sem_gb)
        _phase(8 * i + 4, 4, sem_gb, sem_ga)
        return carry
    lax.fori_loop(0, K // 8, _group, 0)

    for b in range(4):
        _g_wait(K + b, b, sem_ga)
    plsc.subcore_barrier()

    pltpu.sync_copy(agg_sh.at[pl.ds(s * ZROWS, ZROWS)], zw_v)
    pltpu.sync_copy(zw_v, out_hbm.at[c, pl.ds(s * ZROWS, ZROWS)])


@functools.cache
def _sc_edge_aggregate_fn():
    mesh = plsc.VectorSubcoreMesh(
        core_axis_name="c", subcore_axis_name="s",
        num_cores=NC, num_subcores=NS)
    return pl.kernel(
        _sc_body,
        out_type=jax.ShapeDtypeStruct((NC, R, H), jnp.float32),
        mesh=mesh,
        scratch_types=[
            pltpu.VMEM((KIDX, B), jnp.int32),
            pltpu.VMEM((KIDX, B), jnp.int32),
            pltpu.VMEM((8, B, H), jnp.float32),
            pltpu.VMEM((ZROWS, H), jnp.float32),
            pltpu.VMEM_SHARED((R, H), jnp.float32),
            pltpu.SemaphoreType.DMA,
            pltpu.SemaphoreType.DMA,
        ],
        compiler_params=pltpu.CompilerParams(use_tc_tiling_on_sc=False),
    )


def _sc_edge_aggregate(y, src4, dst4):
    return _sc_edge_aggregate_fn()(y, src4, dst4)


_ROWBLK = 2000


def _mm1_body(x_ref, w_ref, o_ref):
    o_ref[...] = jnp.dot(x_ref[...], w_ref[...],
                         preferred_element_type=jnp.float32)


def _project(x, w1):
    return pl.pallas_call(
        _mm1_body,
        grid=(N // _ROWBLK,),
        in_specs=[
            pl.BlockSpec((_ROWBLK, DX), lambda i: (i, 0)),
            pl.BlockSpec((DX, H), lambda i: (0, 0)),
        ],
        out_specs=pl.BlockSpec((_ROWBLK, H), lambda i: (i, 0)),
        out_shape=jax.ShapeDtypeStruct((N, H), jnp.float32),
    )(x, w1)


def _combine_body(y_ref, a0_ref, a1_ref, b_ref, o_ref):
    o_ref[...] = jnp.maximum(
        y_ref[...] + a0_ref[...] + a1_ref[...] + b_ref[...], 0.0)


def _combine_relu(y, a0, a1, b1):
    return pl.pallas_call(
        _combine_body,
        out_shape=jax.ShapeDtypeStruct((N, H), jnp.float32),
    )(y, a0, a1, b1)


def _layer2_body(h_ref, a0_ref, a1_ref, w_ref, b_ref, o_ref):
    z = jnp.dot(h_ref[...] + a0_ref[...] + a1_ref[...], w_ref[...],
                preferred_element_type=jnp.float32) + b_ref[...]
    m = jnp.max(z, axis=1, keepdims=True)
    e = z - m
    o_ref[...] = e - jnp.log(jnp.sum(jnp.exp(e), axis=1, keepdims=True))


def _layer2(h1, a0, a1, w2, b2):
    return pl.pallas_call(
        _layer2_body,
        grid=(N // _ROWBLK,),
        in_specs=[
            pl.BlockSpec((_ROWBLK, H), lambda i: (i, 0)),
            pl.BlockSpec((_ROWBLK, H), lambda i: (i, 0)),
            pl.BlockSpec((_ROWBLK, H), lambda i: (i, 0)),
            pl.BlockSpec((H, C), lambda i: (0, 0)),
            pl.BlockSpec((1, C), lambda i: (0, 0)),
        ],
        out_specs=pl.BlockSpec((_ROWBLK, C), lambda i: (i, 0)),
        out_shape=jax.ShapeDtypeStruct((N, C), jnp.float32),
    )(h1, a0, a1, w2, b2)


def kernel(x, edge_index, W1, b1, W2, b2):
    src = edge_index[0].astype(jnp.int32)
    dst = edge_index[1].astype(jnp.int32)
    pad = NC * NS * K * B - E
    srcp = jnp.concatenate([src, jnp.zeros((pad,), jnp.int32)])
    dstp = jnp.concatenate([dst, jnp.full((pad,), DUMMY, jnp.int32)])
    src4 = jnp.concatenate(
        [srcp.reshape(NC, NS, K, B),
         jnp.zeros((NC, NS, KIDX - K, B), jnp.int32)], axis=2)
    dst4 = jnp.concatenate(
        [dstp.reshape(NC, NS, K, B),
         jnp.full((NC, NS, KIDX - K, B), DUMMY, jnp.int32)], axis=2)

    y = _project(x, W1)
    agg1 = _sc_edge_aggregate(y, src4, dst4)
    h1 = _combine_relu(y, agg1[0, :N], agg1[1, :N], b1.reshape(1, H))
    agg2 = _sc_edge_aggregate(h1, src4, dst4)
    return _layer2(h1, agg2[0, :N], agg2[1, :N], W2, b2.reshape(1, C))

# --- scband reference (transcript-rebuilt; emitter-appended) ---
"""Pipeline reference for scband-gin-29386166239468 (READ-ONLY COPY).

The authoritative reference and input builder live on the scoring server;
editing this copy changes nothing except your own understanding.
"""

import jax, jax.numpy as jnp
import numpy as np

NUM_NODES = 10000
NUM_EDGES = 320000
NUM_DIM = 128
HIDDEN = 16
NUM_CLASS = 64


def setup_inputs(seed: int = 0) -> dict:
    key = jax.random.key(seed)
    k1, k2, k3, k4, k5, k6 = jax.random.split(key, 6)
    x = jax.random.normal(k1, (NUM_NODES, NUM_DIM), dtype=jnp.float32)
    edge_index = jax.random.randint(k2, (2, NUM_EDGES), 0, NUM_NODES, dtype=jnp.int64)
    # nn.Linear default init: U(-1/sqrt(fan_in), 1/sqrt(fan_in))
    lim1 = 1.0 / np.sqrt(NUM_DIM)
    W1 = jax.random.uniform(k3, (NUM_DIM, HIDDEN), minval=-lim1, maxval=lim1, dtype=jnp.float32)
    b1 = jax.random.uniform(k4, (HIDDEN,), minval=-lim1, maxval=lim1, dtype=jnp.float32)
    lim2 = 1.0 / np.sqrt(HIDDEN)
    W2 = jax.random.uniform(k5, (HIDDEN, NUM_CLASS), minval=-lim2, maxval=lim2, dtype=jnp.float32)
    b2 = jax.random.uniform(k6, (NUM_CLASS,), minval=-lim2, maxval=lim2, dtype=jnp.float32)
    return {"x": x, "edge_index": edge_index, "W1": W1, "b1": b1, "W2": W2, "b2": b2}


def _gin_conv(x, edge_index, W, b):
    # GINConv with default eps=0: out = nn((1+eps)*x + sum_{j in N(i)} x_j)
    src = edge_index[0]
    dst = edge_index[1]
    agg = jnp.zeros_like(x).at[dst].add(x[src])
    h = x + agg
    return h @ W + b


def reference(x, edge_index, W1, b1, W2, b2):
    h = jax.nn.relu(_gin_conv(x, edge_index, W1, b1))
    # dropout p=0.6 is identity in eval mode (self.training == False)
    h = _gin_conv(h, edge_index, W2, b2)
    return jax.nn.log_softmax(h, axis=1)

if __name__ == "__main__":
    import jax
    _d = setup_inputs()
    print(jax.jit(kernel)(*tuple(_d.values())))

</pallas_src>

<mosaic_0001>
#map = affine_map<(d0, d1) -> (0, 0)>
#map1 = affine_map<(d0, d1) -> (0, 0, 0, 0)>
#map2 = affine_map<(d0, d1) -> (0, 0, 0)>
module attributes {stable_mosaic.version = 14 : i64} {
  func.func @_sc_body(%arg0: i32, %arg1: i32, %arg2: memref<10000x16xf32, #tpu.memory_space<hbm>>, %arg3: memref<2x16x84x128xi32, #tpu.memory_space<hbm>>, %arg4: memref<2x16x84x128xi32, #tpu.memory_space<hbm>>, %arg5: memref<2x10112x16xf32, #tpu.memory_space<hbm>>, %arg6: memref<84x128xi32, #tpu.memory_space<vmem>>, %arg7: memref<84x128xi32, #tpu.memory_space<vmem>>, %arg8: memref<8x128x16xf32, #tpu.memory_space<vmem>>, %arg9: memref<632x16xf32, #tpu.memory_space<vmem>>, %arg10: memref<10112x16xf32, #tpu.memory_space<vmem_shared>>, %arg11: memref<!tpu.dma_semaphore, #tpu.memory_space<semaphore_mem>>, %arg12: memref<!tpu.dma_semaphore, #tpu.memory_space<semaphore_mem>>) attributes {dimension_semantics = [#tpu.dimension_semantics<core_parallel>, #tpu.dimension_semantics<subcore_parallel>], iteration_bounds = array<i64: 2, 16>, scalar_prefetch = 0 : i64, scratch_operands = 7 : i64, tpu.core_type = #tpu.core_type<sc_vector_subcore>, window_params = [{transform_indices = #map}, {transform_indices = #map1}, {transform_indices = #map1}, {transform_indices = #map2}]} {
    "tpu.region"() ({
      %run_scoped3A = tpu.sem_alloc : memref<!tpu.dma_semaphore, #tpu.memory_space<semaphore_mem>>
      %dma_start3A_111 = arith.constant 0 : i32
      %dma_start3A_112 = arith.constant 0 : i32
      %dma_start3A_113 = tpu.memref_slice %arg3[%arg0, %arg1, %dma_start3A_111, %dma_start3A_112] : memref<2x16x84x128xi32, #tpu.memory_space<hbm>> -> memref<1x1x84x128xi32, #tpu.memory_space<hbm>>
      %dma_start3A_114 = tpu.memref_squeeze %dma_start3A_113 : memref<1x1x84x128xi32, #tpu.memory_space<hbm>> -> memref<84x128xi32, #tpu.memory_space<hbm>>
      %dma_start3A_115 = arith.constant 0 : i32
      %dma_start3A_116 = arith.constant 0 : i32
      %dma_start3A_117 = tpu.memref_slice %arg3[%arg0, %arg1, %dma_start3A_115, %dma_start3A_116] : memref<2x16x84x128xi32, #tpu.memory_space<hbm>> -> memref<1x1x84x128xi32, #tpu.memory_space<hbm>>
      %dma_start3A_118 = tpu.memref_squeeze %dma_start3A_117 : memref<1x1x84x128xi32, #tpu.memory_space<hbm>> -> memref<84x128xi32, #tpu.memory_space<hbm>>
      tpu.enqueue_dma source(%dma_start3A_118 : memref<84x128xi32, #tpu.memory_space<hbm>>) target(%arg6 : memref<84x128xi32, #tpu.memory_space<vmem>>) target_semaphore(%run_scoped3A : memref<!tpu.dma_semaphore, #tpu.memory_space<semaphore_mem>>)
      %dma_wait3A_119 = arith.constant 0 : i32
      %dma_wait3A_120 = arith.constant 0 : i32
      %dma_wait3A_121 = tpu.memref_slice %arg3[%arg0, %arg1, %dma_wait3A_119, %dma_wait3A_120] : memref<2x16x84x128xi32, #tpu.memory_space<hbm>> -> memref<1x1x84x128xi32, #tpu.memory_space<hbm>>
      %dma_wait3A_122 = tpu.memref_squeeze %dma_wait3A_121 : memref<1x1x84x128xi32, #tpu.memory_space<hbm>> -> memref<84x128xi32, #tpu.memory_space<hbm>>
      %dma_wait3A_123 = arith.constant 0 : i32
      %dma_wait3A_124 = arith.constant 0 : i32
      %dma_wait3A_125 = tpu.memref_slice %arg3[%arg0, %arg1, %dma_wait3A_123, %dma_wait3A_124] : memref<2x16x84x128xi32, #tpu.memory_space<hbm>> -> memref<1x1x84x128xi32, #tpu.memory_space<hbm>>
      %dma_wait3A_126 = tpu.memref_squeeze %dma_wait3A_125 : memref<1x1x84x128xi32, #tpu.memory_space<hbm>> -> memref<84x128xi32, #tpu.memory_space<hbm>>
      tpu.wait_dma2 semaphore(%run_scoped3A : memref<!tpu.dma_semaphore, #tpu.memory_space<semaphore_mem>>) src(%dma_wait3A_126 : memref<84x128xi32, #tpu.memory_space<hbm>>) dst(%arg6 : memref<84x128xi32, #tpu.memory_space<vmem>>)
      tpu.yield
    }) : () -> ()
    "tpu.region"() ({
      %run_scoped3A = tpu.sem_alloc : memref<!tpu.dma_semaphore, #tpu.memory_space<semaphore_mem>>
      %dma_start3A_111 = arith.constant 0 : i32
      %dma_start3A_112 = arith.constant 0 : i32
      %dma_start3A_113 = tpu.memref_slice %arg4[%arg0, %arg1, %dma_start3A_111, %dma_start3A_112] : memref<2x16x84x128xi32, #tpu.memory_space<hbm>> -> memref<1x1x84x128xi32, #tpu.memory_space<hbm>>
      %dma_start3A_114 = tpu.memref_squeeze %dma_start3A_113 : memref<1x1x84x128xi32, #tpu.memory_space<hbm>> -> memref<84x128xi32, #tpu.memory_space<hbm>>
      %dma_start3A_115 = arith.constant 0 : i32
      %dma_start3A_116 = arith.constant 0 : i32
      %dma_start3A_117 = tpu.memref_slice %arg4[%arg0, %arg1, %dma_start3A_115, %dma_start3A_116] : memref<2x16x84x128xi32, #tpu.memory_space<hbm>> -> memref<1x1x84x128xi32, #tpu.memory_space<hbm>>
      %dma_start3A_118 = tpu.memref_squeeze %dma_start3A_117 : memref<1x1x84x128xi32, #tpu.memory_space<hbm>> -> memref<84x128xi32, #tpu.memory_space<hbm>>
      tpu.enqueue_dma source(%dma_start3A_118 : memref<84x128xi32, #tpu.memory_space<hbm>>) target(%arg7 : memref<84x128xi32, #tpu.memory_space<vmem>>) target_semaphore(%run_scoped3A : memref<!tpu.dma_semaphore, #tpu.memory_space<semaphore_mem>>)
      %dma_wait3A_119 = arith.constant 0 : i32
      %dma_wait3A_120 = arith.constant 0 : i32
      %dma_wait3A_121 = tpu.memref_slice %arg4[%arg0, %arg1, %dma_wait3A_119, %dma_wait3A_120] : memref<2x16x84x128xi32, #tpu.memory_space<hbm>> -> memref<1x1x84x128xi32, #tpu.memory_space<hbm>>
      %dma_wait3A_122 = tpu.memref_squeeze %dma_wait3A_121 : memref<1x1x84x128xi32, #tpu.memory_space<hbm>> -> memref<84x128xi32, #tpu.memory_space<hbm>>
      %dma_wait3A_123 = arith.constant 0 : i32
      %dma_wait3A_124 = arith.constant 0 : i32
      %dma_wait3A_125 = tpu.memref_slice %arg4[%arg0, %arg1, %dma_wait3A_123, %dma_wait3A_124] : memref<2x16x84x128xi32, #tpu.memory_space<hbm>> -> memref<1x1x84x128xi32, #tpu.memory_space<hbm>>
      %dma_wait3A_126 = tpu.memref_squeeze %dma_wait3A_125 : memref<1x1x84x128xi32, #tpu.memory_space<hbm>> -> memref<84x128xi32, #tpu.memory_space<hbm>>
      tpu.wait_dma2 semaphore(%run_scoped3A : memref<!tpu.dma_semaphore, #tpu.memory_space<semaphore_mem>>) src(%dma_wait3A_126 : memref<84x128xi32, #tpu.memory_space<hbm>>) dst(%arg7 : memref<84x128xi32, #tpu.memory_space<vmem>>)
      tpu.yield
    }) : () -> ()
    %scan3A = arith.constant 0 : i32
    %scan3A_0 = arith.constant 0 : i32
    %scan3A_1 = arith.constant 632 : i32
    %scan3A_2 = arith.addi %scan3A_0, %scan3A_1 : i32
    %scan3A_3 = arith.constant 1 : i32
    scf.for %scan3A_111 = %scan3A_0 to %scan3A_2 step %scan3A_3  : i32 {
      %broadcast_in_dim3A = arith.constant 0.000000e+00 : f32
      %broadcast_in_dim3A_112 = vector.broadcast %broadcast_in_dim3A : f32 to vector<16xf32>
      %swap3A = arith.index_cast %scan3A_111 : i32 to index
      %swap3A_113 = arith.constant 0 : index
      %swap3A_114 = tpu.vector_load %arg9[%swap3A, %swap3A_113] {strides = array<i32>} : memref<632x16xf32, #tpu.memory_space<vmem>>, vector<1x16xf32>,
      %swap3A_115 = vector.shape_cast %swap3A_114 : vector<1x16xf32> to vector<16xf32>
      %swap3A_116 = vector.shape_cast %broadcast_in_dim3A_112 : vector<16xf32> to vector<1x16xf32>
      tpu.vector_store %arg9[%swap3A, %swap3A_113], %swap3A_116 {strides = array<i32>} : memref<632x16xf32, #tpu.memory_space<vmem>>, vector<1x16xf32>,
    }
    %scan3A_4 = arith.constant 632 : i32
    %mul3A = arith.constant 632 : i32
    %mul3A_5 = arith.muli %arg1, %mul3A : i32
    "tpu.region"() ({
      %run_scoped3A = tpu.sem_alloc : memref<!tpu.dma_semaphore, #tpu.memory_space<semaphore_mem>>
      %dma_start3A_111 = arith.constant 0 : i32
      %dma_start3A_112 = tpu.memref_slice %arg10[%mul3A_5, %dma_start3A_111] : memref<10112x16xf32, #tpu.memory_space<vmem_shared>> -> memref<632x16xf32, #tpu.memory_space<vmem_shared>>
      %dma_start3A_113 = arith.constant 0 : i32
      %dma_start3A_114 = tpu.memref_slice %arg10[%mul3A_5, %dma_start3A_113] : memref<10112x16xf32, #tpu.memory_space<vmem_shared>> -> memref<632x16xf32, #tpu.memory_space<vmem_shared>>
      tpu.enqueue_dma source(%arg9 : memref<632x16xf32, #tpu.memory_space<vmem>>) target(%dma_start3A_114 : memref<632x16xf32, #tpu.memory_space<vmem_shared>>) target_semaphore(%run_scoped3A : memref<!tpu.dma_semaphore, #tpu.memory_space<semaphore_mem>>)
      %dma_wait3A_115 = arith.constant 0 : i32
      %dma_wait3A_116 = tpu.memref_slice %arg10[%mul3A_5, %dma_wait3A_115] : memref<10112x16xf32, #tpu.memory_space<vmem_shared>> -> memref<632x16xf32, #tpu.memory_space<vmem_shared>>
      %dma_wait3A_117 = arith.constant 0 : i32
      %dma_wait3A_118 = tpu.memref_slice %arg10[%mul3A_5, %dma_wait3A_117] : memref<10112x16xf32, #tpu.memory_space<vmem_shared>> -> memref<632x16xf32, #tpu.memory_space<vmem_shared>>
      tpu.wait_dma2 semaphore(%run_scoped3A : memref<!tpu.dma_semaphore, #tpu.memory_space<semaphore_mem>>) src(%arg9 : memref<632x16xf32, #tpu.memory_space<vmem>>) dst(%dma_wait3A_118 : memref<632x16xf32, #tpu.memory_space<vmem_shared>>)
      tpu.yield
    }) : () -> ()
    %barrier3A = arith.constant 0 : index
    tpu.barrier barrier_id(%barrier3A)
    %dma_start3A = arith.constant 0 : i32
    %dma_start3A_6 = arith.constant 0 : i32
    %dma_start3A_7 = arith.constant 0 : i32
    %dma_start3A_8 = arith.constant 0 : i32
    %dma_start3A_9 = tpu.memref_slice %arg8[%dma_start3A_6, %dma_start3A_7, %dma_start3A_8] : memref<8x128x16xf32, #tpu.memory_space<vmem>> -> memref<1x128x16xf32, #tpu.memory_space<vmem>>
    %dma_start3A_10 = tpu.memref_squeeze %dma_start3A_9 : memref<1x128x16xf32, #tpu.memory_space<vmem>> -> memref<128x16xf32, #tpu.memory_space<vmem>>
    %dma_start3A_11 = arith.constant 0 : i32
    %dma_start3A_12 = tpu.memref_slice %arg6[%dma_start3A, %dma_start3A_11] : memref<84x128xi32, #tpu.memory_space<vmem>> -> memref<1x128xi32, #tpu.memory_space<vmem>>
    %dma_start3A_13 = tpu.memref_squeeze %dma_start3A_12 : memref<1x128xi32, #tpu.memory_space<vmem>> -> memref<128xi32, #tpu.memory_space<vmem>>
    %dma_start3A_14 = arith.constant 0 : i32
    %dma_start3A_15 = arith.constant 0 : i32
    %dma_start3A_16 = tpu.memref_slice %arg2[%dma_start3A_14, %dma_start3A_15] : memref<10000x16xf32, #tpu.memory_space<hbm>> -> memref<10000x16xf32, #tpu.memory_space<hbm>>
    tpu.enqueue_indirect_dma source(%dma_start3A_16 : memref<10000x16xf32, #tpu.memory_space<hbm>>) target(%dma_start3A_10 : memref<128x16xf32, #tpu.memory_space<vmem>>) offsets(%dma_start3A_13 : memref<128xi32, #tpu.memory_space<vmem>>) semaphore(%arg11 : memref<!tpu.dma_semaphore, #tpu.memory_space<semaphore_mem>>)
    %dma_start3A_17 = arith.constant 1 : i32
    %dma_start3A_18 = arith.constant 1 : i32
    %dma_start3A_19 = arith.constant 0 : i32
    %dma_start3A_20 = arith.constant 0 : i32
    %dma_start3A_21 = tpu.memref_slice %arg8[%dma_start3A_18, %dma_start3A_19, %dma_start3A_20] : memref<8x128x16xf32, #tpu.memory_space<vmem>> -> memref<1x128x16xf32, #tpu.memory_space<vmem>>
    %dma_start3A_22 = tpu.memref_squeeze %dma_start3A_21 : memref<1x128x16xf32, #tpu.memory_space<vmem>> -> memref<128x16xf32, #tpu.memory_space<vmem>>
    %dma_start3A_23 = arith.constant 0 : i32
    %dma_start3A_24 = tpu.memref_slice %arg6[%dma_start3A_17, %dma_start3A_23] : memref<84x128xi32, #tpu.memory_space<vmem>> -> memref<1x128xi32, #tpu.memory_space<vmem>>
    %dma_start3A_25 = tpu.memref_squeeze %dma_start3A_24 : memref<1x128xi32, #tpu.memory_space<vmem>> -> memref<128xi32, #tpu.memory_space<vmem>>
    %dma_start3A_26 = arith.constant 0 : i32
    %dma_start3A_27 = arith.constant 0 : i32
    %dma_start3A_28 = tpu.memref_slice %arg2[%dma_start3A_26, %dma_start3A_27] : memref<10000x16xf32, #tpu.memory_space<hbm>> -> memref<10000x16xf32, #tpu.memory_space<hbm>>
    tpu.enqueue_indirect_dma source(%dma_start3A_28 : memref<10000x16xf32, #tpu.memory_space<hbm>>) target(%dma_start3A_22 : memref<128x16xf32, #tpu.memory_space<vmem>>) offsets(%dma_start3A_25 : memref<128xi32, #tpu.memory_space<vmem>>) semaphore(%arg11 : memref<!tpu.dma_semaphore, #tpu.memory_space<semaphore_mem>>)
    %dma_start3A_29 = arith.constant 2 : i32
    %dma_start3A_30 = arith.constant 2 : i32
    %dma_start3A_31 = arith.constant 0 : i32
    %dma_start3A_32 = arith.constant 0 : i32
    %dma_start3A_33 = tpu.memref_slice %arg8[%dma_start3A_30, %dma_start3A_31, %dma_start3A_32] : memref<8x128x16xf32, #tpu.memory_space<vmem>> -> memref<1x128x16xf32, #tpu.memory_space<vmem>>
    %dma_start3A_34 = tpu.memref_squeeze %dma_start3A_33 : memref<1x128x16xf32, #tpu.memory_space<vmem>> -> memref<128x16xf32, #tpu.memory_space<vmem>>
    %dma_start3A_35 = arith.constant 0 : i32
    %dma_start3A_36 = tpu.memref_slice %arg6[%dma_start3A_29, %dma_start3A_35] : memref<84x128xi32, #tpu.memory_space<vmem>> -> memref<1x128xi32, #tpu.memory_space<vmem>>
    %dma_start3A_37 = tpu.memref_squeeze %dma_start3A_36 : memref<1x128xi32, #tpu.memory_space<vmem>> -> memref<128xi32, #tpu.memory_space<vmem>>
    %dma_start3A_38 = arith.constant 0 : i32
    %dma_start3A_39 = arith.constant 0 : i32
    %dma_start3A_40 = tpu.memref_slice %arg2[%dma_start3A_38, %dma_start3A_39] : memref<10000x16xf32, #tpu.memory_space<hbm>> -> memref<10000x16xf32, #tpu.memory_space<hbm>>
    tpu.enqueue_indirect_dma source(%dma_start3A_40 : memref<10000x16xf32, #tpu.memory_space<hbm>>) target(%dma_start3A_34 : memref<128x16xf32, #tpu.memory_space<vmem>>) offsets(%dma_start3A_37 : memref<128xi32, #tpu.memory_space<vmem>>) semaphore(%arg11 : memref<!tpu.dma_semaphore, #tpu.memory_space<semaphore_mem>>)
    %dma_start3A_41 = arith.constant 3 : i32
    %dma_start3A_42 = arith.constant 3 : i32
    %dma_start3A_43 = arith.constant 0 : i32
    %dma_start3A_44 = arith.constant 0 : i32
    %dma_start3A_45 = tpu.memref_slice %arg8[%dma_start3A_42, %dma_start3A_43, %dma_start3A_44] : memref<8x128x16xf32, #tpu.memory_space<vmem>> -> memref<1x128x16xf32, #tpu.memory_space<vmem>>
    %dma_start3A_46 = tpu.memref_squeeze %dma_start3A_45 : memref<1x128x16xf32, #tpu.memory_space<vmem>> -> memref<128x16xf32, #tpu.memory_space<vmem>>
    %dma_start3A_47 = arith.constant 0 : i32
    %dma_start3A_48 = tpu.memref_slice %arg6[%dma_start3A_41, %dma_start3A_47] : memref<84x128xi32, #tpu.memory_space<vmem>> -> memref<1x128xi32, #tpu.memory_space<vmem>>
    %dma_start3A_49 = tpu.memref_squeeze %dma_start3A_48 : memref<1x128xi32, #tpu.memory_space<vmem>> -> memref<128xi32, #tpu.memory_space<vmem>>
    %dma_start3A_50 = arith.constant 0 : i32
    %dma_start3A_51 = arith.constant 0 : i32
    %dma_start3A_52 = tpu.memref_slice %arg2[%dma_start3A_50, %dma_start3A_51] : memref<10000x16xf32, #tpu.memory_space<hbm>> -> memref<10000x16xf32, #tpu.memory_space<hbm>>
    tpu.enqueue_indirect_dma source(%dma_start3A_52 : memref<10000x16xf32, #tpu.memory_space<hbm>>) target(%dma_start3A_46 : memref<128x16xf32, #tpu.memory_space<vmem>>) offsets(%dma_start3A_49 : memref<128xi32, #tpu.memory_space<vmem>>) semaphore(%arg11 : memref<!tpu.dma_semaphore, #tpu.memory_space<semaphore_mem>>)
    %scan3A_53 = arith.constant 0 : i32
    %scan3A_54 = arith.constant 0 : i32
    %scan3A_55 = arith.constant 10 : i32
    %scan3A_56 = arith.addi %scan3A_54, %scan3A_55 : i32
    %scan3A_57 = arith.constant 1 : i32
    scf.for %scan3A_111 = %scan3A_54 to %scan3A_56 step %scan3A_57  : i32 {
      %mul3A_112 = arith.constant 8 : i32
      %mul3A_113 = arith.muli %mul3A_112, %scan3A_111 : i32
      %add3A = arith.constant 0 : i32
      %add3A_114 = arith.addi %mul3A_113, %add3A : i32
      %dma_wait3A_115 = arith.constant 0 : i32
      %dma_wait3A_116 = arith.constant 0 : i32
      %dma_wait3A_117 = arith.constant 0 : i32
      %dma_wait3A_118 = tpu.memref_slice %arg8[%dma_wait3A_115, %dma_wait3A_116, %dma_wait3A_117] : memref<8x128x16xf32, #tpu.memory_space<vmem>> -> memref<1x128x16xf32, #tpu.memory_space<vmem>>
      %dma_wait3A_119 = tpu.memref_squeeze %dma_wait3A_118 : memref<1x128x16xf32, #tpu.memory_space<vmem>> -> memref<128x16xf32, #tpu.memory_space<vmem>>
      %dma_wait3A_120 = arith.constant 0 : i32
      %dma_wait3A_121 = tpu.memref_slice %arg6[%add3A_114, %dma_wait3A_120] : memref<84x128xi32, #tpu.memory_space<vmem>> -> memref<1x128xi32, #tpu.memory_space<vmem>>
      %dma_wait3A_122 = tpu.memref_squeeze %dma_wait3A_121 : memref<1x128xi32, #tpu.memory_space<vmem>> -> memref<128xi32, #tpu.memory_space<vmem>>
      %dma_wait3A_123 = arith.constant 0 : i32
      %dma_wait3A_124 = arith.constant 0 : i32
      %dma_wait3A_125 = tpu.memref_slice %arg2[%dma_wait3A_123, %dma_wait3A_124] : memref<10000x16xf32, #tpu.memory_space<hbm>> -> memref<10000x16xf32, #tpu.memory_space<hbm>>
      tpu.wait_indirect_dma semaphore(%arg11 : memref<!tpu.dma_semaphore, #tpu.memory_space<semaphore_mem>>) src(%dma_wait3A_125 : memref<10000x16xf32, #tpu.memory_space<hbm>>) dst(%dma_wait3A_119 : memref<128x16xf32, #tpu.memory_space<vmem>>)
      %add3A_126 = arith.constant 4 : i32
      %add3A_127 = arith.addi %mul3A_113, %add3A_126 : i32
      %add3A_128 = arith.constant 0 : i32
      %add3A_129 = arith.addi %add3A_127, %add3A_128 : i32
      %dma_start3A_130 = arith.constant 4 : i32
      %dma_start3A_131 = arith.constant 0 : i32
      %dma_start3A_132 = arith.constant 0 : i32
      %dma_start3A_133 = tpu.memref_slice %arg8[%dma_start3A_130, %dma_start3A_131, %dma_start3A_132] : memref<8x128x16xf32, #tpu.memory_space<vmem>> -> memref<1x128x16xf32, #tpu.memory_space<vmem>>
      %dma_start3A_134 = tpu.memref_squeeze %dma_start3A_133 : memref<1x128x16xf32, #tpu.memory_space<vmem>> -> memref<128x16xf32, #tpu.memory_space<vmem>>
      %dma_start3A_135 = arith.constant 0 : i32
      %dma_start3A_136 = tpu.memref_slice %arg6[%add3A_129, %dma_start3A_135] : memref<84x128xi32, #tpu.memory_space<vmem>> -> memref<1x128xi32, #tpu.memory_space<vmem>>
      %dma_start3A_137 = tpu.memref_squeeze %dma_start3A_136 : memref<1x128xi32, #tpu.memory_space<vmem>> -> memref<128xi32, #tpu.memory_space<vmem>>
      %dma_start3A_138 = arith.constant 0 : i32
      %dma_start3A_139 = arith.constant 0 : i32
      %dma_start3A_140 = tpu.memref_slice %arg2[%dma_start3A_138, %dma_start3A_139] : memref<10000x16xf32, #tpu.memory_space<hbm>> -> memref<10000x16xf32, #tpu.memory_space<hbm>>
      tpu.enqueue_indirect_dma source(%dma_start3A_140 : memref<10000x16xf32, #tpu.memory_space<hbm>>) target(%dma_start3A_134 : memref<128x16xf32, #tpu.memory_space<vmem>>) offsets(%dma_start3A_137 : memref<128xi32, #tpu.memory_space<vmem>>) semaphore(%arg12 : memref<!tpu.dma_semaphore, #tpu.memory_space<semaphore_mem>>)
      %add3A_141 = arith.constant 1 : i32
      %add3A_142 = arith.addi %mul3A_113, %add3A_141 : i32
      %dma_wait3A_143 = arith.constant 1 : i32
      %dma_wait3A_144 = arith.constant 0 : i32
      %dma_wait3A_145 = arith.constant 0 : i32
      %dma_wait3A_146 = tpu.memref_slice %arg8[%dma_wait3A_143, %dma_wait3A_144, %dma_wait3A_145] : memref<8x128x16xf32, #tpu.memory_space<vmem>> -> memref<1x128x16xf32, #tpu.memory_space<vmem>>
      %dma_wait3A_147 = tpu.memref_squeeze %dma_wait3A_146 : memref<1x128x16xf32, #tpu.memory_space<vmem>> -> memref<128x16xf32, #tpu.memory_space<vmem>>
      %dma_wait3A_148 = arith.constant 0 : i32
      %dma_wait3A_149 = tpu.memref_slice %arg6[%add3A_142, %dma_wait3A_148] : memref<84x128xi32, #tpu.memory_space<vmem>> -> memref<1x128xi32, #tpu.memory_space<vmem>>
      %dma_wait3A_150 = tpu.memref_squeeze %dma_wait3A_149 : memref<1x128xi32, #tpu.memory_space<vmem>> -> memref<128xi32, #tpu.memory_space<vmem>>
      %dma_wait3A_151 = arith.constant 0 : i32
      %dma_wait3A_152 = arith.constant 0 : i32
      %dma_wait3A_153 = tpu.memref_slice %arg2[%dma_wait3A_151, %dma_wait3A_152] : memref<10000x16xf32, #tpu.memory_space<hbm>> -> memref<10000x16xf32, #tpu.memory_space<hbm>>
      tpu.wait_indirect_dma semaphore(%arg11 : memref<!tpu.dma_semaphore, #tpu.memory_space<semaphore_mem>>) src(%dma_wait3A_153 : memref<10000x16xf32, #tpu.memory_space<hbm>>) dst(%dma_wait3A_147 : memref<128x16xf32, #tpu.memory_space<vmem>>)
      %add3A_154 = arith.constant 4 : i32
      %add3A_155 = arith.addi %mul3A_113, %add3A_154 : i32
      %add3A_156 = arith.constant 1 : i32
      %add3A_157 = arith.addi %add3A_155, %add3A_156 : i32
      %dma_start3A_158 = arith.constant 5 : i32
      %dma_start3A_159 = arith.constant 0 : i32
      %dma_start3A_160 = arith.constant 0 : i32
      %dma_start3A_161 = tpu.memref_slice %arg8[%dma_start3A_158, %dma_start3A_159, %dma_start3A_160] : memref<8x128x16xf32, #tpu.memory_space<vmem>> -> memref<1x128x16xf32, #tpu.memory_space<vmem>>
      %dma_start3A_162 = tpu.memref_squeeze %dma_start3A_161 : memref<1x128x16xf32, #tpu.memory_space<vmem>> -> memref<128x16xf32, #tpu.memory_space<vmem>>
      %dma_start3A_163 = arith.constant 0 : i32
      %dma_start3A_164 = tpu.memref_slice %arg6[%add3A_157, %dma_start3A_163] : memref<84x128xi32, #tpu.memory_space<vmem>> -> memref<1x128xi32, #tpu.memory_space<vmem>>
      %dma_start3A_165 = tpu.memref_squeeze %dma_start3A_164 : memref<1x128xi32, #tpu.memory_space<vmem>> -> memref<128xi32, #tpu.memory_space<vmem>>
      %dma_start3A_166 = arith.constant 0 : i32
      %dma_start3A_167 = arith.constant 0 : i32
      %dma_start3A_168 = tpu.memref_slice %arg2[%dma_start3A_166, %dma_start3A_167] : memref<10000x16xf32, #tpu.memory_space<hbm>> -> memref<10000x16xf32, #tpu.memory_space<hbm>>
      tpu.enqueue_indirect_dma source(%dma_start3A_168 : memref<10000x16xf32, #tpu.memory_space<hbm>>) target(%dma_start3A_162 : memref<128x16xf32, #tpu.memory_space<vmem>>) offsets(%dma_start3A_165 : memref<128xi32, #tpu.memory_space<vmem>>) semaphore(%arg12 : memref<!tpu.dma_semaphore, #tpu.memory_space<semaphore_mem>>)
      %add3A_169 = arith.constant 2 : i32
      %add3A_170 = arith.addi %mul3A_113, %add3A_169 : i32
      %dma_wait3A_171 = arith.constant 2 : i32
      %dma_wait3A_172 = arith.constant 0 : i32
      %dma_wait3A_173 = arith.constant 0 : i32
      %dma_wait3A_174 = tpu.memref_slice %arg8[%dma_wait3A_171, %dma_wait3A_172, %dma_wait3A_173] : memref<8x128x16xf32, #tpu.memory_space<vmem>> -> memref<1x128x16xf32, #tpu.memory_space<vmem>>
      %dma_wait3A_175 = tpu.memref_squeeze %dma_wait3A_174 : memref<1x128x16xf32, #tpu.memory_space<vmem>> -> memref<128x16xf32, #tpu.memory_space<vmem>>
      %dma_wait3A_176 = arith.constant 0 : i32
      %dma_wait3A_177 = tpu.memref_slice %arg6[%add3A_170, %dma_wait3A_176] : memref<84x128xi32, #tpu.memory_space<vmem>> -> memref<1x128xi32, #tpu.memory_space<vmem>>
      %dma_wait3A_178 = tpu.memref_squeeze %dma_wait3A_177 : memref<1x128xi32, #tpu.memory_space<vmem>> -> memref<128xi32, #tpu.memory_space<vmem>>
      %dma_wait3A_179 = arith.constant 0 : i32
      %dma_wait3A_180 = arith.constant 0 : i32
      %dma_wait3A_181 = tpu.memref_slice %arg2[%dma_wait3A_179, %dma_wait3A_180] : memref<10000x16xf32, #tpu.memory_space<hbm>> -> memref<10000x16xf32, #tpu.memory_space<hbm>>
      tpu.wait_indirect_dma semaphore(%arg11 : memref<!tpu.dma_semaphore, #tpu.memory_space<semaphore_mem>>) src(%dma_wait3A_181 : memref<10000x16xf32, #tpu.memory_space<hbm>>) dst(%dma_wait3A_175 : memref<128x16xf32, #tpu.memory_space<vmem>>)
      %add3A_182 = arith.constant 4 : i32
      %add3A_183 = arith.addi %mul3A_113, %add3A_182 : i32
      %add3A_184 = arith.constant 2 : i32
      %add3A_185 = arith.addi %add3A_183, %add3A_184 : i32
      %dma_start3A_186 = arith.constant 6 : i32
      %dma_start3A_187 = arith.constant 0 : i32
      %dma_start3A_188 = arith.constant 0 : i32
      %dma_start3A_189 = tpu.memref_slice %arg8[%dma_start3A_186, %dma_start3A_187, %dma_start3A_188] : memref<8x128x16xf32, #tpu.memory_space<vmem>> -> memref<1x128x16xf32, #tpu.memory_space<vmem>>
      %dma_start3A_190 = tpu.memref_squeeze %dma_start3A_189 : memref<1x128x16xf32, #tpu.memory_space<vmem>> -> memref<128x16xf32, #tpu.memory_space<vmem>>
      %dma_start3A_191 = arith.constant 0 : i32
      %dma_start3A_192 = tpu.memref_slice %arg6[%add3A_185, %dma_start3A_191] : memref<84x128xi32, #tpu.memory_space<vmem>> -> memref<1x128xi32, #tpu.memory_space<vmem>>
      %dma_start3A_193 = tpu.memref_squeeze %dma_start3A_192 : memref<1x128xi32, #tpu.memory_space<vmem>> -> memref<128xi32, #tpu.memory_space<vmem>>
      %dma_start3A_194 = arith.constant 0 : i32
      %dma_start3A_195 = arith.constant 0 : i32
      %dma_start3A_196 = tpu.memref_slice %arg2[%dma_start3A_194, %dma_start3A_195] : memref<10000x16xf32, #tpu.memory_space<hbm>> -> memref<10000x16xf32, #tpu.memory_space<hbm>>
      tpu.enqueue_indirect_dma source(%dma_start3A_196 : memref<10000x16xf32, #tpu.memory_space<hbm>>) target(%dma_start3A_190 : memref<128x16xf32, #tpu.memory_space<vmem>>) offsets(%dma_start3A_193 : memref<128xi32, #tpu.memory_space<vmem>>) semaphore(%arg12 : memref<!tpu.dma_semaphore, #tpu.memory_space<semaphore_mem>>)
      %add3A_197 = arith.constant 3 : i32
      %add3A_198 = arith.addi %mul3A_113, %add3A_197 : i32
      %dma_wait3A_199 = arith.constant 3 : i32
      %dma_wait3A_200 = arith.constant 0 : i32
      %dma_wait3A_201 = arith.constant 0 : i32
      %dma_wait3A_202 = tpu.memref_slice %arg8[%dma_wait3A_199, %dma_wait3A_200, %dma_wait3A_201] : memref<8x128x16xf32, #tpu.memory_space<vmem>> -> memref<1x128x16xf32, #tpu.memory_space<vmem>>
      %dma_wait3A_203 = tpu.memref_squeeze %dma_wait3A_202 : memref<1x128x16xf32, #tpu.memory_space<vmem>> -> memref<128x16xf32, #tpu.memory_space<vmem>>
      %dma_wait3A_204 = arith.constant 0 : i32
      %dma_wait3A_205 = tpu.memref_slice %arg6[%add3A_198, %dma_wait3A_204] : memref<84x128xi32, #tpu.memory_space<vmem>> -> memref<1x128xi32, #tpu.memory_space<vmem>>
      %dma_wait3A_206 = tpu.memref_squeeze %dma_wait3A_205 : memref<1x128xi32, #tpu.memory_space<vmem>> -> memref<128xi32, #tpu.memory_space<vmem>>
      %dma_wait3A_207 = arith.constant 0 : i32
      %dma_wait3A_208 = arith.constant 0 : i32
      %dma_wait3A_209 = tpu.memref_slice %arg2[%dma_wait3A_207, %dma_wait3A_208] : memref<10000x16xf32, #tpu.memory_space<hbm>> -> memref<10000x16xf32, #tpu.memory_space<hbm>>
      tpu.wait_indirect_dma semaphore(%arg11 : memref<!tpu.dma_semaphore, #tpu.memory_space<semaphore_mem>>) src(%dma_wait3A_209 : memref<10000x16xf32, #tpu.memory_space<hbm>>) dst(%dma_wait3A_203 : memref<128x16xf32, #tpu.memory_space<vmem>>)
      %add3A_210 = arith.constant 4 : i32
      %add3A_211 = arith.addi %mul3A_113, %add3A_210 : i32
      %add3A_212 = arith.constant 3 : i32
      %add3A_213 = arith.addi %add3A_211, %add3A_212 : i32
      %dma_start3A_214 = arith.constant 7 : i32
      %dma_start3A_215 = arith.constant 0 : i32
      %dma_start3A_216 = arith.constant 0 : i32
      %dma_start3A_217 = tpu.memref_slice %arg8[%dma_start3A_214, %dma_start3A_215, %dma_start3A_216] : memref<8x128x16xf32, #tpu.memory_space<vmem>> -> memref<1x128x16xf32, #tpu.memory_space<vmem>>
      %dma_start3A_218 = tpu.memref_squeeze %dma_start3A_217 : memref<1x128x16xf32, #tpu.memory_space<vmem>> -> memref<128x16xf32, #tpu.memory_space<vmem>>
      %dma_start3A_219 = arith.constant 0 : i32
      %dma_start3A_220 = tpu.memref_slice %arg6[%add3A_213, %dma_start3A_219] : memref<84x128xi32, #tpu.memory_space<vmem>> -> memref<1x128xi32, #tpu.memory_space<vmem>>
      %dma_start3A_221 = tpu.memref_squeeze %dma_start3A_220 : memref<1x128xi32, #tpu.memory_space<vmem>> -> memref<128xi32, #tpu.memory_space<vmem>>
      %dma_start3A_222 = arith.constant 0 : i32
      %dma_start3A_223 = arith.constant 0 : i32
      %dma_start3A_224 = tpu.memref_slice %arg2[%dma_start3A_222, %dma_start3A_223] : memref<10000x16xf32, #tpu.memory_space<hbm>> -> memref<10000x16xf32, #tpu.memory_space<hbm>>
      tpu.enqueue_indirect_dma source(%dma_start3A_224 : memref<10000x16xf32, #tpu.memory_space<hbm>>) target(%dma_start3A_218 : memref<128x16xf32, #tpu.memory_space<vmem>>) offsets(%dma_start3A_221 : memref<128xi32, #tpu.memory_space<vmem>>) semaphore(%arg12 : memref<!tpu.dma_semaphore, #tpu.memory_space<semaphore_mem>>)
      %add3A_225 = arith.constant 0 : i32
      %add3A_226 = arith.addi %mul3A_113, %add3A_225 : i32
      %run_scoped3A = arith.constant 0 : i32
      "tpu.region"() ({
        %run_scoped3A_364 = tpu.sem_alloc : memref<!tpu.dma_semaphore, #tpu.memory_space<semaphore_mem>>
        %dma_start3A_365 = arith.constant 0 : i32
        %dma_start3A_366 = arith.constant 0 : i32
        %dma_start3A_367 = tpu.memref_slice %arg8[%run_scoped3A, %dma_start3A_365, %dma_start3A_366] : memref<8x128x16xf32, #tpu.memory_space<vmem>> -> memref<1x128x16xf32, #tpu.memory_space<vmem>>
        %dma_start3A_368 = tpu.memref_squeeze %dma_start3A_367 : memref<1x128x16xf32, #tpu.memory_space<vmem>> -> memref<128x16xf32, #tpu.memory_space<vmem>>
        %dma_start3A_369 = arith.constant 0 : i32
        %dma_start3A_370 = tpu.memref_slice %arg7[%add3A_226, %dma_start3A_369] : memref<84x128xi32, #tpu.memory_space<vmem>> -> memref<1x128xi32, #tpu.memory_space<vmem>>
        %dma_start3A_371 = tpu.memref_squeeze %dma_start3A_370 : memref<1x128xi32, #tpu.memory_space<vmem>> -> memref<128xi32, #tpu.memory_space<vmem>>
        %dma_start3A_372 = arith.constant 0 : i32
        %dma_start3A_373 = arith.constant 0 : i32
        %dma_start3A_374 = tpu.memref_slice %arg10[%dma_start3A_372, %dma_start3A_373] : memref<10112x16xf32, #tpu.memory_space<vmem_shared>> -> memref<10112x16xf32, #tpu.memory_space<vmem_shared>>
        tpu.enqueue_indirect_dma source(%dma_start3A_368 : memref<128x16xf32, #tpu.memory_space<vmem>>) target(%dma_start3A_374 : memref<10112x16xf32, #tpu.memory_space<vmem_shared>>) offsets(%dma_start3A_371 : memref<128xi32, #tpu.memory_space<vmem>>) semaphore(%run_scoped3A_364 : memref<!tpu.dma_semaphore, #tpu.memory_space<semaphore_mem>>) {add = true}
        %dma_wait3A_375 = arith.constant 0 : i32
        %dma_wait3A_376 = arith.constant 0 : i32
        %dma_wait3A_377 = tpu.memref_slice %arg8[%run_scoped3A, %dma_wait3A_375, %dma_wait3A_376] : memref<8x128x16xf32, #tpu.memory_space<vmem>> -> memref<1x128x16xf32, #tpu.memory_space<vmem>>
        %dma_wait3A_378 = tpu.memref_squeeze %dma_wait3A_377 : memref<1x128x16xf32, #tpu.memory_space<vmem>> -> memref<128x16xf32, #tpu.memory_space<vmem>>
        %dma_wait3A_379 = arith.constant 0 : i32
        %dma_wait3A_380 = tpu.memref_slice %arg7[%add3A_226, %dma_wait3A_379] : memref<84x128xi32, #tpu.memory_space<vmem>> -> memref<1x128xi32, #tpu.memory_space<vmem>>
        %dma_wait3A_381 = tpu.memref_squeeze %dma_wait3A_380 : memref<1x128xi32, #tpu.memory_space<vmem>> -> memref<128xi32, #tpu.memory_space<vmem>>
        %dma_wait3A_382 = arith.constant 0 : i32
        %dma_wait3A_383 = arith.constant 0 : i32
        %dma_wait3A_384 = tpu.memref_slice %arg10[%dma_wait3A_382, %dma_wait3A_383] : memref<10112x16xf32, #tpu.memory_space<vmem_shared>> -> memref<10112x16xf32, #tpu.memory_space<vmem_shared>>
        tpu.wait_indirect_dma semaphore(%run_scoped3A_364 : memref<!tpu.dma_semaphore, #tpu.memory_space<semaphore_mem>>) src(%dma_wait3A_378 : memref<128x16xf32, #tpu.memory_space<vmem>>) dst(%dma_wait3A_384 : memref<10112x16xf32, #tpu.memory_space<vmem_shared>>)
        tpu.yield
      }) : () -> ()
      %add3A_227 = arith.constant 1 : i32
      %add3A_228 = arith.addi %mul3A_113, %add3A_227 : i32
      %run_scoped3A_229 = arith.constant 1 : i32
      "tpu.region"() ({
        %run_scoped3A_364 = tpu.sem_alloc : memref<!tpu.dma_semaphore, #tpu.memory_space<semaphore_mem>>
        %dma_start3A_365 = arith.constant 0 : i32
        %dma_start3A_366 = arith.constant 0 : i32
        %dma_start3A_367 = tpu.memref_slice %arg8[%run_scoped3A_229, %dma_start3A_365, %dma_start3A_366] : memref<8x128x16xf32, #tpu.memory_space<vmem>> -> memref<1x128x16xf32, #tpu.memory_space<vmem>>
        %dma_start3A_368 = tpu.memref_squeeze %dma_start3A_367 : memref<1x128x16xf32, #tpu.memory_space<vmem>> -> memref<128x16xf32, #tpu.memory_space<vmem>>
        %dma_start3A_369 = arith.constant 0 : i32
        %dma_start3A_370 = tpu.memref_slice %arg7[%add3A_228, %dma_start3A_369] : memref<84x128xi32, #tpu.memory_space<vmem>> -> memref<1x128xi32, #tpu.memory_space<vmem>>
        %dma_start3A_371 = tpu.memref_squeeze %dma_start3A_370 : memref<1x128xi32, #tpu.memory_space<vmem>> -> memref<128xi32, #tpu.memory_space<vmem>>
        %dma_start3A_372 = arith.constant 0 : i32
        %dma_start3A_373 = arith.constant 0 : i32
        %dma_start3A_374 = tpu.memref_slice %arg10[%dma_start3A_372, %dma_start3A_373] : memref<10112x16xf32, #tpu.memory_space<vmem_shared>> -> memref<10112x16xf32, #tpu.memory_space<vmem_shared>>
        tpu.enqueue_indirect_dma source(%dma_start3A_368 : memref<128x16xf32, #tpu.memory_space<vmem>>) target(%dma_start3A_374 : memref<10112x16xf32, #tpu.memory_space<vmem_shared>>) offsets(%dma_start3A_371 : memref<128xi32, #tpu.memory_space<vmem>>) semaphore(%run_scoped3A_364 : memref<!tpu.dma_semaphore, #tpu.memory_space<semaphore_mem>>) {add = true}
        %dma_wait3A_375 = arith.constant 0 : i32
        %dma_wait3A_376 = arith.constant 0 : i32
        %dma_wait3A_377 = tpu.memref_slice %arg8[%run_scoped3A_229, %dma_wait3A_375, %dma_wait3A_376] : memref<8x128x16xf32, #tpu.memory_space<vmem>> -> memref<1x128x16xf32, #tpu.memory_space<vmem>>
        %dma_wait3A_378 = tpu.memref_squeeze %dma_wait3A_377 : memref<1x128x16xf32, #tpu.memory_space<vmem>> -> memref<128x16xf32, #tpu.memory_space<vmem>>
        %dma_wait3A_379 = arith.constant 0 : i32
        %dma_wait3A_380 = tpu.memref_slice %arg7[%add3A_228, %dma_wait3A_379] : memref<84x128xi32, #tpu.memory_space<vmem>> -> memref<1x128xi32, #tpu.memory_space<vmem>>
        %dma_wait3A_381 = tpu.memref_squeeze %dma_wait3A_380 : memref<1x128xi32, #tpu.memory_space<vmem>> -> memref<128xi32, #tpu.memory_space<vmem>>
        %dma_wait3A_382 = arith.constant 0 : i32
        %dma_wait3A_383 = arith.constant 0 : i32
        %dma_wait3A_384 = tpu.memref_slice %arg10[%dma_wait3A_382, %dma_wait3A_383] : memref<10112x16xf32, #tpu.memory_space<vmem_shared>> -> memref<10112x16xf32, #tpu.memory_space<vmem_shared>>
        tpu.wait_indirect_dma semaphore(%run_scoped3A_364 : memref<!tpu.dma_semaphore, #tpu.memory_space<semaphore_mem>>) src(%dma_wait3A_378 : memref<128x16xf32, #tpu.memory_space<vmem>>) dst(%dma_wait3A_384 : memref<10112x16xf32, #tpu.memory_space<vmem_shared>>)
        tpu.yield
      }) : () -> ()
      %add3A_230 = arith.constant 2 : i32
      %add3A_231 = arith.addi %mul3A_113, %add3A_230 : i32
      %run_scoped3A_232 = arith.constant 2 : i32
      "tpu.region"() ({
        %run_scoped3A_364 = tpu.sem_alloc : memref<!tpu.dma_semaphore, #tpu.memory_space<semaphore_mem>>
        %dma_start3A_365 = arith.constant 0 : i32
        %dma_start3A_366 = arith.constant 0 : i32
        %dma_start3A_367 = tpu.memref_slice %arg8[%run_scoped3A_232, %dma_start3A_365, %dma_start3A_366] : memref<8x128x16xf32, #tpu.memory_space<vmem>> -> memref<1x128x16xf32, #tpu.memory_space<vmem>>
        %dma_start3A_368 = tpu.memref_squeeze %dma_start3A_367 : memref<1x128x16xf32, #tpu.memory_space<vmem>> -> memref<128x16xf32, #tpu.memory_space<vmem>>
        %dma_start3A_369 = arith.constant 0 : i32
        %dma_start3A_370 = tpu.memref_slice %arg7[%add3A_231, %dma_start3A_369] : memref<84x128xi32, #tpu.memory_space<vmem>> -> memref<1x128xi32, #tpu.memory_space<vmem>>
        %dma_start3A_371 = tpu.memref_squeeze %dma_start3A_370 : memref<1x128xi32, #tpu.memory_space<vmem>> -> memref<128xi32, #tpu.memory_space<vmem>>
        %dma_start3A_372 = arith.constant 0 : i32
        %dma_start3A_373 = arith.constant 0 : i32
        %dma_start3A_374 = tpu.memref_slice %arg10[%dma_start3A_372, %dma_start3A_373] : memref<10112x16xf32, #tpu.memory_space<vmem_shared>> -> memref<10112x16xf32, #tpu.memory_space<vmem_shared>>
        tpu.enqueue_indirect_dma source(%dma_start3A_368 : memref<128x16xf32, #tpu.memory_space<vmem>>) target(%dma_start3A_374 : memref<10112x16xf32, #tpu.memory_space<vmem_shared>>) offsets(%dma_start3A_371 : memref<128xi32, #tpu.memory_space<vmem>>) semaphore(%run_scoped3A_364 : memref<!tpu.dma_semaphore, #tpu.memory_space<semaphore_mem>>) {add = true}
        %dma_wait3A_375 = arith.constant 0 : i32
        %dma_wait3A_376 = arith.constant 0 : i32
        %dma_wait3A_377 = tpu.memref_slice %arg8[%run_scoped3A_232, %dma_wait3A_375, %dma_wait3A_376] : memref<8x128x16xf32, #tpu.memory_space<vmem>> -> memref<1x128x16xf32, #tpu.memory_space<vmem>>
        %dma_wait3A_378 = tpu.memref_squeeze %dma_wait3A_377 : memref<1x128x16xf32, #tpu.memory_space<vmem>> -> memref<128x16xf32, #tpu.memory_space<vmem>>
        %dma_wait3A_379 = arith.constant 0 : i32
        %dma_wait3A_380 = tpu.memref_slice %arg7[%add3A_231, %dma_wait3A_379] : memref<84x128xi32, #tpu.memory_space<vmem>> -> memref<1x128xi32, #tpu.memory_space<vmem>>
        %dma_wait3A_381 = tpu.memref_squeeze %dma_wait3A_380 : memref<1x128xi32, #tpu.memory_space<vmem>> -> memref<128xi32, #tpu.memory_space<vmem>>
        %dma_wait3A_382 = arith.constant 0 : i32
        %dma_wait3A_383 = arith.constant 0 : i32
        %dma_wait3A_384 = tpu.memref_slice %arg10[%dma_wait3A_382, %dma_wait3A_383] : memref<10112x16xf32, #tpu.memory_space<vmem_shared>> -> memref<10112x16xf32, #tpu.memory_space<vmem_shared>>
        tpu.wait_indirect_dma semaphore(%run_scoped3A_364 : memref<!tpu.dma_semaphore, #tpu.memory_space<semaphore_mem>>) src(%dma_wait3A_378 : memref<128x16xf32, #tpu.memory_space<vmem>>) dst(%dma_wait3A_384 : memref<10112x16xf32, #tpu.memory_space<vmem_shared>>)
        tpu.yield
      }) : () -> ()
      %add3A_233 = arith.constant 3 : i32
      %add3A_234 = arith.addi %mul3A_113, %add3A_233 : i32
      %run_scoped3A_235 = arith.constant 3 : i32
      "tpu.region"() ({
        %run_scoped3A_364 = tpu.sem_alloc : memref<!tpu.dma_semaphore, #tpu.memory_space<semaphore_mem>>
        %dma_start3A_365 = arith.constant 0 : i32
        %dma_start3A_366 = arith.constant 0 : i32
        %dma_start3A_367 = tpu.memref_slice %arg8[%run_scoped3A_235, %dma_start3A_365, %dma_start3A_366] : memref<8x128x16xf32, #tpu.memory_space<vmem>> -> memref<1x128x16xf32, #tpu.memory_space<vmem>>
        %dma_start3A_368 = tpu.memref_squeeze %dma_start3A_367 : memref<1x128x16xf32, #tpu.memory_space<vmem>> -> memref<128x16xf32, #tpu.memory_space<vmem>>
        %dma_start3A_369 = arith.constant 0 : i32
        %dma_start3A_370 = tpu.memref_slice %arg7[%add3A_234, %dma_start3A_369] : memref<84x128xi32, #tpu.memory_space<vmem>> -> memref<1x128xi32, #tpu.memory_space<vmem>>
        %dma_start3A_371 = tpu.memref_squeeze %dma_start3A_370 : memref<1x128xi32, #tpu.memory_space<vmem>> -> memref<128xi32, #tpu.memory_space<vmem>>
        %dma_start3A_372 = arith.constant 0 : i32
        %dma_start3A_373 = arith.constant 0 : i32
        %dma_start3A_374 = tpu.memref_slice %arg10[%dma_start3A_372, %dma_start3A_373] : memref<10112x16xf32, #tpu.memory_space<vmem_shared>> -> memref<10112x16xf32, #tpu.memory_space<vmem_shared>>
        tpu.enqueue_indirect_dma source(%dma_start3A_368 : memref<128x16xf32, #tpu.memory_space<vmem>>) target(%dma_start3A_374 : memref<10112x16xf32, #tpu.memory_space<vmem_shared>>) offsets(%dma_start3A_371 : memref<128xi32, #tpu.memory_space<vmem>>) semaphore(%run_scoped3A_364 : memref<!tpu.dma_semaphore, #tpu.memory_space<semaphore_mem>>) {add = true}
        %dma_wait3A_375 = arith.constant 0 : i32
        %dma_wait3A_376 = arith.constant 0 : i32
        %dma_wait3A_377 = tpu.memref_slice %arg8[%run_scoped3A_235, %dma_wait3A_375, %dma_wait3A_376] : memref<8x128x16xf32, #tpu.memory_space<vmem>> -> memref<1x128x16xf32, #tpu.memory_space<vmem>>
        %dma_wait3A_378 = tpu.memref_squeeze %dma_wait3A_377 : memref<1x128x16xf32, #tpu.memory_space<vmem>> -> memref<128x16xf32, #tpu.memory_space<vmem>>
        %dma_wait3A_379 = arith.constant 0 : i32
        %dma_wait3A_380 = tpu.memref_slice %arg7[%add3A_234, %dma_wait3A_379] : memref<84x128xi32, #tpu.memory_space<vmem>> -> memref<1x128xi32, #tpu.memory_space<vmem>>
        %dma_wait3A_381 = tpu.memref_squeeze %dma_wait3A_380 : memref<1x128xi32, #tpu.memory_space<vmem>> -> memref<128xi32, #tpu.memory_space<vmem>>
        %dma_wait3A_382 = arith.constant 0 : i32
        %dma_wait3A_383 = arith.constant 0 : i32
        %dma_wait3A_384 = tpu.memref_slice %arg10[%dma_wait3A_382, %dma_wait3A_383] : memref<10112x16xf32, #tpu.memory_space<vmem_shared>> -> memref<10112x16xf32, #tpu.memory_space<vmem_shared>>
        tpu.wait_indirect_dma semaphore(%run_scoped3A_364 : memref<!tpu.dma_semaphore, #tpu.memory_space<semaphore_mem>>) src(%dma_wait3A_378 : memref<128x16xf32, #tpu.memory_space<vmem>>) dst(%dma_wait3A_384 : memref<10112x16xf32, #tpu.memory_space<vmem_shared>>)
        tpu.yield
      }) : () -> ()
      %mul3A_236 = arith.constant 8 : i32
      %mul3A_237 = arith.muli %mul3A_236, %scan3A_111 : i32
      %add3A_238 = arith.constant 4 : i32
      %add3A_239 = arith.addi %mul3A_237, %add3A_238 : i32
      %add3A_240 = arith.constant 0 : i32
      %add3A_241 = arith.addi %add3A_239, %add3A_240 : i32
      %dma_wait3A_242 = arith.constant 4 : i32
      %dma_wait3A_243 = arith.constant 0 : i32
      %dma_wait3A_244 = arith.constant 0 : i32
      %dma_wait3A_245 = tpu.memref_slice %arg8[%dma_wait3A_242, %dma_wait3A_243, %dma_wait3A_244] : memref<8x128x16xf32, #tpu.memory_space<vmem>> -> memref<1x128x16xf32, #tpu.memory_space<vmem>>
      %dma_wait3A_246 = tpu.memref_squeeze %dma_wait3A_245 : memref<1x128x16xf32, #tpu.memory_space<vmem>> -> memref<128x16xf32, #tpu.memory_space<vmem>>
      %dma_wait3A_247 = arith.constant 0 : i32
      %dma_wait3A_248 = tpu.memref_slice %arg6[%add3A_241, %dma_wait3A_247] : memref<84x128xi32, #tpu.memory_space<vmem>> -> memref<1x128xi32, #tpu.memory_space<vmem>>
      %dma_wait3A_249 = tpu.memref_squeeze %dma_wait3A_248 : memref<1x128xi32, #tpu.memory_space<vmem>> -> memref<128xi32, #tpu.memory_space<vmem>>
      %dma_wait3A_250 = arith.constant 0 : i32
      %dma_wait3A_251 = arith.constant 0 : i32
      %dma_wait3A_252 = tpu.memref_slice %arg2[%dma_wait3A_250, %dma_wait3A_251] : memref<10000x16xf32, #tpu.memory_space<hbm>> -> memref<10000x16xf32, #tpu.memory_space<hbm>>
      tpu.wait_indirect_dma semaphore(%arg12 : memref<!tpu.dma_semaphore, #tpu.memory_space<semaphore_mem>>) src(%dma_wait3A_252 : memref<10000x16xf32, #tpu.memory_space<hbm>>) dst(%dma_wait3A_246 : memref<128x16xf32, #tpu.memory_space<vmem>>)
      %add3A_253 = arith.constant 4 : i32
      %add3A_254 = arith.addi %add3A_239, %add3A_253 : i32
      %add3A_255 = arith.constant 0 : i32
      %add3A_256 = arith.addi %add3A_254, %add3A_255 : i32
      %dma_start3A_257 = arith.constant 0 : i32
      %dma_start3A_258 = arith.constant 0 : i32
      %dma_start3A_259 = arith.constant 0 : i32
      %dma_start3A_260 = tpu.memref_slice %arg8[%dma_start3A_257, %dma_start3A_258, %dma_start3A_259] : memref<8x128x16xf32, #tpu.memory_space<vmem>> -> memref<1x128x16xf32, #tpu.memory_space<vmem>>
      %dma_start3A_261 = tpu.memref_squeeze %dma_start3A_260 : memref<1x128x16xf32, #tpu.memory_space<vmem>> -> memref<128x16xf32, #tpu.memory_space<vmem>>
      %dma_start3A_262 = arith.constant 0 : i32
      %dma_start3A_263 = tpu.memref_slice %arg6[%add3A_256, %dma_start3A_262] : memref<84x128xi32, #tpu.memory_space<vmem>> -> memref<1x128xi32, #tpu.memory_space<vmem>>
      %dma_start3A_264 = tpu.memref_squeeze %dma_start3A_263 : memref<1x128xi32, #tpu.memory_space<vmem>> -> memref<128xi32, #tpu.memory_space<vmem>>
      %dma_start3A_265 = arith.constant 0 : i32
      %dma_start3A_266 = arith.constant 0 : i32
      %dma_start3A_267 = tpu.memref_slice %arg2[%dma_start3A_265, %dma_start3A_266] : memref<10000x16xf32, #tpu.memory_space<hbm>> -> memref<10000x16xf32, #tpu.memory_space<hbm>>
      tpu.enqueue_indirect_dma source(%dma_start3A_267 : memref<10000x16xf32, #tpu.memory_space<hbm>>) target(%dma_start3A_261 : memref<128x16xf32, #tpu.memory_space<vmem>>) offsets(%dma_start3A_264 : memref<128xi32, #tpu.memory_space<vmem>>) semaphore(%arg11 : memref<!tpu.dma_semaphore, #tpu.memory_space<semaphore_mem>>)
      %add3A_268 = arith.constant 1 : i32
      %add3A_269 = arith.addi %add3A_239, %add3A_268 : i32
      %dma_wait3A_270 = arith.constant 5 : i32
      %dma_wait3A_271 = arith.constant 0 : i32
      %dma_wait3A_272 = arith.constant 0 : i32
      %dma_wait3A_273 = tpu.memref_slice %arg8[%dma_wait3A_270, %dma_wait3A_271, %dma_wait3A_272] : memref<8x128x16xf32, #tpu.memory_space<vmem>> -> memref<1x128x16xf32, #tpu.memory_space<vmem>>
      %dma_wait3A_274 = tpu.memref_squeeze %dma_wait3A_273 : memref<1x128x16xf32, #tpu.memory_space<vmem>> -> memref<128x16xf32, #tpu.memory_space<vmem>>
      %dma_wait3A_275 = arith.constant 0 : i32
      %dma_wait3A_276 = tpu.memref_slice %arg6[%add3A_269, %dma_wait3A_275] : memref<84x128xi32, #tpu.memory_space<vmem>> -> memref<1x128xi32, #tpu.memory_space<vmem>>
      %dma_wait3A_277 = tpu.memref_squeeze %dma_wait3A_276 : memref<1x128xi32, #tpu.memory_space<vmem>> -> memref<128xi32, #tpu.memory_space<vmem>>
      %dma_wait3A_278 = arith.constant 0 : i32
      %dma_wait3A_279 = arith.constant 0 : i32
      %dma_wait3A_280 = tpu.memref_slice %arg2[%dma_wait3A_278, %dma_wait3A_279] : memref<10000x16xf32, #tpu.memory_space<hbm>> -> memref<10000x16xf32, #tpu.memory_space<hbm>>
      tpu.wait_indirect_dma semaphore(%arg12 : memref<!tpu.dma_semaphore, #tpu.memory_space<semaphore_mem>>) src(%dma_wait3A_280 : memref<10000x16xf32, #tpu.memory_space<hbm>>) dst(%dma_wait3A_274 : memref<128x16xf32, #tpu.memory_space<vmem>>)
      %add3A_281 = arith.constant 4 : i32
      %add3A_282 = arith.addi %add3A_239, %add3A_281 : i32
      %add3A_283 = arith.constant 1 : i32
      %add3A_284 = arith.addi %add3A_282, %add3A_283 : i32
      %dma_start3A_285 = arith.constant 1 : i32
      %dma_start3A_286 = arith.constant 0 : i32
      %dma_start3A_287 = arith.constant 0 : i32
      %dma_start3A_288 = tpu.memref_slice %arg8[%dma_start3A_285, %dma_start3A_286, %dma_start3A_287] : memref<8x128x16xf32, #tpu.memory_space<vmem>> -> memref<1x128x16xf32, #tpu.memory_space<vmem>>
      %dma_start3A_289 = tpu.memref_squeeze %dma_start3A_288 : memref<1x128x16xf32, #tpu.memory_space<vmem>> -> memref<128x16xf32, #tpu.memory_space<vmem>>
      %dma_start3A_290 = arith.constant 0 : i32
      %dma_start3A_291 = tpu.memref_slice %arg6[%add3A_284, %dma_start3A_290] : memref<84x128xi32, #tpu.memory_space<vmem>> -> memref<1x128xi32, #tpu.memory_space<vmem>>
      %dma_start3A_292 = tpu.memref_squeeze %dma_start3A_291 : memref<1x128xi32, #tpu.memory_space<vmem>> -> memref<128xi32, #tpu.memory_space<vmem>>
      %dma_start3A_293 = arith.constant 0 : i32
      %dma_start3A_294 = arith.constant 0 : i32
      %dma_start3A_295 = tpu.memref_slice %arg2[%dma_start3A_293, %dma_start3A_294] : memref<10000x16xf32, #tpu.memory_space<hbm>> -> memref<10000x16xf32, #tpu.memory_space<hbm>>
      tpu.enqueue_indirect_dma source(%dma_start3A_295 : memref<10000x16xf32, #tpu.memory_space<hbm>>) target(%dma_start3A_289 : memref<128x16xf32, #tpu.memory_space<vmem>>) offsets(%dma_start3A_292 : memref<128xi32, #tpu.memory_space<vmem>>) semaphore(%arg11 : memref<!tpu.dma_semaphore, #tpu.memory_space<semaphore_mem>>)
      %add3A_296 = arith.constant 2 : i32
      %add3A_297 = arith.addi %add3A_239, %add3A_296 : i32
      %dma_wait3A_298 = arith.constant 6 : i32
      %dma_wait3A_299 = arith.constant 0 : i32
      %dma_wait3A_300 = arith.constant 0 : i32
      %dma_wait3A_301 = tpu.memref_slice %arg8[%dma_wait3A_298, %dma_wait3A_299, %dma_wait3A_300] : memref<8x128x16xf32, #tpu.memory_space<vmem>> -> memref<1x128x16xf32, #tpu.memory_space<vmem>>
      %dma_wait3A_302 = tpu.memref_squeeze %dma_wait3A_301 : memref<1x128x16xf32, #tpu.memory_space<vmem>> -> memref<128x16xf32, #tpu.memory_space<vmem>>
      %dma_wait3A_303 = arith.constant 0 : i32
      %dma_wait3A_304 = tpu.memref_slice %arg6[%add3A_297, %dma_wait3A_303] : memref<84x128xi32, #tpu.memory_space<vmem>> -> memref<1x128xi32, #tpu.memory_space<vmem>>
      %dma_wait3A_305 = tpu.memref_squeeze %dma_wait3A_304 : memref<1x128xi32, #tpu.memory_space<vmem>> -> memref<128xi32, #tpu.memory_space<vmem>>
      %dma_wait3A_306 = arith.constant 0 : i32
      %dma_wait3A_307 = arith.constant 0 : i32
      %dma_wait3A_308 = tpu.memref_slice %arg2[%dma_wait3A_306, %dma_wait3A_307] : memref<10000x16xf32, #tpu.memory_space<hbm>> -> memref<10000x16xf32, #tpu.memory_space<hbm>>
      tpu.wait_indirect_dma semaphore(%arg12 : memref<!tpu.dma_semaphore, #tpu.memory_space<semaphore_mem>>) src(%dma_wait3A_308 : memref<10000x16xf32, #tpu.memory_space<hbm>>) dst(%dma_wait3A_302 : memref<128x16xf32, #tpu.memory_space<vmem>>)
      %add3A_309 = arith.constant 4 : i32
      %add3A_310 = arith.addi %add3A_239, %add3A_309 : i32
      %add3A_311 = arith.constant 2 : i32
      %add3A_312 = arith.addi %add3A_310, %add3A_311 : i32
      %dma_start3A_313 = arith.constant 2 : i32
      %dma_start3A_314 = arith.constant 0 : i32
      %dma_start3A_315 = arith.constant 0 : i32
      %dma_start3A_316 = tpu.memref_slice %arg8[%dma_start3A_313, %dma_start3A_314, %dma_start3A_315] : memref<8x128x16xf32, #tpu.memory_space<vmem>> -> memref<1x128x16xf32, #tpu.memory_space<vmem>>
      %dma_start3A_317 = tpu.memref_squeeze %dma_start3A_316 : memref<1x128x16xf32, #tpu.memory_space<vmem>> -> memref<128x16xf32, #tpu.memory_space<vmem>>
      %dma_start3A_318 = arith.constant 0 : i32
      %dma_start3A_319 = tpu.memref_slice %arg6[%add3A_312, %dma_start3A_318] : memref<84x128xi32, #tpu.memory_space<vmem>> -> memref<1x128xi32, #tpu.memory_space<vmem>>
      %dma_start3A_320 = tpu.memref_squeeze %dma_start3A_319 : memref<1x128xi32, #tpu.memory_space<vmem>> -> memref<128xi32, #tpu.memory_space<vmem>>
      %dma_start3A_321 = arith.constant 0 : i32
      %dma_start3A_322 = arith.constant 0 : i32
      %dma_start3A_323 = tpu.memref_slice %arg2[%dma_start3A_321, %dma_start3A_322] : memref<10000x16xf32, #tpu.memory_space<hbm>> -> memref<10000x16xf32, #tpu.memory_space<hbm>>
      tpu.enqueue_indirect_dma source(%dma_start3A_323 : memref<10000x16xf32, #tpu.memory_space<hbm>>) target(%dma_start3A_317 : memref<128x16xf32, #tpu.memory_space<vmem>>) offsets(%dma_start3A_320 : memref<128xi32, #tpu.memory_space<vmem>>) semaphore(%arg11 : memref<!tpu.dma_semaphore, #tpu.memory_space<semaphore_mem>>)
      %add3A_324 = arith.constant 3 : i32
      %add3A_325 = arith.addi %add3A_239, %add3A_324 : i32
      %dma_wait3A_326 = arith.constant 7 : i32
      %dma_wait3A_327 = arith.constant 0 : i32
      %dma_wait3A_328 = arith.constant 0 : i32
      %dma_wait3A_329 = tpu.memref_slice %arg8[%dma_wait3A_326, %dma_wait3A_327, %dma_wait3A_328] : memref<8x128x16xf32, #tpu.memory_space<vmem>> -> memref<1x128x16xf32, #tpu.memory_space<vmem>>
      %dma_wait3A_330 = tpu.memref_squeeze %dma_wait3A_329 : memref<1x128x16xf32, #tpu.memory_space<vmem>> -> memref<128x16xf32, #tpu.memory_space<vmem>>
      %dma_wait3A_331 = arith.constant 0 : i32
      %dma_wait3A_332 = tpu.memref_slice %arg6[%add3A_325, %dma_wait3A_331] : memref<84x128xi32, #tpu.memory_space<vmem>> -> memref<1x128xi32, #tpu.memory_space<vmem>>
      %dma_wait3A_333 = tpu.memref_squeeze %dma_wait3A_332 : memref<1x128xi32, #tpu.memory_space<vmem>> -> memref<128xi32, #tpu.memory_space<vmem>>
      %dma_wait3A_334 = arith.constant 0 : i32
      %dma_wait3A_335 = arith.constant 0 : i32
      %dma_wait3A_336 = tpu.memref_slice %arg2[%dma_wait3A_334, %dma_wait3A_335] : memref<10000x16xf32, #tpu.memory_space<hbm>> -> memref<10000x16xf32, #tpu.memory_space<hbm>>
      tpu.wait_indirect_dma semaphore(%arg12 : memref<!tpu.dma_semaphore, #tpu.memory_space<semaphore_mem>>) src(%dma_wait3A_336 : memref<10000x16xf32, #tpu.memory_space<hbm>>) dst(%dma_wait3A_330 : memref<128x16xf32, #tpu.memory_space<vmem>>)
      %add3A_337 = arith.constant 4 : i32
      %add3A_338 = arith.addi %add3A_239, %add3A_337 : i32
      %add3A_339 = arith.constant 3 : i32
      %add3A_340 = arith.addi %add3A_338, %add3A_339 : i32
      %dma_start3A_341 = arith.constant 3 : i32
      %dma_start3A_342 = arith.constant 0 : i32
      %dma_start3A_343 = arith.constant 0 : i32
      %dma_start3A_344 = tpu.memref_slice %arg8[%dma_start3A_341, %dma_start3A_342, %dma_start3A_343] : memref<8x128x16xf32, #tpu.memory_space<vmem>> -> memref<1x128x16xf32, #tpu.memory_space<vmem>>
      %dma_start3A_345 = tpu.memref_squeeze %dma_start3A_344 : memref<1x128x16xf32, #tpu.memory_space<vmem>> -> memref<128x16xf32, #tpu.memory_space<vmem>>
      %dma_start3A_346 = arith.constant 0 : i32
      %dma_start3A_347 = tpu.memref_slice %arg6[%add3A_340, %dma_start3A_346] : memref<84x128xi32, #tpu.memory_space<vmem>> -> memref<1x128xi32, #tpu.memory_space<vmem>>
      %dma_start3A_348 = tpu.memref_squeeze %dma_start3A_347 : memref<1x128xi32, #tpu.memory_space<vmem>> -> memref<128xi32, #tpu.memory_space<vmem>>
      %dma_start3A_349 = arith.constant 0 : i32
      %dma_start3A_350 = arith.constant 0 : i32
      %dma_start3A_351 = tpu.memref_slice %arg2[%dma_start3A_349, %dma_start3A_350] : memref<10000x16xf32, #tpu.memory_space<hbm>> -> memref<10000x16xf32, #tpu.memory_space<hbm>>
      tpu.enqueue_indirect_dma source(%dma_start3A_351 : memref<10000x16xf32, #tpu.memory_space<hbm>>) target(%dma_start3A_345 : memref<128x16xf32, #tpu.memory_space<vmem>>) offsets(%dma_start3A_348 : memref<128xi32, #tpu.memory_space<vmem>>) semaphore(%arg11 : memref<!tpu.dma_semaphore, #tpu.memory_space<semaphore_mem>>)
      %add3A_352 = arith.constant 0 : i32
      %add3A_353 = arith.addi %add3A_239, %add3A_352 : i32
      %run_scoped3A_354 = arith.constant 4 : i32
      "tpu.region"() ({
        %run_scoped3A_364 = tpu.sem_alloc : memref<!tpu.dma_semaphore, #tpu.memory_space<semaphore_mem>>
        %dma_start3A_365 = arith.constant 0 : i32
        %dma_start3A_366 = arith.constant 0 : i32
        %dma_start3A_367 = tpu.memref_slice %arg8[%run_scoped3A_354, %dma_start3A_365, %dma_start3A_366] : memref<8x128x16xf32, #tpu.memory_space<vmem>> -> memref<1x128x16xf32, #tpu.memory_space<vmem>>
        %dma_start3A_368 = tpu.memref_squeeze %dma_start3A_367 : memref<1x128x16xf32, #tpu.memory_space<vmem>> -> memref<128x16xf32, #tpu.memory_space<vmem>>
        %dma_start3A_369 = arith.constant 0 : i32
        %dma_start3A_370 = tpu.memref_slice %arg7[%add3A_353, %dma_start3A_369] : memref<84x128xi32, #tpu.memory_space<vmem>> -> memref<1x128xi32, #tpu.memory_space<vmem>>
        %dma_start3A_371 = tpu.memref_squeeze %dma_start3A_370 : memref<1x128xi32, #tpu.memory_space<vmem>> -> memref<128xi32, #tpu.memory_space<vmem>>
        %dma_start3A_372 = arith.constant 0 : i32
        %dma_start3A_373 = arith.constant 0 : i32
        %dma_start3A_374 = tpu.memref_slice %arg10[%dma_start3A_372, %dma_start3A_373] : memref<10112x16xf32, #tpu.memory_space<vmem_shared>> -> memref<10112x16xf32, #tpu.memory_space<vmem_shared>>
        tpu.enqueue_indirect_dma source(%dma_start3A_368 : memref<128x16xf32, #tpu.memory_space<vmem>>) target(%dma_start3A_374 : memref<10112x16xf32, #tpu.memory_space<vmem_shared>>) offsets(%dma_start3A_371 : memref<128xi32, #tpu.memory_space<vmem>>) semaphore(%run_scoped3A_364 : memref<!tpu.dma_semaphore, #tpu.memory_space<semaphore_mem>>) {add = true}
        %dma_wait3A_375 = arith.constant 0 : i32
        %dma_wait3A_376 = arith.constant 0 : i32
        %dma_wait3A_377 = tpu.memref_slice %arg8[%run_scoped3A_354, %dma_wait3A_375, %dma_wait3A_376] : memref<8x128x16xf32, #tpu.memory_space<vmem>> -> memref<1x128x16xf32, #tpu.memory_space<vmem>>
        %dma_wait3A_378 = tpu.memref_squeeze %dma_wait3A_377 : memref<1x128x16xf32, #tpu.memory_space<vmem>> -> memref<128x16xf32, #tpu.memory_space<vmem>>
        %dma_wait3A_379 = arith.constant 0 : i32
        %dma_wait3A_380 = tpu.memref_slice %arg7[%add3A_353, %dma_wait3A_379] : memref<84x128xi32, #tpu.memory_space<vmem>> -> memref<1x128xi32, #tpu.memory_space<vmem>>
        %dma_wait3A_381 = tpu.memref_squeeze %dma_wait3A_380 : memref<1x128xi32, #tpu.memory_space<vmem>> -> memref<128xi32, #tpu.memory_space<vmem>>
        %dma_wait3A_382 = arith.constant 0 : i32
        %dma_wait3A_383 = arith.constant 0 : i32
        %dma_wait3A_384 = tpu.memref_slice %arg10[%dma_wait3A_382, %dma_wait3A_383] : memref<10112x16xf32, #tpu.memory_space<vmem_shared>> -> memref<10112x16xf32, #tpu.memory_space<vmem_shared>>
        tpu.wait_indirect_dma semaphore(%run_scoped3A_364 : memref<!tpu.dma_semaphore, #tpu.memory_space<semaphore_mem>>) src(%dma_wait3A_378 : memref<128x16xf32, #tpu.memory_space<vmem>>) dst(%dma_wait3A_384 : memref<10112x16xf32, #tpu.memory_space<vmem_shared>>)
        tpu.yield
      }) : () -> ()
      %add3A_355 = arith.constant 1 : i32
      %add3A_356 = arith.addi %add3A_239, %add3A_355 : i32
      %run_scoped3A_357 = arith.constant 5 : i32
      "tpu.region"() ({
        %run_scoped3A_364 = tpu.sem_alloc : memref<!tpu.dma_semaphore, #tpu.memory_space<semaphore_mem>>
        %dma_start3A_365 = arith.constant 0 : i32
        %dma_start3A_366 = arith.constant 0 : i32
        %dma_start3A_367 = tpu.memref_slice %arg8[%run_scoped3A_357, %dma_start3A_365, %dma_start3A_366] : memref<8x128x16xf32, #tpu.memory_space<vmem>> -> memref<1x128x16xf32, #tpu.memory_space<vmem>>
        %dma_start3A_368 = tpu.memref_squeeze %dma_start3A_367 : memref<1x128x16xf32, #tpu.memory_space<vmem>> -> memref<128x16xf32, #tpu.memory_space<vmem>>
        %dma_start3A_369 = arith.constant 0 : i32
        %dma_start3A_370 = tpu.memref_slice %arg7[%add3A_356, %dma_start3A_369] : memref<84x128xi32, #tpu.memory_space<vmem>> -> memref<1x128xi32, #tpu.memory_space<vmem>>
        %dma_start3A_371 = tpu.memref_squeeze %dma_start3A_370 : memref<1x128xi32, #tpu.memory_space<vmem>> -> memref<128xi32, #tpu.memory_space<vmem>>
        %dma_start3A_372 = arith.constant 0 : i32
        %dma_start3A_373 = arith.constant 0 : i32
        %dma_start3A_374 = tpu.memref_slice %arg10[%dma_start3A_372, %dma_start3A_373] : memref<10112x16xf32, #tpu.memory_space<vmem_shared>> -> memref<10112x16xf32, #tpu.memory_space<vmem_shared>>
        tpu.enqueue_indirect_dma source(%dma_start3A_368 : memref<128x16xf32, #tpu.memory_space<vmem>>) target(%dma_start3A_374 : memref<10112x16xf32, #tpu.memory_space<vmem_shared>>) offsets(%dma_start3A_371 : memref<128xi32, #tpu.memory_space<vmem>>) semaphore(%run_scoped3A_364 : memref<!tpu.dma_semaphore, #tpu.memory_space<semaphore_mem>>) {add = true}
        %dma_wait3A_375 = arith.constant 0 : i32
        %dma_wait3A_376 = arith.constant 0 : i32
        %dma_wait3A_377 = tpu.memref_slice %arg8[%run_scoped3A_357, %dma_wait3A_375, %dma_wait3A_376] : memref<8x128x16xf32, #tpu.memory_space<vmem>> -> memref<1x128x16xf32, #tpu.memory_space<vmem>>
        %dma_wait3A_378 = tpu.memref_squeeze %dma_wait3A_377 : memref<1x128x16xf32, #tpu.memory_space<vmem>> -> memref<128x16xf32, #tpu.memory_space<vmem>>
        %dma_wait3A_379 = arith.constant 0 : i32
        %dma_wait3A_380 = tpu.memref_slice %arg7[%add3A_356, %dma_wait3A_379] : memref<84x128xi32, #tpu.memory_space<vmem>> -> memref<1x128xi32, #tpu.memory_space<vmem>>
        %dma_wait3A_381 = tpu.memref_squeeze %dma_wait3A_380 : memref<1x128xi32, #tpu.memory_space<vmem>> -> memref<128xi32, #tpu.memory_space<vmem>>
        %dma_wait3A_382 = arith.constant 0 : i32
        %dma_wait3A_383 = arith.constant 0 : i32
        %dma_wait3A_384 = tpu.memref_slice %arg10[%dma_wait3A_382, %dma_wait3A_383] : memref<10112x16xf32, #tpu.memory_space<vmem_shared>> -> memref<10112x16xf32, #tpu.memory_space<vmem_shared>>
        tpu.wait_indirect_dma semaphore(%run_scoped3A_364 : memref<!tpu.dma_semaphore, #tpu.memory_space<semaphore_mem>>) src(%dma_wait3A_378 : memref<128x16xf32, #tpu.memory_space<vmem>>) dst(%dma_wait3A_384 : memref<10112x16xf32, #tpu.memory_space<vmem_shared>>)
        tpu.yield
      }) : () -> ()
      %add3A_358 = arith.constant 2 : i32
      %add3A_359 = arith.addi %add3A_239, %add3A_358 : i32
      %run_scoped3A_360 = arith.constant 6 : i32
      "tpu.region"() ({
        %run_scoped3A_364 = tpu.sem_alloc : memref<!tpu.dma_semaphore, #tpu.memory_space<semaphore_mem>>
        %dma_start3A_365 = arith.constant 0 : i32
        %dma_start3A_366 = arith.constant 0 : i32
        %dma_start3A_367 = tpu.memref_slice %arg8[%run_scoped3A_360, %dma_start3A_365, %dma_start3A_366] : memref<8x128x16xf32, #tpu.memory_space<vmem>> -> memref<1x128x16xf32, #tpu.memory_space<vmem>>
        %dma_start3A_368 = tpu.memref_squeeze %dma_start3A_367 : memref<1x128x16xf32, #tpu.memory_space<vmem>> -> memref<128x16xf32, #tpu.memory_space<vmem>>
        %dma_start3A_369 = arith.constant 0 : i32
        %dma_start3A_370 = tpu.memref_slice %arg7[%add3A_359, %dma_start3A_369] : memref<84x128xi32, #tpu.memory_space<vmem>> -> memref<1x128xi32, #tpu.memory_space<vmem>>
        %dma_start3A_371 = tpu.memref_squeeze %dma_start3A_370 : memref<1x128xi32, #tpu.memory_space<vmem>> -> memref<128xi32, #tpu.memory_space<vmem>>
        %dma_start3A_372 = arith.constant 0 : i32
        %dma_start3A_373 = arith.constant 0 : i32
        %dma_start3A_374 = tpu.memref_slice %arg10[%dma_start3A_372, %dma_start3A_373] : memref<10112x16xf32, #tpu.memory_space<vmem_shared>> -> memref<10112x16xf32, #tpu.memory_space<vmem_shared>>
        tpu.enqueue_indirect_dma source(%dma_start3A_368 : memref<128x16xf32, #tpu.memory_space<vmem>>) target(%dma_start3A_374 : memref<10112x16xf32, #tpu.memory_space<vmem_shared>>) offsets(%dma_start3A_371 : memref<128xi32, #tpu.memory_space<vmem>>) semaphore(%run_scoped3A_364 : memref<!tpu.dma_semaphore, #tpu.memory_space<semaphore_mem>>) {add = true}
        %dma_wait3A_375 = arith.constant 0 : i32
        %dma_wait3A_376 = arith.constant 0 : i32
        %dma_wait3A_377 = tpu.memref_slice %arg8[%run_scoped3A_360, %dma_wait3A_375, %dma_wait3A_376] : memref<8x128x16xf32, #tpu.memory_space<vmem>> -> memref<1x128x16xf32, #tpu.memory_space<vmem>>
        %dma_wait3A_378 = tpu.memref_squeeze %dma_wait3A_377 : memref<1x128x16xf32, #tpu.memory_space<vmem>> -> memref<128x16xf32, #tpu.memory_space<vmem>>
        %dma_wait3A_379 = arith.constant 0 : i32
        %dma_wait3A_380 = tpu.memref_slice %arg7[%add3A_359, %dma_wait3A_379] : memref<84x128xi32, #tpu.memory_space<vmem>> -> memref<1x128xi32, #tpu.memory_space<vmem>>
        %dma_wait3A_381 = tpu.memref_squeeze %dma_wait3A_380 : memref<1x128xi32, #tpu.memory_space<vmem>> -> memref<128xi32, #tpu.memory_space<vmem>>
        %dma_wait3A_382 = arith.constant 0 : i32
        %dma_wait3A_383 = arith.constant 0 : i32
        %dma_wait3A_384 = tpu.memref_slice %arg10[%dma_wait3A_382, %dma_wait3A_383] : memref<10112x16xf32, #tpu.memory_space<vmem_shared>> -> memref<10112x16xf32, #tpu.memory_space<vmem_shared>>
        tpu.wait_indirect_dma semaphore(%run_scoped3A_364 : memref<!tpu.dma_semaphore, #tpu.memory_space<semaphore_mem>>) src(%dma_wait3A_378 : memref<128x16xf32, #tpu.memory_space<vmem>>) dst(%dma_wait3A_384 : memref<10112x16xf32, #tpu.memory_space<vmem_shared>>)
        tpu.yield
      }) : () -> ()
      %add3A_361 = arith.constant 3 : i32
      %add3A_362 = arith.addi %add3A_239, %add3A_361 : i32
      %run_scoped3A_363 = arith.constant 7 : i32
      "tpu.region"() ({
        %run_scoped3A_364 = tpu.sem_alloc : memref<!tpu.dma_semaphore, #tpu.memory_space<semaphore_mem>>
        %dma_start3A_365 = arith.constant 0 : i32
        %dma_start3A_366 = arith.constant 0 : i32
        %dma_start3A_367 = tpu.memref_slice %arg8[%run_scoped3A_363, %dma_start3A_365, %dma_start3A_366] : memref<8x128x16xf32, #tpu.memory_space<vmem>> -> memref<1x128x16xf32, #tpu.memory_space<vmem>>
        %dma_start3A_368 = tpu.memref_squeeze %dma_start3A_367 : memref<1x128x16xf32, #tpu.memory_space<vmem>> -> memref<128x16xf32, #tpu.memory_space<vmem>>
        %dma_start3A_369 = arith.constant 0 : i32
        %dma_start3A_370 = tpu.memref_slice %arg7[%add3A_362, %dma_start3A_369] : memref<84x128xi32, #tpu.memory_space<vmem>> -> memref<1x128xi32, #tpu.memory_space<vmem>>
        %dma_start3A_371 = tpu.memref_squeeze %dma_start3A_370 : memref<1x128xi32, #tpu.memory_space<vmem>> -> memref<128xi32, #tpu.memory_space<vmem>>
        %dma_start3A_372 = arith.constant 0 : i32
        %dma_start3A_373 = arith.constant 0 : i32
        %dma_start3A_374 = tpu.memref_slice %arg10[%dma_start3A_372, %dma_start3A_373] : memref<10112x16xf32, #tpu.memory_space<vmem_shared>> -> memref<10112x16xf32, #tpu.memory_space<vmem_shared>>
        tpu.enqueue_indirect_dma source(%dma_start3A_368 : memref<128x16xf32, #tpu.memory_space<vmem>>) target(%dma_start3A_374 : memref<10112x16xf32, #tpu.memory_space<vmem_shared>>) offsets(%dma_start3A_371 : memref<128xi32, #tpu.memory_space<vmem>>) semaphore(%run_scoped3A_364 : memref<!tpu.dma_semaphore, #tpu.memory_space<semaphore_mem>>) {add = true}
        %dma_wait3A_375 = arith.constant 0 : i32
        %dma_wait3A_376 = arith.constant 0 : i32
        %dma_wait3A_377 = tpu.memref_slice %arg8[%run_scoped3A_363, %dma_wait3A_375, %dma_wait3A_376] : memref<8x128x16xf32, #tpu.memory_space<vmem>> -> memref<1x128x16xf32, #tpu.memory_space<vmem>>
        %dma_wait3A_378 = tpu.memref_squeeze %dma_wait3A_377 : memref<1x128x16xf32, #tpu.memory_space<vmem>> -> memref<128x16xf32, #tpu.memory_space<vmem>>
        %dma_wait3A_379 = arith.constant 0 : i32
        %dma_wait3A_380 = tpu.memref_slice %arg7[%add3A_362, %dma_wait3A_379] : memref<84x128xi32, #tpu.memory_space<vmem>> -> memref<1x128xi32, #tpu.memory_space<vmem>>
        %dma_wait3A_381 = tpu.memref_squeeze %dma_wait3A_380 : memref<1x128xi32, #tpu.memory_space<vmem>> -> memref<128xi32, #tpu.memory_space<vmem>>
        %dma_wait3A_382 = arith.constant 0 : i32
        %dma_wait3A_383 = arith.constant 0 : i32
        %dma_wait3A_384 = tpu.memref_slice %arg10[%dma_wait3A_382, %dma_wait3A_383] : memref<10112x16xf32, #tpu.memory_space<vmem_shared>> -> memref<10112x16xf32, #tpu.memory_space<vmem_shared>>
        tpu.wait_indirect_dma semaphore(%run_scoped3A_364 : memref<!tpu.dma_semaphore, #tpu.memory_space<semaphore_mem>>) src(%dma_wait3A_378 : memref<128x16xf32, #tpu.memory_space<vmem>>) dst(%dma_wait3A_384 : memref<10112x16xf32, #tpu.memory_space<vmem_shared>>)
        tpu.yield
      }) : () -> ()
    }
    %scan3A_58 = arith.constant 10 : i32
    %dma_wait3A = arith.constant 80 : i32
    %dma_wait3A_59 = arith.constant 0 : i32
    %dma_wait3A_60 = arith.constant 0 : i32
    %dma_wait3A_61 = arith.constant 0 : i32
    %dma_wait3A_62 = tpu.memref_slice %arg8[%dma_wait3A_59, %dma_wait3A_60, %dma_wait3A_61] : memref<8x128x16xf32, #tpu.memory_space<vmem>> -> memref<1x128x16xf32, #tpu.memory_space<vmem>>
    %dma_wait3A_63 = tpu.memref_squeeze %dma_wait3A_62 : memref<1x128x16xf32, #tpu.memory_space<vmem>> -> memref<128x16xf32, #tpu.memory_space<vmem>>
    %dma_wait3A_64 = arith.constant 0 : i32
    %dma_wait3A_65 = tpu.memref_slice %arg6[%dma_wait3A, %dma_wait3A_64] : memref<84x128xi32, #tpu.memory_space<vmem>> -> memref<1x128xi32, #tpu.memory_space<vmem>>
    %dma_wait3A_66 = tpu.memref_squeeze %dma_wait3A_65 : memref<1x128xi32, #tpu.memory_space<vmem>> -> memref<128xi32, #tpu.memory_space<vmem>>
    %dma_wait3A_67 = arith.constant 0 : i32
    %dma_wait3A_68 = arith.constant 0 : i32
    %dma_wait3A_69 = tpu.memref_slice %arg2[%dma_wait3A_67, %dma_wait3A_68] : memref<10000x16xf32, #tpu.memory_space<hbm>> -> memref<10000x16xf32, #tpu.memory_space<hbm>>
    tpu.wait_indirect_dma semaphore(%arg11 : memref<!tpu.dma_semaphore, #tpu.memory_space<semaphore_mem>>) src(%dma_wait3A_69 : memref<10000x16xf32, #tpu.memory_space<hbm>>) dst(%dma_wait3A_63 : memref<128x16xf32, #tpu.memory_space<vmem>>)
    %dma_wait3A_70 = arith.constant 81 : i32
    %dma_wait3A_71 = arith.constant 1 : i32
    %dma_wait3A_72 = arith.constant 0 : i32
    %dma_wait3A_73 = arith.constant 0 : i32
    %dma_wait3A_74 = tpu.memref_slice %arg8[%dma_wait3A_71, %dma_wait3A_72, %dma_wait3A_73] : memref<8x128x16xf32, #tpu.memory_space<vmem>> -> memref<1x128x16xf32, #tpu.memory_space<vmem>>
    %dma_wait3A_75 = tpu.memref_squeeze %dma_wait3A_74 : memref<1x128x16xf32, #tpu.memory_space<vmem>> -> memref<128x16xf32, #tpu.memory_space<vmem>>
    %dma_wait3A_76 = arith.constant 0 : i32
    %dma_wait3A_77 = tpu.memref_slice %arg6[%dma_wait3A_70, %dma_wait3A_76] : memref<84x128xi32, #tpu.memory_space<vmem>> -> memref<1x128xi32, #tpu.memory_space<vmem>>
    %dma_wait3A_78 = tpu.memref_squeeze %dma_wait3A_77 : memref<1x128xi32, #tpu.memory_space<vmem>> -> memref<128xi32, #tpu.memory_space<vmem>>
    %dma_wait3A_79 = arith.constant 0 : i32
    %dma_wait3A_80 = arith.constant 0 : i32
    %dma_wait3A_81 = tpu.memref_slice %arg2[%dma_wait3A_79, %dma_wait3A_80] : memref<10000x16xf32, #tpu.memory_space<hbm>> -> memref<10000x16xf32, #tpu.memory_space<hbm>>
    tpu.wait_indirect_dma semaphore(%arg11 : memref<!tpu.dma_semaphore, #tpu.memory_space<semaphore_mem>>) src(%dma_wait3A_81 : memref<10000x16xf32, #tpu.memory_space<hbm>>) dst(%dma_wait3A_75 : memref<128x16xf32, #tpu.memory_space<vmem>>)
    %dma_wait3A_82 = arith.constant 82 : i32
    %dma_wait3A_83 = arith.constant 2 : i32
    %dma_wait3A_84 = arith.constant 0 : i32
    %dma_wait3A_85 = arith.constant 0 : i32
    %dma_wait3A_86 = tpu.memref_slice %arg8[%dma_wait3A_83, %dma_wait3A_84, %dma_wait3A_85] : memref<8x128x16xf32, #tpu.memory_space<vmem>> -> memref<1x128x16xf32, #tpu.memory_space<vmem>>
    %dma_wait3A_87 = tpu.memref_squeeze %dma_wait3A_86 : memref<1x128x16xf32, #tpu.memory_space<vmem>> -> memref<128x16xf32, #tpu.memory_space<vmem>>
    %dma_wait3A_88 = arith.constant 0 : i32
    %dma_wait3A_89 = tpu.memref_slice %arg6[%dma_wait3A_82, %dma_wait3A_88] : memref<84x128xi32, #tpu.memory_space<vmem>> -> memref<1x128xi32, #tpu.memory_space<vmem>>
    %dma_wait3A_90 = tpu.memref_squeeze %dma_wait3A_89 : memref<1x128xi32, #tpu.memory_space<vmem>> -> memref<128xi32, #tpu.memory_space<vmem>>
    %dma_wait3A_91 = arith.constant 0 : i32
    %dma_wait3A_92 = arith.constant 0 : i32
    %dma_wait3A_93 = tpu.memref_slice %arg2[%dma_wait3A_91, %dma_wait3A_92] : memref<10000x16xf32, #tpu.memory_space<hbm>> -> memref<10000x16xf32, #tpu.memory_space<hbm>>
    tpu.wait_indirect_dma semaphore(%arg11 : memref<!tpu.dma_semaphore, #tpu.memory_space<semaphore_mem>>) src(%dma_wait3A_93 : memref<10000x16xf32, #tpu.memory_space<hbm>>) dst(%dma_wait3A_87 : memref<128x16xf32, #tpu.memory_space<vmem>>)
    %dma_wait3A_94 = arith.constant 83 : i32
    %dma_wait3A_95 = arith.constant 3 : i32
    %dma_wait3A_96 = arith.constant 0 : i32
    %dma_wait3A_97 = arith.constant 0 : i32
    %dma_wait3A_98 = tpu.memref_slice %arg8[%dma_wait3A_95, %dma_wait3A_96, %dma_wait3A_97] : memref<8x128x16xf32, #tpu.memory_space<vmem>> -> memref<1x128x16xf32, #tpu.memory_space<vmem>>
    %dma_wait3A_99 = tpu.memref_squeeze %dma_wait3A_98 : memref<1x128x16xf32, #tpu.memory_space<vmem>> -> memref<128x16xf32, #tpu.memory_space<vmem>>
    %dma_wait3A_100 = arith.constant 0 : i32
    %dma_wait3A_101 = tpu.memref_slice %arg6[%dma_wait3A_94, %dma_wait3A_100] : memref<84x128xi32, #tpu.memory_space<vmem>> -> memref<1x128xi32, #tpu.memory_space<vmem>>
    %dma_wait3A_102 = tpu.memref_squeeze %dma_wait3A_101 : memref<1x128xi32, #tpu.memory_space<vmem>> -> memref<128xi32, #tpu.memory_space<vmem>>
    %dma_wait3A_103 = arith.constant 0 : i32
    %dma_wait3A_104 = arith.constant 0 : i32
    %dma_wait3A_105 = tpu.memref_slice %arg2[%dma_wait3A_103, %dma_wait3A_104] : memref<10000x16xf32, #tpu.memory_space<hbm>> -> memref<10000x16xf32, #tpu.memory_space<hbm>>
    tpu.wait_indirect_dma semaphore(%arg11 : memref<!tpu.dma_semaphore, #tpu.memory_space<semaphore_mem>>) src(%dma_wait3A_105 : memref<10000x16xf32, #tpu.memory_space<hbm>>) dst(%dma_wait3A_99 : memref<128x16xf32, #tpu.memory_space<vmem>>)
    %barrier3A_106 = arith.constant 0 : index
    tpu.barrier barrier_id(%barrier3A_106)
    %mul3A_107 = arith.constant 632 : i32
    %mul3A_108 = arith.muli %arg1, %mul3A_107 : i32
    "tpu.region"() ({
      %run_scoped3A = tpu.sem_alloc : memref<!tpu.dma_semaphore, #tpu.memory_space<semaphore_mem>>
      %dma_start3A_111 = arith.constant 0 : i32
      %dma_start3A_112 = tpu.memref_slice %arg10[%mul3A_108, %dma_start3A_111] : memref<10112x16xf32, #tpu.memory_space<vmem_shared>> -> memref<632x16xf32, #tpu.memory_space<vmem_shared>>
      %dma_start3A_113 = arith.constant 0 : i32
      %dma_start3A_114 = tpu.memref_slice %arg10[%mul3A_108, %dma_start3A_113] : memref<10112x16xf32, #tpu.memory_space<vmem_shared>> -> memref<632x16xf32, #tpu.memory_space<vmem_shared>>
      tpu.enqueue_dma source(%dma_start3A_114 : memref<632x16xf32, #tpu.memory_space<vmem_shared>>) target(%arg9 : memref<632x16xf32, #tpu.memory_space<vmem>>) target_semaphore(%run_scoped3A : memref<!tpu.dma_semaphore, #tpu.memory_space<semaphore_mem>>)
      %dma_wait3A_115 = arith.constant 0 : i32
      %dma_wait3A_116 = tpu.memref_slice %arg10[%mul3A_108, %dma_wait3A_115] : memref<10112x16xf32, #tpu.memory_space<vmem_shared>> -> memref<632x16xf32, #tpu.memory_space<vmem_shared>>
      %dma_wait3A_117 = arith.constant 0 : i32
      %dma_wait3A_118 = tpu.memref_slice %arg10[%mul3A_108, %dma_wait3A_117] : memref<10112x16xf32, #tpu.memory_space<vmem_shared>> -> memref<632x16xf32, #tpu.memory_space<vmem_shared>>
      tpu.wait_dma2 semaphore(%run_scoped3A : memref<!tpu.dma_semaphore, #tpu.memory_space<semaphore_mem>>) src(%dma_wait3A_118 : memref<632x16xf32, #tpu.memory_space<vmem_shared>>) dst(%arg9 : memref<632x16xf32, #tpu.memory_space<vmem>>)
      tpu.yield
    }) : () -> ()
    %mul3A_109 = arith.constant 632 : i32
    %mul3A_110 = arith.muli %arg1, %mul3A_109 : i32
    "tpu.region"() ({
      %run_scoped3A = tpu.sem_alloc : memref<!tpu.dma_semaphore, #tpu.memory_space<semaphore_mem>>
      %dma_start3A_111 = arith.constant 0 : i32
      %dma_start3A_112 = tpu.memref_slice %arg5[%arg0, %mul3A_110, %dma_start3A_111] : memref<2x10112x16xf32, #tpu.memory_space<hbm>> -> memref<1x632x16xf32, #tpu.memory_space<hbm>>
      %dma_start3A_113 = tpu.memref_squeeze %dma_start3A_112 : memref<1x632x16xf32, #tpu.memory_space<hbm>> -> memref<632x16xf32, #tpu.memory_space<hbm>>
      %dma_start3A_114 = arith.constant 0 : i32
      %dma_start3A_115 = tpu.memref_slice %arg5[%arg0, %mul3A_110, %dma_start3A_114] : memref<2x10112x16xf32, #tpu.memory_space<hbm>> -> memref<1x632x16xf32, #tpu.memory_space<hbm>>
      %dma_start3A_116 = tpu.memref_squeeze %dma_start3A_115 : memref<1x632x16xf32, #tpu.memory_space<hbm>> -> memref<632x16xf32, #tpu.memory_space<hbm>>
      tpu.enqueue_dma source(%arg9 : memref<632x16xf32, #tpu.memory_space<vmem>>) target(%dma_start3A_116 : memref<632x16xf32, #tpu.memory_space<hbm>>) target_semaphore(%run_scoped3A : memref<!tpu.dma_semaphore, #tpu.memory_space<semaphore_mem>>)
      %dma_wait3A_117 = arith.constant 0 : i32
      %dma_wait3A_118 = tpu.memref_slice %arg5[%arg0, %mul3A_110, %dma_wait3A_117] : memref<2x10112x16xf32, #tpu.memory_space<hbm>> -> memref<1x632x16xf32, #tpu.memory_space<hbm>>
      %dma_wait3A_119 = tpu.memref_squeeze %dma_wait3A_118 : memref<1x632x16xf32, #tpu.memory_space<hbm>> -> memref<632x16xf32, #tpu.memory_space<hbm>>
      %dma_wait3A_120 = arith.constant 0 : i32
      %dma_wait3A_121 = tpu.memref_slice %arg5[%arg0, %mul3A_110, %dma_wait3A_120] : memref<2x10112x16xf32, #tpu.memory_space<hbm>> -> memref<1x632x16xf32, #tpu.memory_space<hbm>>
      %dma_wait3A_122 = tpu.memref_squeeze %dma_wait3A_121 : memref<1x632x16xf32, #tpu.memory_space<hbm>> -> memref<632x16xf32, #tpu.memory_space<hbm>>
      tpu.wait_dma2 semaphore(%run_scoped3A : memref<!tpu.dma_semaphore, #tpu.memory_space<semaphore_mem>>) src(%arg9 : memref<632x16xf32, #tpu.memory_space<vmem>>) dst(%dma_wait3A_122 : memref<632x16xf32, #tpu.memory_space<hbm>>)
      tpu.yield
    }) : () -> ()
    return
  }
}

#map = affine_map<(d0, d1) -> (0, 0)>
#map1 = affine_map<(d0, d1) -> (0, 0, 0, 0)>
#map2 = affine_map<(d0, d1) -> (0, 0, 0)>
module attributes {stable_mosaic.version = 14 : i64} {
  func.func @_sc_body(%arg0: i32, %arg1: i32, %arg2: memref<10000x16xf32, #tpu.memory_space<hbm>>, %arg3: memref<2x16x84x128xi32, #tpu.memory_space<hbm>>, %arg4: memref<2x16x84x128xi32, #tpu.memory_space<hbm>>, %arg5: memref<2x10112x16xf32, #tpu.memory_space<hbm>>, %arg6: memref<84x128xi32, #tpu.memory_space<vmem>>, %arg7: memref<84x128xi32, #tpu.memory_space<vmem>>, %arg8: memref<8x128x16xf32, #tpu.memory_space<vmem>>, %arg9: memref<632x16xf32, #tpu.memory_space<vmem>>, %arg10: memref<10112x16xf32, #tpu.memory_space<vmem_shared>>, %arg11: memref<!tpu.dma_semaphore, #tpu.memory_space<semaphore_mem>>, %arg12: memref<!tpu.dma_semaphore, #tpu.memory_space<semaphore_mem>>) attributes {dimension_semantics = [#tpu.dimension_semantics<core_parallel>, #tpu.dimension_semantics<subcore_parallel>], iteration_bounds = array<i64: 2, 16>, scalar_prefetch = 0 : i64, scratch_operands = 7 : i64, tpu.core_type = #tpu.core_type<sc_vector_subcore>, window_params = [{transform_indices = #map}, {transform_indices = #map1}, {transform_indices = #map1}, {transform_indices = #map2}]} {
    "tpu.region"() ({
      %run_scoped3A = tpu.sem_alloc : memref<!tpu.dma_semaphore, #tpu.memory_space<semaphore_mem>>
      %dma_start3A_111 = arith.constant 0 : i32
      %dma_start3A_112 = arith.constant 0 : i32
      %dma_start3A_113 = tpu.memref_slice %arg3[%arg0, %arg1, %dma_start3A_111, %dma_start3A_112] : memref<2x16x84x128xi32, #tpu.memory_space<hbm>> -> memref<1x1x84x128xi32, #tpu.memory_space<hbm>>
      %dma_start3A_114 = tpu.memref_squeeze %dma_start3A_113 : memref<1x1x84x128xi32, #tpu.memory_space<hbm>> -> memref<84x128xi32, #tpu.memory_space<hbm>>
      %dma_start3A_115 = arith.constant 0 : i32
      %dma_start3A_116 = arith.constant 0 : i32
      %dma_start3A_117 = tpu.memref_slice %arg3[%arg0, %arg1, %dma_start3A_115, %dma_start3A_116] : memref<2x16x84x128xi32, #tpu.memory_space<hbm>> -> memref<1x1x84x128xi32, #tpu.memory_space<hbm>>
      %dma_start3A_118 = tpu.memref_squeeze %dma_start3A_117 : memref<1x1x84x128xi32, #tpu.memory_space<hbm>> -> memref<84x128xi32, #tpu.memory_space<hbm>>
      tpu.enqueue_dma source(%dma_start3A_118 : memref<84x128xi32, #tpu.memory_space<hbm>>) target(%arg6 : memref<84x128xi32, #tpu.memory_space<vmem>>) target_semaphore(%run_scoped3A : memref<!tpu.dma_semaphore, #tpu.memory_space<semaphore_mem>>)
      %dma_wait3A_119 = arith.constant 0 : i32
      %dma_wait3A_120 = arith.constant 0 : i32
      %dma_wait3A_121 = tpu.memref_slice %arg3[%arg0, %arg1, %dma_wait3A_119, %dma_wait3A_120] : memref<2x16x84x128xi32, #tpu.memory_space<hbm>> -> memref<1x1x84x128xi32, #tpu.memory_space<hbm>>
      %dma_wait3A_122 = tpu.memref_squeeze %dma_wait3A_121 : memref<1x1x84x128xi32, #tpu.memory_space<hbm>> -> memref<84x128xi32, #tpu.memory_space<hbm>>
      %dma_wait3A_123 = arith.constant 0 : i32
      %dma_wait3A_124 = arith.constant 0 : i32
      %dma_wait3A_125 = tpu.memref_slice %arg3[%arg0, %arg1, %dma_wait3A_123, %dma_wait3A_124] : memref<2x16x84x128xi32, #tpu.memory_space<hbm>> -> memref<1x1x84x128xi32, #tpu.memory_space<hbm>>
      %dma_wait3A_126 = tpu.memref_squeeze %dma_wait3A_125 : memref<1x1x84x128xi32, #tpu.memory_space<hbm>> -> memref<84x128xi32, #tpu.memory_space<hbm>>
      tpu.wait_dma2 semaphore(%run_scoped3A : memref<!tpu.dma_semaphore, #tpu.memory_space<semaphore_mem>>) src(%dma_wait3A_126 : memref<84x128xi32, #tpu.memory_space<hbm>>) dst(%arg6 : memref<84x128xi32, #tpu.memory_space<vmem>>)
      tpu.yield
    }) : () -> ()
    "tpu.region"() ({
      %run_scoped3A = tpu.sem_alloc : memref<!tpu.dma_semaphore, #tpu.memory_space<semaphore_mem>>
      %dma_start3A_111 = arith.constant 0 : i32
      %dma_start3A_112 = arith.constant 0 : i32
      %dma_start3A_113 = tpu.memref_slice %arg4[%arg0, %arg1, %dma_start3A_111, %dma_start3A_112] : memref<2x16x84x128xi32, #tpu.memory_space<hbm>> -> memref<1x1x84x128xi32, #tpu.memory_space<hbm>>
      %dma_start3A_114 = tpu.memref_squeeze %dma_start3A_113 : memref<1x1x84x128xi32, #tpu.memory_space<hbm>> -> memref<84x128xi32, #tpu.memory_space<hbm>>
      %dma_start3A_115 = arith.constant 0 : i32
      %dma_start3A_116 = arith.constant 0 : i32
      %dma_start3A_117 = tpu.memref_slice %arg4[%arg0, %arg1, %dma_start3A_115, %dma_start3A_116] : memref<2x16x84x128xi32, #tpu.memory_space<hbm>> -> memref<1x1x84x128xi32, #tpu.memory_space<hbm>>
      %dma_start3A_118 = tpu.memref_squeeze %dma_start3A_117 : memref<1x1x84x128xi32, #tpu.memory_space<hbm>> -> memref<84x128xi32, #tpu.memory_space<hbm>>
      tpu.enqueue_dma source(%dma_start3A_118 : memref<84x128xi32, #tpu.memory_space<hbm>>) target(%arg7 : memref<84x128xi32, #tpu.memory_space<vmem>>) target_semaphore(%run_scoped3A : memref<!tpu.dma_semaphore, #tpu.memory_space<semaphore_mem>>)
      %dma_wait3A_119 = arith.constant 0 : i32
      %dma_wait3A_120 = arith.constant 0 : i32
      %dma_wait3A_121 = tpu.memref_slice %arg4[%arg0, %arg1, %dma_wait3A_119, %dma_wait3A_120] : memref<2x16x84x128xi32, #tpu.memory_space<hbm>> -> memref<1x1x84x128xi32, #tpu.memory_space<hbm>>
      %dma_wait3A_122 = tpu.memref_squeeze %dma_wait3A_121 : memref<1x1x84x128xi32, #tpu.memory_space<hbm>> -> memref<84x128xi32, #tpu.memory_space<hbm>>
      %dma_wait3A_123 = arith.constant 0 : i32
      %dma_wait3A_124 = arith.constant 0 : i32
      %dma_wait3A_125 = tpu.memref_slice %arg4[%arg0, %arg1, %dma_wait3A_123, %dma_wait3A_124] : memref<2x16x84x128xi32, #tpu.memory_space<hbm>> -> memref<1x1x84x128xi32, #tpu.memory_space<hbm>>
      %dma_wait3A_126 = tpu.memref_squeeze %dma_wait3A_125 : memref<1x1x84x128xi32, #tpu.memory_space<hbm>> -> memref<84x128xi32, #tpu.memory_space<hbm>>
      tpu.wait_dma2 semaphore(%run_scoped3A : memref<!tpu.dma_semaphore, #tpu.memory_space<semaphore_mem>>) src(%dma_wait3A_126 : memref<84x128xi32, #tpu.memory_space<hbm>>) dst(%arg7 : memref<84x128xi32, #tpu.memory_space<vmem>>)
      tpu.yield
    }) : () -> ()
    %scan3A = arith.constant 0 : i32
    %scan3A_0 = arith.constant 0 : i32
    %scan3A_1 = arith.constant 632 : i32
    %scan3A_2 = arith.addi %scan3A_0, %scan3A_1 : i32
    %scan3A_3 = arith.constant 1 : i32
    scf.for %scan3A_111 = %scan3A_0 to %scan3A_2 step %scan3A_3  : i32 {
      %broadcast_in_dim3A = arith.constant 0.000000e+00 : f32
      %broadcast_in_dim3A_112 = vector.broadcast %broadcast_in_dim3A : f32 to vector<16xf32>
      %swap3A = arith.index_cast %scan3A_111 : i32 to index
      %swap3A_113 = arith.constant 0 : index
      %swap3A_114 = tpu.vector_load %arg9[%swap3A, %swap3A_113] {strides = array<i32>} : memref<632x16xf32, #tpu.memory_space<vmem>>, vector<1x16xf32>,
      %swap3A_115 = vector.shape_cast %swap3A_114 : vector<1x16xf32> to vector<16xf32>
      %swap3A_116 = vector.shape_cast %broadcast_in_dim3A_112 : vector<16xf32> to vector<1x16xf32>
      tpu.vector_store %arg9[%swap3A, %swap3A_113], %swap3A_116 {strides = array<i32>} : memref<632x16xf32, #tpu.memory_space<vmem>>, vector<1x16xf32>,
    }
    %scan3A_4 = arith.constant 632 : i32
    %mul3A = arith.constant 632 : i32
    %mul3A_5 = arith.muli %arg1, %mul3A : i32
    "tpu.region"() ({
      %run_scoped3A = tpu.sem_alloc : memref<!tpu.dma_semaphore, #tpu.memory_space<semaphore_mem>>
      %dma_start3A_111 = arith.constant 0 : i32
      %dma_start3A_112 = tpu.memref_slice %arg10[%mul3A_5, %dma_start3A_111] : memref<10112x16xf32, #tpu.memory_space<vmem_shared>> -> memref<632x16xf32, #tpu.memory_space<vmem_shared>>
      %dma_start3A_113 = arith.constant 0 : i32
      %dma_start3A_114 = tpu.memref_slice %arg10[%mul3A_5, %dma_start3A_113] : memref<10112x16xf32, #tpu.memory_space<vmem_shared>> -> memref<632x16xf32, #tpu.memory_space<vmem_shared>>
      tpu.enqueue_dma source(%arg9 : memref<632x16xf32, #tpu.memory_space<vmem>>) target(%dma_start3A_114 : memref<632x16xf32, #tpu.memory_space<vmem_shared>>) target_semaphore(%run_scoped3A : memref<!tpu.dma_semaphore, #tpu.memory_space<semaphore_mem>>)
      %dma_wait3A_115 = arith.constant 0 : i32
      %dma_wait3A_116 = tpu.memref_slice %arg10[%mul3A_5, %dma_wait3A_115] : memref<10112x16xf32, #tpu.memory_space<vmem_shared>> -> memref<632x16xf32, #tpu.memory_space<vmem_shared>>
      %dma_wait3A_117 = arith.constant 0 : i32
      %dma_wait3A_118 = tpu.memref_slice %arg10[%mul3A_5, %dma_wait3A_117] : memref<10112x16xf32, #tpu.memory_space<vmem_shared>> -> memref<632x16xf32, #tpu.memory_space<vmem_shared>>
      tpu.wait_dma2 semaphore(%run_scoped3A : memref<!tpu.dma_semaphore, #tpu.memory_space<semaphore_mem>>) src(%arg9 : memref<632x16xf32, #tpu.memory_space<vmem>>) dst(%dma_wait3A_118 : memref<632x16xf32, #tpu.memory_space<vmem_shared>>)
      tpu.yield
    }) : () -> ()
    %barrier3A = arith.constant 0 : index
    tpu.barrier barrier_id(%barrier3A)
    %dma_start3A = arith.constant 0 : i32
    %dma_start3A_6 = arith.constant 0 : i32
    %dma_start3A_7 = arith.constant 0 : i32
    %dma_start3A_8 = arith.constant 0 : i32
    %dma_start3A_9 = tpu.memref_slice %arg8[%dma_start3A_6, %dma_start3A_7, %dma_start3A_8] : memref<8x128x16xf32, #tpu.memory_space<vmem>> -> memref<1x128x16xf32, #tpu.memory_space<vmem>>
    %dma_start3A_10 = tpu.memref_squeeze %dma_start3A_9 : memref<1x128x16xf32, #tpu.memory_space<vmem>> -> memref<128x16xf32, #tpu.memory_space<vmem>>
    %dma_start3A_11 = arith.constant 0 : i32
    %dma_start3A_12 = tpu.memref_slice %arg6[%dma_start3A, %dma_start3A_11] : memref<84x128xi32, #tpu.memory_space<vmem>> -> memref<1x128xi32, #tpu.memory_space<vmem>>
    %dma_start3A_13 = tpu.memref_squeeze %dma_start3A_12 : memref<1x128xi32, #tpu.memory_space<vmem>> -> memref<128xi32, #tpu.memory_space<vmem>>
    %dma_start3A_14 = arith.constant 0 : i32
    %dma_start3A_15 = arith.constant 0 : i32
    %dma_start3A_16 = tpu.memref_slice %arg2[%dma_start3A_14, %dma_start3A_15] : memref<10000x16xf32, #tpu.memory_space<hbm>> -> memref<10000x16xf32, #tpu.memory_space<hbm>>
    tpu.enqueue_indirect_dma source(%dma_start3A_16 : memref<10000x16xf32, #tpu.memory_space<hbm>>) target(%dma_start3A_10 : memref<128x16xf32, #tpu.memory_space<vmem>>) offsets(%dma_start3A_13 : memref<128xi32, #tpu.memory_space<vmem>>) semaphore(%arg11 : memref<!tpu.dma_semaphore, #tpu.memory_space<semaphore_mem>>)
    %dma_start3A_17 = arith.constant 1 : i32
    %dma_start3A_18 = arith.constant 1 : i32
    %dma_start3A_19 = arith.constant 0 : i32
    %dma_start3A_20 = arith.constant 0 : i32
    %dma_start3A_21 = tpu.memref_slice %arg8[%dma_start3A_18, %dma_start3A_19, %dma_start3A_20] : memref<8x128x16xf32, #tpu.memory_space<vmem>> -> memref<1x128x16xf32, #tpu.memory_space<vmem>>
    %dma_start3A_22 = tpu.memref_squeeze %dma_start3A_21 : memref<1x128x16xf32, #tpu.memory_space<vmem>> -> memref<128x16xf32, #tpu.memory_space<vmem>>
    %dma_start3A_23 = arith.constant 0 : i32
    %dma_start3A_24 = tpu.memref_slice %arg6[%dma_start3A_17, %dma_start3A_23] : memref<84x128xi32, #tpu.memory_space<vmem>> -> memref<1x128xi32, #tpu.memory_space<vmem>>
    %dma_start3A_25 = tpu.memref_squeeze %dma_start3A_24 : memref<1x128xi32, #tpu.memory_space<vmem>> -> memref<128xi32, #tpu.memory_space<vmem>>
    %dma_start3A_26 = arith.constant 0 : i32
    %dma_start3A_27 = arith.constant 0 : i32
    %dma_start3A_28 = tpu.memref_slice %arg2[%dma_start3A_26, %dma_start3A_27] : memref<10000x16xf32, #tpu.memory_space<hbm>> -> memref<10000x16xf32, #tpu.memory_space<hbm>>
    tpu.enqueue_indirect_dma source(%dma_start3A_28 : memref<10000x16xf32, #tpu.memory_space<hbm>>) target(%dma_start3A_22 : memref<128x16xf32, #tpu.memory_space<vmem>>) offsets(%dma_start3A_25 : memref<128xi32, #tpu.memory_space<vmem>>) semaphore(%arg11 : memref<!tpu.dma_semaphore, #tpu.memory_space<semaphore_mem>>)
    %dma_start3A_29 = arith.constant 2 : i32
    %dma_start3A_30 = arith.constant 2 : i32
    %dma_start3A_31 = arith.constant 0 : i32
    %dma_start3A_32 = arith.constant 0 : i32
    %dma_start3A_33 = tpu.memref_slice %arg8[%dma_start3A_30, %dma_start3A_31, %dma_start3A_32] : memref<8x128x16xf32, #tpu.memory_space<vmem>> -> memref<1x128x16xf32, #tpu.memory_space<vmem>>
    %dma_start3A_34 = tpu.memref_squeeze %dma_start3A_33 : memref<1x128x16xf32, #tpu.memory_space<vmem>> -> memref<128x16xf32, #tpu.memory_space<vmem>>
    %dma_start3A_35 = arith.constant 0 : i32
    %dma_start3A_36 = tpu.memref_slice %arg6[%dma_start3A_29, %dma_start3A_35] : memref<84x128xi32, #tpu.memory_space<vmem>> -> memref<1x128xi32, #tpu.memory_space<vmem>>
    %dma_start3A_37 = tpu.memref_squeeze %dma_start3A_36 : memref<1x128xi32, #tpu.memory_space<vmem>> -> memref<128xi32, #tpu.memory_space<vmem>>
    %dma_start3A_38 = arith.constant 0 : i32
    %dma_start3A_39 = arith.constant 0 : i32
    %dma_start3A_40 = tpu.memref_slice %arg2[%dma_start3A_38, %dma_start3A_39] : memref<10000x16xf32, #tpu.memory_space<hbm>> -> memref<10000x16xf32, #tpu.memory_space<hbm>>
    tpu.enqueue_indirect_dma source(%dma_start3A_40 : memref<10000x16xf32, #tpu.memory_space<hbm>>) target(%dma_start3A_34 : memref<128x16xf32, #tpu.memory_space<vmem>>) offsets(%dma_start3A_37 : memref<128xi32, #tpu.memory_space<vmem>>) semaphore(%arg11 : memref<!tpu.dma_semaphore, #tpu.memory_space<semaphore_mem>>)
    %dma_start3A_41 = arith.constant 3 : i32
    %dma_start3A_42 = arith.constant 3 : i32
    %dma_start3A_43 = arith.constant 0 : i32
    %dma_start3A_44 = arith.constant 0 : i32
    %dma_start3A_45 = tpu.memref_slice %arg8[%dma_start3A_42, %dma_start3A_43, %dma_start3A_44] : memref<8x128x16xf32, #tpu.memory_space<vmem>> -> memref<1x128x16xf32, #tpu.memory_space<vmem>>
    %dma_start3A_46 = tpu.memref_squeeze %dma_start3A_45 : memref<1x128x16xf32, #tpu.memory_space<vmem>> -> memref<128x16xf32, #tpu.memory_space<vmem>>
    %dma_start3A_47 = arith.constant 0 : i32
    %dma_start3A_48 = tpu.memref_slice %arg6[%dma_start3A_41, %dma_start3A_47] : memref<84x128xi32, #tpu.memory_space<vmem>> -> memref<1x128xi32, #tpu.memory_space<vmem>>
    %dma_start3A_49 = tpu.memref_squeeze %dma_start3A_48 : memref<1x128xi32, #tpu.memory_space<vmem>> -> memref<128xi32, #tpu.memory_space<vmem>>
    %dma_start3A_50 = arith.constant 0 : i32
    %dma_start3A_51 = arith.constant 0 : i32
    %dma_start3A_52 = tpu.memref_slice %arg2[%dma_start3A_50, %dma_start3A_51] : memref<10000x16xf32, #tpu.memory_space<hbm>> -> memref<10000x16xf32, #tpu.memory_space<hbm>>
    tpu.enqueue_indirect_dma source(%dma_start3A_52 : memref<10000x16xf32, #tpu.memory_space<hbm>>) target(%dma_start3A_46 : memref<128x16xf32, #tpu.memory_space<vmem>>) offsets(%dma_start3A_49 : memref<128xi32, #tpu.memory_space<vmem>>) semaphore(%arg11 : memref<!tpu.dma_semaphore, #tpu.memory_space<semaphore_mem>>)
    %scan3A_53 = arith.constant 0 : i32
    %scan3A_54 = arith.constant 0 : i32
    %scan3A_55 = arith.constant 10 : i32
    %scan3A_56 = arith.addi %scan3A_54, %scan3A_55 : i32
    %scan3A_57 = arith.constant 1 : i32
    scf.for %scan3A_111 = %scan3A_54 to %scan3A_56 step %scan3A_57  : i32 {
      %mul3A_112 = arith.constant 8 : i32
      %mul3A_113 = arith.muli %mul3A_112, %scan3A_111 : i32
      %add3A = arith.constant 0 : i32
      %add3A_114 = arith.addi %mul3A_113, %add3A : i32
      %dma_wait3A_115 = arith.constant 0 : i32
      %dma_wait3A_116 = arith.constant 0 : i32
      %dma_wait3A_117 = arith.constant 0 : i32
      %dma_wait3A_118 = tpu.memref_slice %arg8[%dma_wait3A_115, %dma_wait3A_116, %dma_wait3A_117] : memref<8x128x16xf32, #tpu.memory_space<vmem>> -> memref<1x128x16xf32, #tpu.memory_space<vmem>>
      %dma_wait3A_119 = tpu.memref_squeeze %dma_wait3A_118 : memref<1x128x16xf32, #tpu.memory_space<vmem>> -> memref<128x16xf32, #tpu.memory_space<vmem>>
      %dma_wait3A_120 = arith.constant 0 : i32
      %dma_wait3A_121 = tpu.memref_slice %arg6[%add3A_114, %dma_wait3A_120] : memref<84x128xi32, #tpu.memory_space<vmem>> -> memref<1x128xi32, #tpu.memory_space<vmem>>
      %dma_wait3A_122 = tpu.memref_squeeze %dma_wait3A_121 : memref<1x128xi32, #tpu.memory_space<vmem>> -> memref<128xi32, #tpu.memory_space<vmem>>
      %dma_wait3A_123 = arith.constant 0 : i32
      %dma_wait3A_124 = arith.constant 0 : i32
      %dma_wait3A_125 = tpu.memref_slice %arg2[%dma_wait3A_123, %dma_wait3A_124] : memref<10000x16xf32, #tpu.memory_space<hbm>> -> memref<10000x16xf32, #tpu.memory_space<hbm>>
      tpu.wait_indirect_dma semaphore(%arg11 : memref<!tpu.dma_semaphore, #tpu.memory_space<semaphore_mem>>) src(%dma_wait3A_125 : memref<10000x16xf32, #tpu.memory_space<hbm>>) dst(%dma_wait3A_119 : memref<128x16xf32, #tpu.memory_space<vmem>>)
      %add3A_126 = arith.constant 4 : i32
      %add3A_127 = arith.addi %mul3A_113, %add3A_126 : i32
      %add3A_128 = arith.constant 0 : i32
      %add3A_129 = arith.addi %add3A_127, %add3A_128 : i32
      %dma_start3A_130 = arith.constant 4 : i32
      %dma_start3A_131 = arith.constant 0 : i32
      %dma_start3A_132 = arith.constant 0 : i32
      %dma_start3A_133 = tpu.memref_slice %arg8[%dma_start3A_130, %dma_start3A_131, %dma_start3A_132] : memref<8x128x16xf32, #tpu.memory_space<vmem>> -> memref<1x128x16xf32, #tpu.memory_space<vmem>>
      %dma_start3A_134 = tpu.memref_squeeze %dma_start3A_133 : memref<1x128x16xf32, #tpu.memory_space<vmem>> -> memref<128x16xf32, #tpu.memory_space<vmem>>
      %dma_start3A_135 = arith.constant 0 : i32
      %dma_start3A_136 = tpu.memref_slice %arg6[%add3A_129, %dma_start3A_135] : memref<84x128xi32, #tpu.memory_space<vmem>> -> memref<1x128xi32, #tpu.memory_space<vmem>>
      %dma_start3A_137 = tpu.memref_squeeze %dma_start3A_136 : memref<1x128xi32, #tpu.memory_space<vmem>> -> memref<128xi32, #tpu.memory_space<vmem>>
      %dma_start3A_138 = arith.constant 0 : i32
      %dma_start3A_139 = arith.constant 0 : i32
      %dma_start3A_140 = tpu.memref_slice %arg2[%dma_start3A_138, %dma_start3A_139] : memref<10000x16xf32, #tpu.memory_space<hbm>> -> memref<10000x16xf32, #tpu.memory_space<hbm>>
      tpu.enqueue_indirect_dma source(%dma_start3A_140 : memref<10000x16xf32, #tpu.memory_space<hbm>>) target(%dma_start3A_134 : memref<128x16xf32, #tpu.memory_space<vmem>>) offsets(%dma_start3A_137 : memref<128xi32, #tpu.memory_space<vmem>>) semaphore(%arg12 : memref<!tpu.dma_semaphore, #tpu.memory_space<semaphore_mem>>)
      %add3A_141 = arith.constant 1 : i32
      %add3A_142 = arith.addi %mul3A_113, %add3A_141 : i32
      %dma_wait3A_143 = arith.constant 1 : i32
      %dma_wait3A_144 = arith.constant 0 : i32
      %dma_wait3A_145 = arith.constant 0 : i32
      %dma_wait3A_146 = tpu.memref_slice %arg8[%dma_wait3A_143, %dma_wait3A_144, %dma_wait3A_145] : memref<8x128x16xf32, #tpu.memory_space<vmem>> -> memref<1x128x16xf32, #tpu.memory_space<vmem>>
      %dma_wait3A_147 = tpu.memref_squeeze %dma_wait3A_146 : memref<1x128x16xf32, #tpu.memory_space<vmem>> -> memref<128x16xf32, #tpu.memory_space<vmem>>
      %dma_wait3A_148 = arith.constant 0 : i32
      %dma_wait3A_149 = tpu.memref_slice %arg6[%add3A_142, %dma_wait3A_148] : memref<84x128xi32, #tpu.memory_space<vmem>> -> memref<1x128xi32, #tpu.memory_space<vmem>>
      %dma_wait3A_150 = tpu.memref_squeeze %dma_wait3A_149 : memref<1x128xi32, #tpu.memory_space<vmem>> -> memref<128xi32, #tpu.memory_space<vmem>>
      %dma_wait3A_151 = arith.constant 0 : i32
      %dma_wait3A_152 = arith.constant 0 : i32
      %dma_wait3A_153 = tpu.memref_slice %arg2[%dma_wait3A_151, %dma_wait3A_152] : memref<10000x16xf32, #tpu.memory_space<hbm>> -> memref<10000x16xf32, #tpu.memory_space<hbm>>
      tpu.wait_indirect_dma semaphore(%arg11 : memref<!tpu.dma_semaphore, #tpu.memory_space<semaphore_mem>>) src(%dma_wait3A_153 : memref<10000x16xf32, #tpu.memory_space<hbm>>) dst(%dma_wait3A_147 : memref<128x16xf32, #tpu.memory_space<vmem>>)
      %add3A_154 = arith.constant 4 : i32
      %add3A_155 = arith.addi %mul3A_113, %add3A_154 : i32
      %add3A_156 = arith.constant 1 : i32
      %add3A_157 = arith.addi %add3A_155, %add3A_156 : i32
      %dma_start3A_158 = arith.constant 5 : i32
      %dma_start3A_159 = arith.constant 0 : i32
      %dma_start3A_160 = arith.constant 0 : i32
      %dma_start3A_161 = tpu.memref_slice %arg8[%dma_start3A_158, %dma_start3A_159, %dma_start3A_160] : memref<8x128x16xf32, #tpu.memory_space<vmem>> -> memref<1x128x16xf32, #tpu.memory_space<vmem>>
      %dma_start3A_162 = tpu.memref_squeeze %dma_start3A_161 : memref<1x128x16xf32, #tpu.memory_space<vmem>> -> memref<128x16xf32, #tpu.memory_space<vmem>>
      %dma_start3A_163 = arith.constant 0 : i32
      %dma_start3A_164 = tpu.memref_slice %arg6[%add3A_157, %dma_start3A_163] : memref<84x128xi32, #tpu.memory_space<vmem>> -> memref<1x128xi32, #tpu.memory_space<vmem>>
      %dma_start3A_165 = tpu.memref_squeeze %dma_start3A_164 : memref<1x128xi32, #tpu.memory_space<vmem>> -> memref<128xi32, #tpu.memory_space<vmem>>
      %dma_start3A_166 = arith.constant 0 : i32
      %dma_start3A_167 = arith.constant 0 : i32
      %dma_start3A_168 = tpu.memref_slice %arg2[%dma_start3A_166, %dma_start3A_167] : memref<10000x16xf32, #tpu.memory_space<hbm>> -> memref<10000x16xf32, #tpu.memory_space<hbm>>
      tpu.enqueue_indirect_dma source(%dma_start3A_168 : memref<10000x16xf32, #tpu.memory_space<hbm>>) target(%dma_start3A_162 : memref<128x16xf32, #tpu.memory_space<vmem>>) offsets(%dma_start3A_165 : memref<128xi32, #tpu.memory_space<vmem>>) semaphore(%arg12 : memref<!tpu.dma_semaphore, #tpu.memory_space<semaphore_mem>>)
      %add3A_169 = arith.constant 2 : i32
      %add3A_170 = arith.addi %mul3A_113, %add3A_169 : i32
      %dma_wait3A_171 = arith.constant 2 : i32
      %dma_wait3A_172 = arith.constant 0 : i32
      %dma_wait3A_173 = arith.constant 0 : i32
      %dma_wait3A_174 = tpu.memref_slice %arg8[%dma_wait3A_171, %dma_wait3A_172, %dma_wait3A_173] : memref<8x128x16xf32, #tpu.memory_space<vmem>> -> memref<1x128x16xf32, #tpu.memory_space<vmem>>
      %dma_wait3A_175 = tpu.memref_squeeze %dma_wait3A_174 : memref<1x128x16xf32, #tpu.memory_space<vmem>> -> memref<128x16xf32, #tpu.memory_space<vmem>>
      %dma_wait3A_176 = arith.constant 0 : i32
      %dma_wait3A_177 = tpu.memref_slice %arg6[%add3A_170, %dma_wait3A_176] : memref<84x128xi32, #tpu.memory_space<vmem>> -> memref<1x128xi32, #tpu.memory_space<vmem>>
      %dma_wait3A_178 = tpu.memref_squeeze %dma_wait3A_177 : memref<1x128xi32, #tpu.memory_space<vmem>> -> memref<128xi32, #tpu.memory_space<vmem>>
      %dma_wait3A_179 = arith.constant 0 : i32
      %dma_wait3A_180 = arith.constant 0 : i32
      %dma_wait3A_181 = tpu.memref_slice %arg2[%dma_wait3A_179, %dma_wait3A_180] : memref<10000x16xf32, #tpu.memory_space<hbm>> -> memref<10000x16xf32, #tpu.memory_space<hbm>>
      tpu.wait_indirect_dma semaphore(%arg11 : memref<!tpu.dma_semaphore, #tpu.memory_space<semaphore_mem>>) src(%dma_wait3A_181 : memref<10000x16xf32, #tpu.memory_space<hbm>>) dst(%dma_wait3A_175 : memref<128x16xf32, #tpu.memory_space<vmem>>)
      %add3A_182 = arith.constant 4 : i32
      %add3A_183 = arith.addi %mul3A_113, %add3A_182 : i32
      %add3A_184 = arith.constant 2 : i32
      %add3A_185 = arith.addi %add3A_183, %add3A_184 : i32
      %dma_start3A_186 = arith.constant 6 : i32
      %dma_start3A_187 = arith.constant 0 : i32
      %dma_start3A_188 = arith.constant 0 : i32
      %dma_start3A_189 = tpu.memref_slice %arg8[%dma_start3A_186, %dma_start3A_187, %dma_start3A_188] : memref<8x128x16xf32, #tpu.memory_space<vmem>> -> memref<1x128x16xf32, #tpu.memory_space<vmem>>
      %dma_start3A_190 = tpu.memref_squeeze %dma_start3A_189 : memref<1x128x16xf32, #tpu.memory_space<vmem>> -> memref<128x16xf32, #tpu.memory_space<vmem>>
      %dma_start3A_191 = arith.constant 0 : i32
      %dma_start3A_192 = tpu.memref_slice %arg6[%add3A_185, %dma_start3A_191] : memref<84x128xi32, #tpu.memory_space<vmem>> -> memref<1x128xi32, #tpu.memory_space<vmem>>
      %dma_start3A_193 = tpu.memref_squeeze %dma_start3A_192 : memref<1x128xi32, #tpu.memory_space<vmem>> -> memref<128xi32, #tpu.memory_space<vmem>>
      %dma_start3A_194 = arith.constant 0 : i32
      %dma_start3A_195 = arith.constant 0 : i32
      %dma_start3A_196 = tpu.memref_slice %arg2[%dma_start3A_194, %dma_start3A_195] : memref<10000x16xf32, #tpu.memory_space<hbm>> -> memref<10000x16xf32, #tpu.memory_space<hbm>>
      tpu.enqueue_indirect_dma source(%dma_start3A_196 : memref<10000x16xf32, #tpu.memory_space<hbm>>) target(%dma_start3A_190 : memref<128x16xf32, #tpu.memory_space<vmem>>) offsets(%dma_start3A_193 : memref<128xi32, #tpu.memory_space<vmem>>) semaphore(%arg12 : memref<!tpu.dma_semaphore, #tpu.memory_space<semaphore_mem>>)
      %add3A_197 = arith.constant 3 : i32
      %add3A_198 = arith.addi %mul3A_113, %add3A_197 : i32
      %dma_wait3A_199 = arith.constant 3 : i32
      %dma_wait3A_200 = arith.constant 0 : i32
      %dma_wait3A_201 = arith.constant 0 : i32
      %dma_wait3A_202 = tpu.memref_slice %arg8[%dma_wait3A_199, %dma_wait3A_200, %dma_wait3A_201] : memref<8x128x16xf32, #tpu.memory_space<vmem>> -> memref<1x128x16xf32, #tpu.memory_space<vmem>>
      %dma_wait3A_203 = tpu.memref_squeeze %dma_wait3A_202 : memref<1x128x16xf32, #tpu.memory_space<vmem>> -> memref<128x16xf32, #tpu.memory_space<vmem>>
      %dma_wait3A_204 = arith.constant 0 : i32
      %dma_wait3A_205 = tpu.memref_slice %arg6[%add3A_198, %dma_wait3A_204] : memref<84x128xi32, #tpu.memory_space<vmem>> -> memref<1x128xi32, #tpu.memory_space<vmem>>
      %dma_wait3A_206 = tpu.memref_squeeze %dma_wait3A_205 : memref<1x128xi32, #tpu.memory_space<vmem>> -> memref<128xi32, #tpu.memory_space<vmem>>
      %dma_wait3A_207 = arith.constant 0 : i32
      %dma_wait3A_208 = arith.constant 0 : i32
      %dma_wait3A_209 = tpu.memref_slice %arg2[%dma_wait3A_207, %dma_wait3A_208] : memref<10000x16xf32, #tpu.memory_space<hbm>> -> memref<10000x16xf32, #tpu.memory_space<hbm>>
      tpu.wait_indirect_dma semaphore(%arg11 : memref<!tpu.dma_semaphore, #tpu.memory_space<semaphore_mem>>) src(%dma_wait3A_209 : memref<10000x16xf32, #tpu.memory_space<hbm>>) dst(%dma_wait3A_203 : memref<128x16xf32, #tpu.memory_space<vmem>>)
      %add3A_210 = arith.constant 4 : i32
      %add3A_211 = arith.addi %mul3A_113, %add3A_210 : i32
      %add3A_212 = arith.constant 3 : i32
      %add3A_213 = arith.addi %add3A_211, %add3A_212 : i32
      %dma_start3A_214 = arith.constant 7 : i32
      %dma_start3A_215 = arith.constant 0 : i32
      %dma_start3A_216 = arith.constant 0 : i32
      %dma_start3A_217 = tpu.memref_slice %arg8[%dma_start3A_214, %dma_start3A_215, %dma_start3A_216] : memref<8x128x16xf32, #tpu.memory_space<vmem>> -> memref<1x128x16xf32, #tpu.memory_space<vmem>>
      %dma_start3A_218 = tpu.memref_squeeze %dma_start3A_217 : memref<1x128x16xf32, #tpu.memory_space<vmem>> -> memref<128x16xf32, #tpu.memory_space<vmem>>
      %dma_start3A_219 = arith.constant 0 : i32
      %dma_start3A_220 = tpu.memref_slice %arg6[%add3A_213, %dma_start3A_219] : memref<84x128xi32, #tpu.memory_space<vmem>> -> memref<1x128xi32, #tpu.memory_space<vmem>>
      %dma_start3A_221 = tpu.memref_squeeze %dma_start3A_220 : memref<1x128xi32, #tpu.memory_space<vmem>> -> memref<128xi32, #tpu.memory_space<vmem>>
      %dma_start3A_222 = arith.constant 0 : i32
      %dma_start3A_223 = arith.constant 0 : i32
      %dma_start3A_224 = tpu.memref_slice %arg2[%dma_start3A_222, %dma_start3A_223] : memref<10000x16xf32, #tpu.memory_space<hbm>> -> memref<10000x16xf32, #tpu.memory_space<hbm>>
      tpu.enqueue_indirect_dma source(%dma_start3A_224 : memref<10000x16xf32, #tpu.memory_space<hbm>>) target(%dma_start3A_218 : memref<128x16xf32, #tpu.memory_space<vmem>>) offsets(%dma_start3A_221 : memref<128xi32, #tpu.memory_space<vmem>>) semaphore(%arg12 : memref<!tpu.dma_semaphore, #tpu.memory_space<semaphore_mem>>)
      %add3A_225 = arith.constant 0 : i32
      %add3A_226 = arith.addi %mul3A_113, %add3A_225 : i32
      %run_scoped3A = arith.constant 0 : i32
      "tpu.region"() ({
        %run_scoped3A_364 = tpu.sem_alloc : memref<!tpu.dma_semaphore, #tpu.memory_space<semaphore_mem>>
        %dma_start3A_365 = arith.constant 0 : i32
        %dma_start3A_366 = arith.constant 0 : i32
        %dma_start3A_367 = tpu.memref_slice %arg8[%run_scoped3A, %dma_start3A_365, %dma_start3A_366] : memref<8x128x16xf32, #tpu.memory_space<vmem>> -> memref<1x128x16xf32, #tpu.memory_space<vmem>>
        %dma_start3A_368 = tpu.memref_squeeze %dma_start3A_367 : memref<1x128x16xf32, #tpu.memory_space<vmem>> -> memref<128x16xf32, #tpu.memory_space<vmem>>
        %dma_start3A_369 = arith.constant 0 : i32
        %dma_start3A_370 = tpu.memref_slice %arg7[%add3A_226, %dma_start3A_369] : memref<84x128xi32, #tpu.memory_space<vmem>> -> memref<1x128xi32, #tpu.memory_space<vmem>>
        %dma_start3A_371 = tpu.memref_squeeze %dma_start3A_370 : memref<1x128xi32, #tpu.memory_space<vmem>> -> memref<128xi32, #tpu.memory_space<vmem>>
        %dma_start3A_372 = arith.constant 0 : i32
        %dma_start3A_373 = arith.constant 0 : i32
        %dma_start3A_374 = tpu.memref_slice %arg10[%dma_start3A_372, %dma_start3A_373] : memref<10112x16xf32, #tpu.memory_space<vmem_shared>> -> memref<10112x16xf32, #tpu.memory_space<vmem_shared>>
        tpu.enqueue_indirect_dma source(%dma_start3A_368 : memref<128x16xf32, #tpu.memory_space<vmem>>) target(%dma_start3A_374 : memref<10112x16xf32, #tpu.memory_space<vmem_shared>>) offsets(%dma_start3A_371 : memref<128xi32, #tpu.memory_space<vmem>>) semaphore(%run_scoped3A_364 : memref<!tpu.dma_semaphore, #tpu.memory_space<semaphore_mem>>) {add = true}
        %dma_wait3A_375 = arith.constant 0 : i32
        %dma_wait3A_376 = arith.constant 0 : i32
        %dma_wait3A_377 = tpu.memref_slice %arg8[%run_scoped3A, %dma_wait3A_375, %dma_wait3A_376] : memref<8x128x16xf32, #tpu.memory_space<vmem>> -> memref<1x128x16xf32, #tpu.memory_space<vmem>>
        %dma_wait3A_378 = tpu.memref_squeeze %dma_wait3A_377 : memref<1x128x16xf32, #tpu.memory_space<vmem>> -> memref<128x16xf32, #tpu.memory_space<vmem>>
        %dma_wait3A_379 = arith.constant 0 : i32
        %dma_wait3A_380 = tpu.memref_slice %arg7[%add3A_226, %dma_wait3A_379] : memref<84x128xi32, #tpu.memory_space<vmem>> -> memref<1x128xi32, #tpu.memory_space<vmem>>
        %dma_wait3A_381 = tpu.memref_squeeze %dma_wait3A_380 : memref<1x128xi32, #tpu.memory_space<vmem>> -> memref<128xi32, #tpu.memory_space<vmem>>
        %dma_wait3A_382 = arith.constant 0 : i32
        %dma_wait3A_383 = arith.constant 0 : i32
        %dma_wait3A_384 = tpu.memref_slice %arg10[%dma_wait3A_382, %dma_wait3A_383] : memref<10112x16xf32, #tpu.memory_space<vmem_shared>> -> memref<10112x16xf32, #tpu.memory_space<vmem_shared>>
        tpu.wait_indirect_dma semaphore(%run_scoped3A_364 : memref<!tpu.dma_semaphore, #tpu.memory_space<semaphore_mem>>) src(%dma_wait3A_378 : memref<128x16xf32, #tpu.memory_space<vmem>>) dst(%dma_wait3A_384 : memref<10112x16xf32, #tpu.memory_space<vmem_shared>>)
        tpu.yield
      }) : () -> ()
      %add3A_227 = arith.constant 1 : i32
      %add3A_228 = arith.addi %mul3A_113, %add3A_227 : i32
      %run_scoped3A_229 = arith.constant 1 : i32
      "tpu.region"() ({
        %run_scoped3A_364 = tpu.sem_alloc : memref<!tpu.dma_semaphore, #tpu.memory_space<semaphore_mem>>
        %dma_start3A_365 = arith.constant 0 : i32
        %dma_start3A_366 = arith.constant 0 : i32
        %dma_start3A_367 = tpu.memref_slice %arg8[%run_scoped3A_229, %dma_start3A_365, %dma_start3A_366] : memref<8x128x16xf32, #tpu.memory_space<vmem>> -> memref<1x128x16xf32, #tpu.memory_space<vmem>>
        %dma_start3A_368 = tpu.memref_squeeze %dma_start3A_367 : memref<1x128x16xf32, #tpu.memory_space<vmem>> -> memref<128x16xf32, #tpu.memory_space<vmem>>
        %dma_start3A_369 = arith.constant 0 : i32
        %dma_start3A_370 = tpu.memref_slice %arg7[%add3A_228, %dma_start3A_369] : memref<84x128xi32, #tpu.memory_space<vmem>> -> memref<1x128xi32, #tpu.memory_space<vmem>>
        %dma_start3A_371 = tpu.memref_squeeze %dma_start3A_370 : memref<1x128xi32, #tpu.memory_space<vmem>> -> memref<128xi32, #tpu.memory_space<vmem>>
        %dma_start3A_372 = arith.constant 0 : i32
        %dma_start3A_373 = arith.constant 0 : i32
        %dma_start3A_374 = tpu.memref_slice %arg10[%dma_start3A_372, %dma_start3A_373] : memref<10112x16xf32, #tpu.memory_space<vmem_shared>> -> memref<10112x16xf32, #tpu.memory_space<vmem_shared>>
        tpu.enqueue_indirect_dma source(%dma_start3A_368 : memref<128x16xf32, #tpu.memory_space<vmem>>) target(%dma_start3A_374 : memref<10112x16xf32, #tpu.memory_space<vmem_shared>>) offsets(%dma_start3A_371 : memref<128xi32, #tpu.memory_space<vmem>>) semaphore(%run_scoped3A_364 : memref<!tpu.dma_semaphore, #tpu.memory_space<semaphore_mem>>) {add = true}
        %dma_wait3A_375 = arith.constant 0 : i32
        %dma_wait3A_376 = arith.constant 0 : i32
        %dma_wait3A_377 = tpu.memref_slice %arg8[%run_scoped3A_229, %dma_wait3A_375, %dma_wait3A_376] : memref<8x128x16xf32, #tpu.memory_space<vmem>> -> memref<1x128x16xf32, #tpu.memory_space<vmem>>
        %dma_wait3A_378 = tpu.memref_squeeze %dma_wait3A_377 : memref<1x128x16xf32, #tpu.memory_space<vmem>> -> memref<128x16xf32, #tpu.memory_space<vmem>>
        %dma_wait3A_379 = arith.constant 0 : i32
        %dma_wait3A_380 = tpu.memref_slice %arg7[%add3A_228, %dma_wait3A_379] : memref<84x128xi32, #tpu.memory_space<vmem>> -> memref<1x128xi32, #tpu.memory_space<vmem>>
        %dma_wait3A_381 = tpu.memref_squeeze %dma_wait3A_380 : memref<1x128xi32, #tpu.memory_space<vmem>> -> memref<128xi32, #tpu.memory_space<vmem>>
        %dma_wait3A_382 = arith.constant 0 : i32
        %dma_wait3A_383 = arith.constant 0 : i32
        %dma_wait3A_384 = tpu.memref_slice %arg10[%dma_wait3A_382, %dma_wait3A_383] : memref<10112x16xf32, #tpu.memory_space<vmem_shared>> -> memref<10112x16xf32, #tpu.memory_space<vmem_shared>>
        tpu.wait_indirect_dma semaphore(%run_scoped3A_364 : memref<!tpu.dma_semaphore, #tpu.memory_space<semaphore_mem>>) src(%dma_wait3A_378 : memref<128x16xf32, #tpu.memory_space<vmem>>) dst(%dma_wait3A_384 : memref<10112x16xf32, #tpu.memory_space<vmem_shared>>)
        tpu.yield
      }) : () -> ()
      %add3A_230 = arith.constant 2 : i32
      %add3A_231 = arith.addi %mul3A_113, %add3A_230 : i32
      %run_scoped3A_232 = arith.constant 2 : i32
      "tpu.region"() ({
        %run_scoped3A_364 = tpu.sem_alloc : memref<!tpu.dma_semaphore, #tpu.memory_space<semaphore_mem>>
        %dma_start3A_365 = arith.constant 0 : i32
        %dma_start3A_366 = arith.constant 0 : i32
        %dma_start3A_367 = tpu.memref_slice %arg8[%run_scoped3A_232, %dma_start3A_365, %dma_start3A_366] : memref<8x128x16xf32, #tpu.memory_space<vmem>> -> memref<1x128x16xf32, #tpu.memory_space<vmem>>
        %dma_start3A_368 = tpu.memref_squeeze %dma_start3A_367 : memref<1x128x16xf32, #tpu.memory_space<vmem>> -> memref<128x16xf32, #tpu.memory_space<vmem>>
        %dma_start3A_369 = arith.constant 0 : i32
        %dma_start3A_370 = tpu.memref_slice %arg7[%add3A_231, %dma_start3A_369] : memref<84x128xi32, #tpu.memory_space<vmem>> -> memref<1x128xi32, #tpu.memory_space<vmem>>
        %dma_start3A_371 = tpu.memref_squeeze %dma_start3A_370 : memref<1x128xi32, #tpu.memory_space<vmem>> -> memref<128xi32, #tpu.memory_space<vmem>>
        %dma_start3A_372 = arith.constant 0 : i32
        %dma_start3A_373 = arith.constant 0 : i32
        %dma_start3A_374 = tpu.memref_slice %arg10[%dma_start3A_372, %dma_start3A_373] : memref<10112x16xf32, #tpu.memory_space<vmem_shared>> -> memref<10112x16xf32, #tpu.memory_space<vmem_shared>>
        tpu.enqueue_indirect_dma source(%dma_start3A_368 : memref<128x16xf32, #tpu.memory_space<vmem>>) target(%dma_start3A_374 : memref<10112x16xf32, #tpu.memory_space<vmem_shared>>) offsets(%dma_start3A_371 : memref<128xi32, #tpu.memory_space<vmem>>) semaphore(%run_scoped3A_364 : memref<!tpu.dma_semaphore, #tpu.memory_space<semaphore_mem>>) {add = true}
        %dma_wait3A_375 = arith.constant 0 : i32
        %dma_wait3A_376 = arith.constant 0 : i32
        %dma_wait3A_377 = tpu.memref_slice %arg8[%run_scoped3A_232, %dma_wait3A_375, %dma_wait3A_376] : memref<8x128x16xf32, #tpu.memory_space<vmem>> -> memref<1x128x16xf32, #tpu.memory_space<vmem>>
        %dma_wait3A_378 = tpu.memref_squeeze %dma_wait3A_377 : memref<1x128x16xf32, #tpu.memory_space<vmem>> -> memref<128x16xf32, #tpu.memory_space<vmem>>
        %dma_wait3A_379 = arith.constant 0 : i32
        %dma_wait3A_380 = tpu.memref_slice %arg7[%add3A_231, %dma_wait3A_379] : memref<84x128xi32, #tpu.memory_space<vmem>> -> memref<1x128xi32, #tpu.memory_space<vmem>>
        %dma_wait3A_381 = tpu.memref_squeeze %dma_wait3A_380 : memref<1x128xi32, #tpu.memory_space<vmem>> -> memref<128xi32, #tpu.memory_space<vmem>>
        %dma_wait3A_382 = arith.constant 0 : i32
        %dma_wait3A_383 = arith.constant 0 : i32
        %dma_wait3A_384 = tpu.memref_slice %arg10[%dma_wait3A_382, %dma_wait3A_383] : memref<10112x16xf32, #tpu.memory_space<vmem_shared>> -> memref<10112x16xf32, #tpu.memory_space<vmem_shared>>
        tpu.wait_indirect_dma semaphore(%run_scoped3A_364 : memref<!tpu.dma_semaphore, #tpu.memory_space<semaphore_mem>>) src(%dma_wait3A_378 : memref<128x16xf32, #tpu.memory_space<vmem>>) dst(%dma_wait3A_384 : memref<10112x16xf32, #tpu.memory_space<vmem_shared>>)
        tpu.yield
      }) : () -> ()
      %add3A_233 = arith.constant 3 : i32
      %add3A_234 = arith.addi %mul3A_113, %add3A_233 : i32
      %run_scoped3A_235 = arith.constant 3 : i32
      "tpu.region"() ({
        %run_scoped3A_364 = tpu.sem_alloc : memref<!tpu.dma_semaphore, #tpu.memory_space<semaphore_mem>>
        %dma_start3A_365 = arith.constant 0 : i32
        %dma_start3A_366 = arith.constant 0 : i32
        %dma_start3A_367 = tpu.memref_slice %arg8[%run_scoped3A_235, %dma_start3A_365, %dma_start3A_366] : memref<8x128x16xf32, #tpu.memory_space<vmem>> -> memref<1x128x16xf32, #tpu.memory_space<vmem>>
        %dma_start3A_368 = tpu.memref_squeeze %dma_start3A_367 : memref<1x128x16xf32, #tpu.memory_space<vmem>> -> memref<128x16xf32, #tpu.memory_space<vmem>>
        %dma_start3A_369 = arith.constant 0 : i32
        %dma_start3A_370 = tpu.memref_slice %arg7[%add3A_234, %dma_start3A_369] : memref<84x128xi32, #tpu.memory_space<vmem>> -> memref<1x128xi32, #tpu.memory_space<vmem>>
        %dma_start3A_371 = tpu.memref_squeeze %dma_start3A_370 : memref<1x128xi32, #tpu.memory_space<vmem>> -> memref<128xi32, #tpu.memory_space<vmem>>
        %dma_start3A_372 = arith.constant 0 : i32
        %dma_start3A_373 = arith.constant 0 : i32
        %dma_start3A_374 = tpu.memref_slice %arg10[%dma_start3A_372, %dma_start3A_373] : memref<10112x16xf32, #tpu.memory_space<vmem_shared>> -> memref<10112x16xf32, #tpu.memory_space<vmem_shared>>
        tpu.enqueue_indirect_dma source(%dma_start3A_368 : memref<128x16xf32, #tpu.memory_space<vmem>>) target(%dma_start3A_374 : memref<10112x16xf32, #tpu.memory_space<vmem_shared>>) offsets(%dma_start3A_371 : memref<128xi32, #tpu.memory_space<vmem>>) semaphore(%run_scoped3A_364 : memref<!tpu.dma_semaphore, #tpu.memory_space<semaphore_mem>>) {add = true}
        %dma_wait3A_375 = arith.constant 0 : i32
        %dma_wait3A_376 = arith.constant 0 : i32
        %dma_wait3A_377 = tpu.memref_slice %arg8[%run_scoped3A_235, %dma_wait3A_375, %dma_wait3A_376] : memref<8x128x16xf32, #tpu.memory_space<vmem>> -> memref<1x128x16xf32, #tpu.memory_space<vmem>>
        %dma_wait3A_378 = tpu.memref_squeeze %dma_wait3A_377 : memref<1x128x16xf32, #tpu.memory_space<vmem>> -> memref<128x16xf32, #tpu.memory_space<vmem>>
        %dma_wait3A_379 = arith.constant 0 : i32
        %dma_wait3A_380 = tpu.memref_slice %arg7[%add3A_234, %dma_wait3A_379] : memref<84x128xi32, #tpu.memory_space<vmem>> -> memref<1x128xi32, #tpu.memory_space<vmem>>
        %dma_wait3A_381 = tpu.memref_squeeze %dma_wait3A_380 : memref<1x128xi32, #tpu.memory_space<vmem>> -> memref<128xi32, #tpu.memory_space<vmem>>
        %dma_wait3A_382 = arith.constant 0 : i32
        %dma_wait3A_383 = arith.constant 0 : i32
        %dma_wait3A_384 = tpu.memref_slice %arg10[%dma_wait3A_382, %dma_wait3A_383] : memref<10112x16xf32, #tpu.memory_space<vmem_shared>> -> memref<10112x16xf32, #tpu.memory_space<vmem_shared>>
        tpu.wait_indirect_dma semaphore(%run_scoped3A_364 : memref<!tpu.dma_semaphore, #tpu.memory_space<semaphore_mem>>) src(%dma_wait3A_378 : memref<128x16xf32, #tpu.memory_space<vmem>>) dst(%dma_wait3A_384 : memref<10112x16xf32, #tpu.memory_space<vmem_shared>>)
        tpu.yield
      }) : () -> ()
      %mul3A_236 = arith.constant 8 : i32
      %mul3A_237 = arith.muli %mul3A_236, %scan3A_111 : i32
      %add3A_238 = arith.constant 4 : i32
      %add3A_239 = arith.addi %mul3A_237, %add3A_238 : i32
      %add3A_240 = arith.constant 0 : i32
      %add3A_241 = arith.addi %add3A_239, %add3A_240 : i32
      %dma_wait3A_242 = arith.constant 4 : i32
      %dma_wait3A_243 = arith.constant 0 : i32
      %dma_wait3A_244 = arith.constant 0 : i32
      %dma_wait3A_245 = tpu.memref_slice %arg8[%dma_wait3A_242, %dma_wait3A_243, %dma_wait3A_244] : memref<8x128x16xf32, #tpu.memory_space<vmem>> -> memref<1x128x16xf32, #tpu.memory_space<vmem>>
      %dma_wait3A_246 = tpu.memref_squeeze %dma_wait3A_245 : memref<1x128x16xf32, #tpu.memory_space<vmem>> -> memref<128x16xf32, #tpu.memory_space<vmem>>
      %dma_wait3A_247 = arith.constant 0 : i32
      %dma_wait3A_248 = tpu.memref_slice %arg6[%add3A_241, %dma_wait3A_247] : memref<84x128xi32, #tpu.memory_space<vmem>> -> memref<1x128xi32, #tpu.memory_space<vmem>>
      %dma_wait3A_249 = tpu.memref_squeeze %dma_wait3A_248 : memref<1x128xi32, #tpu.memory_space<vmem>> -> memref<128xi32, #tpu.memory_space<vmem>>
      %dma_wait3A_250 = arith.constant 0 : i32
      %dma_wait3A_251 = arith.constant 0 : i32
      %dma_wait3A_252 = tpu.memref_slice %arg2[%dma_wait3A_250, %dma_wait3A_251] : memref<10000x16xf32, #tpu.memory_space<hbm>> -> memref<10000x16xf32, #tpu.memory_space<hbm>>
      tpu.wait_indirect_dma semaphore(%arg12 : memref<!tpu.dma_semaphore, #tpu.memory_space<semaphore_mem>>) src(%dma_wait3A_252 : memref<10000x16xf32, #tpu.memory_space<hbm>>) dst(%dma_wait3A_246 : memref<128x16xf32, #tpu.memory_space<vmem>>)
      %add3A_253 = arith.constant 4 : i32
      %add3A_254 = arith.addi %add3A_239, %add3A_253 : i32
      %add3A_255 = arith.constant 0 : i32
      %add3A_256 = arith.addi %add3A_254, %add3A_255 : i32
      %dma_start3A_257 = arith.constant 0 : i32
      %dma_start3A_258 = arith.constant 0 : i32
      %dma_start3A_259 = arith.constant 0 : i32
      %dma_start3A_260 = tpu.memref_slice %arg8[%dma_start3A_257, %dma_start3A_258, %dma_start3A_259] : memref<8x128x16xf32, #tpu.memory_space<vmem>> -> memref<1x128x16xf32, #tpu.memory_space<vmem>>
      %dma_start3A_261 = tpu.memref_squeeze %dma_start3A_260 : memref<1x128x16xf32, #tpu.memory_space<vmem>> -> memref<128x16xf32, #tpu.memory_space<vmem>>
      %dma_start3A_262 = arith.constant 0 : i32
      %dma_start3A_263 = tpu.memref_slice %arg6[%add3A_256, %dma_start3A_262] : memref<84x128xi32, #tpu.memory_space<vmem>> -> memref<1x128xi32, #tpu.memory_space<vmem>>
      %dma_start3A_264 = tpu.memref_squeeze %dma_start3A_263 : memref<1x128xi32, #tpu.memory_space<vmem>> -> memref<128xi32, #tpu.memory_space<vmem>>
      %dma_start3A_265 = arith.constant 0 : i32
      %dma_start3A_266 = arith.constant 0 : i32
      %dma_start3A_267 = tpu.memref_slice %arg2[%dma_start3A_265, %dma_start3A_266] : memref<10000x16xf32, #tpu.memory_space<hbm>> -> memref<10000x16xf32, #tpu.memory_space<hbm>>
      tpu.enqueue_indirect_dma source(%dma_start3A_267 : memref<10000x16xf32, #tpu.memory_space<hbm>>) target(%dma_start3A_261 : memref<128x16xf32, #tpu.memory_space<vmem>>) offsets(%dma_start3A_264 : memref<128xi32, #tpu.memory_space<vmem>>) semaphore(%arg11 : memref<!tpu.dma_semaphore, #tpu.memory_space<semaphore_mem>>)
      %add3A_268 = arith.constant 1 : i32
      %add3A_269 = arith.addi %add3A_239, %add3A_268 : i32
      %dma_wait3A_270 = arith.constant 5 : i32
      %dma_wait3A_271 = arith.constant 0 : i32
      %dma_wait3A_272 = arith.constant 0 : i32
      %dma_wait3A_273 = tpu.memref_slice %arg8[%dma_wait3A_270, %dma_wait3A_271, %dma_wait3A_272] : memref<8x128x16xf32, #tpu.memory_space<vmem>> -> memref<1x128x16xf32, #tpu.memory_space<vmem>>
      %dma_wait3A_274 = tpu.memref_squeeze %dma_wait3A_273 : memref<1x128x16xf32, #tpu.memory_space<vmem>> -> memref<128x16xf32, #tpu.memory_space<vmem>>
      %dma_wait3A_275 = arith.constant 0 : i32
      %dma_wait3A_276 = tpu.memref_slice %arg6[%add3A_269, %dma_wait3A_275] : memref<84x128xi32, #tpu.memory_space<vmem>> -> memref<1x128xi32, #tpu.memory_space<vmem>>
      %dma_wait3A_277 = tpu.memref_squeeze %dma_wait3A_276 : memref<1x128xi32, #tpu.memory_space<vmem>> -> memref<128xi32, #tpu.memory_space<vmem>>
      %dma_wait3A_278 = arith.constant 0 : i32
      %dma_wait3A_279 = arith.constant 0 : i32
      %dma_wait3A_280 = tpu.memref_slice %arg2[%dma_wait3A_278, %dma_wait3A_279] : memref<10000x16xf32, #tpu.memory_space<hbm>> -> memref<10000x16xf32, #tpu.memory_space<hbm>>
      tpu.wait_indirect_dma semaphore(%arg12 : memref<!tpu.dma_semaphore, #tpu.memory_space<semaphore_mem>>) src(%dma_wait3A_280 : memref<10000x16xf32, #tpu.memory_space<hbm>>) dst(%dma_wait3A_274 : memref<128x16xf32, #tpu.memory_space<vmem>>)
      %add3A_281 = arith.constant 4 : i32
      %add3A_282 = arith.addi %add3A_239, %add3A_281 : i32
      %add3A_283 = arith.constant 1 : i32
      %add3A_284 = arith.addi %add3A_282, %add3A_283 : i32
      %dma_start3A_285 = arith.constant 1 : i32
      %dma_start3A_286 = arith.constant 0 : i32
      %dma_start3A_287 = arith.constant 0 : i32
      %dma_start3A_288 = tpu.memref_slice %arg8[%dma_start3A_285, %dma_start3A_286, %dma_start3A_287] : memref<8x128x16xf32, #tpu.memory_space<vmem>> -> memref<1x128x16xf32, #tpu.memory_space<vmem>>
      %dma_start3A_289 = tpu.memref_squeeze %dma_start3A_288 : memref<1x128x16xf32, #tpu.memory_space<vmem>> -> memref<128x16xf32, #tpu.memory_space<vmem>>
      %dma_start3A_290 = arith.constant 0 : i32
      %dma_start3A_291 = tpu.memref_slice %arg6[%add3A_284, %dma_start3A_290] : memref<84x128xi32, #tpu.memory_space<vmem>> -> memref<1x128xi32, #tpu.memory_space<vmem>>
      %dma_start3A_292 = tpu.memref_squeeze %dma_start3A_291 : memref<1x128xi32, #tpu.memory_space<vmem>> -> memref<128xi32, #tpu.memory_space<vmem>>
      %dma_start3A_293 = arith.constant 0 : i32
      %dma_start3A_294 = arith.constant 0 : i32
      %dma_start3A_295 = tpu.memref_slice %arg2[%dma_start3A_293, %dma_start3A_294] : memref<10000x16xf32, #tpu.memory_space<hbm>> -> memref<10000x16xf32, #tpu.memory_space<hbm>>
      tpu.enqueue_indirect_dma source(%dma_start3A_295 : memref<10000x16xf32, #tpu.memory_space<hbm>>) target(%dma_start3A_289 : memref<128x16xf32, #tpu.memory_space<vmem>>) offsets(%dma_start3A_292 : memref<128xi32, #tpu.memory_space<vmem>>) semaphore(%arg11 : memref<!tpu.dma_semaphore, #tpu.memory_space<semaphore_mem>>)
      %add3A_296 = arith.constant 2 : i32
      %add3A_297 = arith.addi %add3A_239, %add3A_296 : i32
      %dma_wait3A_298 = arith.constant 6 : i32
      %dma_wait3A_299 = arith.constant 0 : i32
      %dma_wait3A_300 = arith.constant 0 : i32
      %dma_wait3A_301 = tpu.memref_slice %arg8[%dma_wait3A_298, %dma_wait3A_299, %dma_wait3A_300] : memref<8x128x16xf32, #tpu.memory_space<vmem>> -> memref<1x128x16xf32, #tpu.memory_space<vmem>>
      %dma_wait3A_302 = tpu.memref_squeeze %dma_wait3A_301 : memref<1x128x16xf32, #tpu.memory_space<vmem>> -> memref<128x16xf32, #tpu.memory_space<vmem>>
      %dma_wait3A_303 = arith.constant 0 : i32
      %dma_wait3A_304 = tpu.memref_slice %arg6[%add3A_297, %dma_wait3A_303] : memref<84x128xi32, #tpu.memory_space<vmem>> -> memref<1x128xi32, #tpu.memory_space<vmem>>
      %dma_wait3A_305 = tpu.memref_squeeze %dma_wait3A_304 : memref<1x128xi32, #tpu.memory_space<vmem>> -> memref<128xi32, #tpu.memory_space<vmem>>
      %dma_wait3A_306 = arith.constant 0 : i32
      %dma_wait3A_307 = arith.constant 0 : i32
      %dma_wait3A_308 = tpu.memref_slice %arg2[%dma_wait3A_306, %dma_wait3A_307] : memref<10000x16xf32, #tpu.memory_space<hbm>> -> memref<10000x16xf32, #tpu.memory_space<hbm>>
      tpu.wait_indirect_dma semaphore(%arg12 : memref<!tpu.dma_semaphore, #tpu.memory_space<semaphore_mem>>) src(%dma_wait3A_308 : memref<10000x16xf32, #tpu.memory_space<hbm>>) dst(%dma_wait3A_302 : memref<128x16xf32, #tpu.memory_space<vmem>>)
      %add3A_309 = arith.constant 4 : i32
      %add3A_310 = arith.addi %add3A_239, %add3A_309 : i32
      %add3A_311 = arith.constant 2 : i32
      %add3A_312 = arith.addi %add3A_310, %add3A_311 : i32
      %dma_start3A_313 = arith.constant 2 : i32
      %dma_start3A_314 = arith.constant 0 : i32
      %dma_start3A_315 = arith.constant 0 : i32
      %dma_start3A_316 = tpu.memref_slice %arg8[%dma_start3A_313, %dma_start3A_314, %dma_start3A_315] : memref<8x128x16xf32, #tpu.memory_space<vmem>> -> memref<1x128x16xf32, #tpu.memory_space<vmem>>
      %dma_start3A_317 = tpu.memref_squeeze %dma_start3A_316 : memref<1x128x16xf32, #tpu.memory_space<vmem>> -> memref<128x16xf32, #tpu.memory_space<vmem>>
      %dma_start3A_318 = arith.constant 0 : i32
      %dma_start3A_319 = tpu.memref_slice %arg6[%add3A_312, %dma_start3A_318] : memref<84x128xi32, #tpu.memory_space<vmem>> -> memref<1x128xi32, #tpu.memory_space<vmem>>
      %dma_start3A_320 = tpu.memref_squeeze %dma_start3A_319 : memref<1x128xi32, #tpu.memory_space<vmem>> -> memref<128xi32, #tpu.memory_space<vmem>>
      %dma_start3A_321 = arith.constant 0 : i32
      %dma_start3A_322 = arith.constant 0 : i32
      %dma_start3A_323 = tpu.memref_slice %arg2[%dma_start3A_321, %dma_start3A_322] : memref<10000x16xf32, #tpu.memory_space<hbm>> -> memref<10000x16xf32, #tpu.memory_space<hbm>>
      tpu.enqueue_indirect_dma source(%dma_start3A_323 : memref<10000x16xf32, #tpu.memory_space<hbm>>) target(%dma_start3A_317 : memref<128x16xf32, #tpu.memory_space<vmem>>) offsets(%dma_start3A_320 : memref<128xi32, #tpu.memory_space<vmem>>) semaphore(%arg11 : memref<!tpu.dma_semaphore, #tpu.memory_space<semaphore_mem>>)
      %add3A_324 = arith.constant 3 : i32
      %add3A_325 = arith.addi %add3A_239, %add3A_324 : i32
      %dma_wait3A_326 = arith.constant 7 : i32
      %dma_wait3A_327 = arith.constant 0 : i32
      %dma_wait3A_328 = arith.constant 0 : i32
      %dma_wait3A_329 = tpu.memref_slice %arg8[%dma_wait3A_326, %dma_wait3A_327, %dma_wait3A_328] : memref<8x128x16xf32, #tpu.memory_space<vmem>> -> memref<1x128x16xf32, #tpu.memory_space<vmem>>
      %dma_wait3A_330 = tpu.memref_squeeze %dma_wait3A_329 : memref<1x128x16xf32, #tpu.memory_space<vmem>> -> memref<128x16xf32, #tpu.memory_space<vmem>>
      %dma_wait3A_331 = arith.constant 0 : i32
      %dma_wait3A_332 = tpu.memref_slice %arg6[%add3A_325, %dma_wait3A_331] : memref<84x128xi32, #tpu.memory_space<vmem>> -> memref<1x128xi32, #tpu.memory_space<vmem>>
      %dma_wait3A_333 = tpu.memref_squeeze %dma_wait3A_332 : memref<1x128xi32, #tpu.memory_space<vmem>> -> memref<128xi32, #tpu.memory_space<vmem>>
      %dma_wait3A_334 = arith.constant 0 : i32
      %dma_wait3A_335 = arith.constant 0 : i32
      %dma_wait3A_336 = tpu.memref_slice %arg2[%dma_wait3A_334, %dma_wait3A_335] : memref<10000x16xf32, #tpu.memory_space<hbm>> -> memref<10000x16xf32, #tpu.memory_space<hbm>>
      tpu.wait_indirect_dma semaphore(%arg12 : memref<!tpu.dma_semaphore, #tpu.memory_space<semaphore_mem>>) src(%dma_wait3A_336 : memref<10000x16xf32, #tpu.memory_space<hbm>>) dst(%dma_wait3A_330 : memref<128x16xf32, #tpu.memory_space<vmem>>)
      %add3A_337 = arith.constant 4 : i32
      %add3A_338 = arith.addi %add3A_239, %add3A_337 : i32
      %add3A_339 = arith.constant 3 : i32
      %add3A_340 = arith.addi %add3A_338, %add3A_339 : i32
      %dma_start3A_341 = arith.constant 3 : i32
      %dma_start3A_342 = arith.constant 0 : i32
      %dma_start3A_343 = arith.constant 0 : i32
      %dma_start3A_344 = tpu.memref_slice %arg8[%dma_start3A_341, %dma_start3A_342, %dma_start3A_343] : memref<8x128x16xf32, #tpu.memory_space<vmem>> -> memref<1x128x16xf32, #tpu.memory_space<vmem>>
      %dma_start3A_345 = tpu.memref_squeeze %dma_start3A_344 : memref<1x128x16xf32, #tpu.memory_space<vmem>> -> memref<128x16xf32, #tpu.memory_space<vmem>>
      %dma_start3A_346 = arith.constant 0 : i32
      %dma_start3A_347 = tpu.memref_slice %arg6[%add3A_340, %dma_start3A_346] : memref<84x128xi32, #tpu.memory_space<vmem>> -> memref<1x128xi32, #tpu.memory_space<vmem>>
      %dma_start3A_348 = tpu.memref_squeeze %dma_start3A_347 : memref<1x128xi32, #tpu.memory_space<vmem>> -> memref<128xi32, #tpu.memory_space<vmem>>
      %dma_start3A_349 = arith.constant 0 : i32
      %dma_start3A_350 = arith.constant 0 : i32
      %dma_start3A_351 = tpu.memref_slice %arg2[%dma_start3A_349, %dma_start3A_350] : memref<10000x16xf32, #tpu.memory_space<hbm>> -> memref<10000x16xf32, #tpu.memory_space<hbm>>
      tpu.enqueue_indirect_dma source(%dma_start3A_351 : memref<10000x16xf32, #tpu.memory_space<hbm>>) target(%dma_start3A_345 : memref<128x16xf32, #tpu.memory_space<vmem>>) offsets(%dma_start3A_348 : memref<128xi32, #tpu.memory_space<vmem>>) semaphore(%arg11 : memref<!tpu.dma_semaphore, #tpu.memory_space<semaphore_mem>>)
      %add3A_352 = arith.constant 0 : i32
      %add3A_353 = arith.addi %add3A_239, %add3A_352 : i32
      %run_scoped3A_354 = arith.constant 4 : i32
      "tpu.region"() ({
        %run_scoped3A_364 = tpu.sem_alloc : memref<!tpu.dma_semaphore, #tpu.memory_space<semaphore_mem>>
        %dma_start3A_365 = arith.constant 0 : i32
        %dma_start3A_366 = arith.constant 0 : i32
        %dma_start3A_367 = tpu.memref_slice %arg8[%run_scoped3A_354, %dma_start3A_365, %dma_start3A_366] : memref<8x128x16xf32, #tpu.memory_space<vmem>> -> memref<1x128x16xf32, #tpu.memory_space<vmem>>
        %dma_start3A_368 = tpu.memref_squeeze %dma_start3A_367 : memref<1x128x16xf32, #tpu.memory_space<vmem>> -> memref<128x16xf32, #tpu.memory_space<vmem>>
        %dma_start3A_369 = arith.constant 0 : i32
        %dma_start3A_370 = tpu.memref_slice %arg7[%add3A_353, %dma_start3A_369] : memref<84x128xi32, #tpu.memory_space<vmem>> -> memref<1x128xi32, #tpu.memory_space<vmem>>
        %dma_start3A_371 = tpu.memref_squeeze %dma_start3A_370 : memref<1x128xi32, #tpu.memory_space<vmem>> -> memref<128xi32, #tpu.memory_space<vmem>>
        %dma_start3A_372 = arith.constant 0 : i32
        %dma_start3A_373 = arith.constant 0 : i32
        %dma_start3A_374 = tpu.memref_slice %arg10[%dma_start3A_372, %dma_start3A_373] : memref<10112x16xf32, #tpu.memory_space<vmem_shared>> -> memref<10112x16xf32, #tpu.memory_space<vmem_shared>>
        tpu.enqueue_indirect_dma source(%dma_start3A_368 : memref<128x16xf32, #tpu.memory_space<vmem>>) target(%dma_start3A_374 : memref<10112x16xf32, #tpu.memory_space<vmem_shared>>) offsets(%dma_start3A_371 : memref<128xi32, #tpu.memory_space<vmem>>) semaphore(%run_scoped3A_364 : memref<!tpu.dma_semaphore, #tpu.memory_space<semaphore_mem>>) {add = true}
        %dma_wait3A_375 = arith.constant 0 : i32
        %dma_wait3A_376 = arith.constant 0 : i32
        %dma_wait3A_377 = tpu.memref_slice %arg8[%run_scoped3A_354, %dma_wait3A_375, %dma_wait3A_376] : memref<8x128x16xf32, #tpu.memory_space<vmem>> -> memref<1x128x16xf32, #tpu.memory_space<vmem>>
        %dma_wait3A_378 = tpu.memref_squeeze %dma_wait3A_377 : memref<1x128x16xf32, #tpu.memory_space<vmem>> -> memref<128x16xf32, #tpu.memory_space<vmem>>
        %dma_wait3A_379 = arith.constant 0 : i32
        %dma_wait3A_380 = tpu.memref_slice %arg7[%add3A_353, %dma_wait3A_379] : memref<84x128xi32, #tpu.memory_space<vmem>> -> memref<1x128xi32, #tpu.memory_space<vmem>>
        %dma_wait3A_381 = tpu.memref_squeeze %dma_wait3A_380 : memref<1x128xi32, #tpu.memory_space<vmem>> -> memref<128xi32, #tpu.memory_space<vmem>>
        %dma_wait3A_382 = arith.constant 0 : i32
        %dma_wait3A_383 = arith.constant 0 : i32
        %dma_wait3A_384 = tpu.memref_slice %arg10[%dma_wait3A_382, %dma_wait3A_383] : memref<10112x16xf32, #tpu.memory_space<vmem_shared>> -> memref<10112x16xf32, #tpu.memory_space<vmem_shared>>
        tpu.wait_indirect_dma semaphore(%run_scoped3A_364 : memref<!tpu.dma_semaphore, #tpu.memory_space<semaphore_mem>>) src(%dma_wait3A_378 : memref<128x16xf32, #tpu.memory_space<vmem>>) dst(%dma_wait3A_384 : memref<10112x16xf32, #tpu.memory_space<vmem_shared>>)
        tpu.yield
      }) : () -> ()
      %add3A_355 = arith.constant 1 : i32
      %add3A_356 = arith.addi %add3A_239, %add3A_355 : i32
      %run_scoped3A_357 = arith.constant 5 : i32
      "tpu.region"() ({
        %run_scoped3A_364 = tpu.sem_alloc : memref<!tpu.dma_semaphore, #tpu.memory_space<semaphore_mem>>
        %dma_start3A_365 = arith.constant 0 : i32
        %dma_start3A_366 = arith.constant 0 : i32
        %dma_start3A_367 = tpu.memref_slice %arg8[%run_scoped3A_357, %dma_start3A_365, %dma_start3A_366] : memref<8x128x16xf32, #tpu.memory_space<vmem>> -> memref<1x128x16xf32, #tpu.memory_space<vmem>>
        %dma_start3A_368 = tpu.memref_squeeze %dma_start3A_367 : memref<1x128x16xf32, #tpu.memory_space<vmem>> -> memref<128x16xf32, #tpu.memory_space<vmem>>
        %dma_start3A_369 = arith.constant 0 : i32
        %dma_start3A_370 = tpu.memref_slice %arg7[%add3A_356, %dma_start3A_369] : memref<84x128xi32, #tpu.memory_space<vmem>> -> memref<1x128xi32, #tpu.memory_space<vmem>>
        %dma_start3A_371 = tpu.memref_squeeze %dma_start3A_370 : memref<1x128xi32, #tpu.memory_space<vmem>> -> memref<128xi32, #tpu.memory_space<vmem>>
        %dma_start3A_372 = arith.constant 0 : i32
        %dma_start3A_373 = arith.constant 0 : i32
        %dma_start3A_374 = tpu.memref_slice %arg10[%dma_start3A_372, %dma_start3A_373] : memref<10112x16xf32, #tpu.memory_space<vmem_shared>> -> memref<10112x16xf32, #tpu.memory_space<vmem_shared>>
        tpu.enqueue_indirect_dma source(%dma_start3A_368 : memref<128x16xf32, #tpu.memory_space<vmem>>) target(%dma_start3A_374 : memref<10112x16xf32, #tpu.memory_space<vmem_shared>>) offsets(%dma_start3A_371 : memref<128xi32, #tpu.memory_space<vmem>>) semaphore(%run_scoped3A_364 : memref<!tpu.dma_semaphore, #tpu.memory_space<semaphore_mem>>) {add = true}
        %dma_wait3A_375 = arith.constant 0 : i32
        %dma_wait3A_376 = arith.constant 0 : i32
        %dma_wait3A_377 = tpu.memref_slice %arg8[%run_scoped3A_357, %dma_wait3A_375, %dma_wait3A_376] : memref<8x128x16xf32, #tpu.memory_space<vmem>> -> memref<1x128x16xf32, #tpu.memory_space<vmem>>
        %dma_wait3A_378 = tpu.memref_squeeze %dma_wait3A_377 : memref<1x128x16xf32, #tpu.memory_space<vmem>> -> memref<128x16xf32, #tpu.memory_space<vmem>>
        %dma_wait3A_379 = arith.constant 0 : i32
        %dma_wait3A_380 = tpu.memref_slice %arg7[%add3A_356, %dma_wait3A_379] : memref<84x128xi32, #tpu.memory_space<vmem>> -> memref<1x128xi32, #tpu.memory_space<vmem>>
        %dma_wait3A_381 = tpu.memref_squeeze %dma_wait3A_380 : memref<1x128xi32, #tpu.memory_space<vmem>> -> memref<128xi32, #tpu.memory_space<vmem>>
        %dma_wait3A_382 = arith.constant 0 : i32
        %dma_wait3A_383 = arith.constant 0 : i32
        %dma_wait3A_384 = tpu.memref_slice %arg10[%dma_wait3A_382, %dma_wait3A_383] : memref<10112x16xf32, #tpu.memory_space<vmem_shared>> -> memref<10112x16xf32, #tpu.memory_space<vmem_shared>>
        tpu.wait_indirect_dma semaphore(%run_scoped3A_364 : memref<!tpu.dma_semaphore, #tpu.memory_space<semaphore_mem>>) src(%dma_wait3A_378 : memref<128x16xf32, #tpu.memory_space<vmem>>) dst(%dma_wait3A_384 : memref<10112x16xf32, #tpu.memory_space<vmem_shared>>)
        tpu.yield
      }) : () -> ()
      %add3A_358 = arith.constant 2 : i32
      %add3A_359 = arith.addi %add3A_239, %add3A_358 : i32
      %run_scoped3A_360 = arith.constant 6 : i32
      "tpu.region"() ({
        %run_scoped3A_364 = tpu.sem_alloc : memref<!tpu.dma_semaphore, #tpu.memory_space<semaphore_mem>>
        %dma_start3A_365 = arith.constant 0 : i32
        %dma_start3A_366 = arith.constant 0 : i32
        %dma_start3A_367 = tpu.memref_slice %arg8[%run_scoped3A_360, %dma_start3A_365, %dma_start3A_366] : memref<8x128x16xf32, #tpu.memory_space<vmem>> -> memref<1x128x16xf32, #tpu.memory_space<vmem>>
        %dma_start3A_368 = tpu.memref_squeeze %dma_start3A_367 : memref<1x128x16xf32, #tpu.memory_space<vmem>> -> memref<128x16xf32, #tpu.memory_space<vmem>>
        %dma_start3A_369 = arith.constant 0 : i32
        %dma_start3A_370 = tpu.memref_slice %arg7[%add3A_359, %dma_start3A_369] : memref<84x128xi32, #tpu.memory_space<vmem>> -> memref<1x128xi32, #tpu.memory_space<vmem>>
        %dma_start3A_371 = tpu.memref_squeeze %dma_start3A_370 : memref<1x128xi32, #tpu.memory_space<vmem>> -> memref<128xi32, #tpu.memory_space<vmem>>
        %dma_start3A_372 = arith.constant 0 : i32
        %dma_start3A_373 = arith.constant 0 : i32
        %dma_start3A_374 = tpu.memref_slice %arg10[%dma_start3A_372, %dma_start3A_373] : memref<10112x16xf32, #tpu.memory_space<vmem_shared>> -> memref<10112x16xf32, #tpu.memory_space<vmem_shared>>
        tpu.enqueue_indirect_dma source(%dma_start3A_368 : memref<128x16xf32, #tpu.memory_space<vmem>>) target(%dma_start3A_374 : memref<10112x16xf32, #tpu.memory_space<vmem_shared>>) offsets(%dma_start3A_371 : memref<128xi32, #tpu.memory_space<vmem>>) semaphore(%run_scoped3A_364 : memref<!tpu.dma_semaphore, #tpu.memory_space<semaphore_mem>>) {add = true}
        %dma_wait3A_375 = arith.constant 0 : i32
        %dma_wait3A_376 = arith.constant 0 : i32
        %dma_wait3A_377 = tpu.memref_slice %arg8[%run_scoped3A_360, %dma_wait3A_375, %dma_wait3A_376] : memref<8x128x16xf32, #tpu.memory_space<vmem>> -> memref<1x128x16xf32, #tpu.memory_space<vmem>>
        %dma_wait3A_378 = tpu.memref_squeeze %dma_wait3A_377 : memref<1x128x16xf32, #tpu.memory_space<vmem>> -> memref<128x16xf32, #tpu.memory_space<vmem>>
        %dma_wait3A_379 = arith.constant 0 : i32
        %dma_wait3A_380 = tpu.memref_slice %arg7[%add3A_359, %dma_wait3A_379] : memref<84x128xi32, #tpu.memory_space<vmem>> -> memref<1x128xi32, #tpu.memory_space<vmem>>
        %dma_wait3A_381 = tpu.memref_squeeze %dma_wait3A_380 : memref<1x128xi32, #tpu.memory_space<vmem>> -> memref<128xi32, #tpu.memory_space<vmem>>
        %dma_wait3A_382 = arith.constant 0 : i32
        %dma_wait3A_383 = arith.constant 0 : i32
        %dma_wait3A_384 = tpu.memref_slice %arg10[%dma_wait3A_382, %dma_wait3A_383] : memref<10112x16xf32, #tpu.memory_space<vmem_shared>> -> memref<10112x16xf32, #tpu.memory_space<vmem_shared>>
        tpu.wait_indirect_dma semaphore(%run_scoped3A_364 : memref<!tpu.dma_semaphore, #tpu.memory_space<semaphore_mem>>) src(%dma_wait3A_378 : memref<128x16xf32, #tpu.memory_space<vmem>>) dst(%dma_wait3A_384 : memref<10112x16xf32, #tpu.memory_space<vmem_shared>>)
        tpu.yield
      }) : () -> ()
      %add3A_361 = arith.constant 3 : i32
      %add3A_362 = arith.addi %add3A_239, %add3A_361 : i32
      %run_scoped3A_363 = arith.constant 7 : i32
      "tpu.region"() ({
        %run_scoped3A_364 = tpu.sem_alloc : memref<!tpu.dma_semaphore, #tpu.memory_space<semaphore_mem>>
        %dma_start3A_365 = arith.constant 0 : i32
        %dma_start3A_366 = arith.constant 0 : i32
        %dma_start3A_367 = tpu.memref_slice %arg8[%run_scoped3A_363, %dma_start3A_365, %dma_start3A_366] : memref<8x128x16xf32, #tpu.memory_space<vmem>> -> memref<1x128x16xf32, #tpu.memory_space<vmem>>
        %dma_start3A_368 = tpu.memref_squeeze %dma_start3A_367 : memref<1x128x16xf32, #tpu.memory_space<vmem>> -> memref<128x16xf32, #tpu.memory_space<vmem>>
        %dma_start3A_369 = arith.constant 0 : i32
        %dma_start3A_370 = tpu.memref_slice %arg7[%add3A_362, %dma_start3A_369] : memref<84x128xi32, #tpu.memory_space<vmem>> -> memref<1x128xi32, #tpu.memory_space<vmem>>
        %dma_start3A_371 = tpu.memref_squeeze %dma_start3A_370 : memref<1x128xi32, #tpu.memory_space<vmem>> -> memref<128xi32, #tpu.memory_space<vmem>>
        %dma_start3A_372 = arith.constant 0 : i32
        %dma_start3A_373 = arith.constant 0 : i32
        %dma_start3A_374 = tpu.memref_slice %arg10[%dma_start3A_372, %dma_start3A_373] : memref<10112x16xf32, #tpu.memory_space<vmem_shared>> -> memref<10112x16xf32, #tpu.memory_space<vmem_shared>>
        tpu.enqueue_indirect_dma source(%dma_start3A_368 : memref<128x16xf32, #tpu.memory_space<vmem>>) target(%dma_start3A_374 : memref<10112x16xf32, #tpu.memory_space<vmem_shared>>) offsets(%dma_start3A_371 : memref<128xi32, #tpu.memory_space<vmem>>) semaphore(%run_scoped3A_364 : memref<!tpu.dma_semaphore, #tpu.memory_space<semaphore_mem>>) {add = true}
        %dma_wait3A_375 = arith.constant 0 : i32
        %dma_wait3A_376 = arith.constant 0 : i32
        %dma_wait3A_377 = tpu.memref_slice %arg8[%run_scoped3A_363, %dma_wait3A_375, %dma_wait3A_376] : memref<8x128x16xf32, #tpu.memory_space<vmem>> -> memref<1x128x16xf32, #tpu.memory_space<vmem>>
        %dma_wait3A_378 = tpu.memref_squeeze %dma_wait3A_377 : memref<1x128x16xf32, #tpu.memory_space<vmem>> -> memref<128x16xf32, #tpu.memory_space<vmem>>
        %dma_wait3A_379 = arith.constant 0 : i32
        %dma_wait3A_380 = tpu.memref_slice %arg7[%add3A_362, %dma_wait3A_379] : memref<84x128xi32, #tpu.memory_space<vmem>> -> memref<1x128xi32, #tpu.memory_space<vmem>>
        %dma_wait3A_381 = tpu.memref_squeeze %dma_wait3A_380 : memref<1x128xi32, #tpu.memory_space<vmem>> -> memref<128xi32, #tpu.memory_space<vmem>>
        %dma_wait3A_382 = arith.constant 0 : i32
        %dma_wait3A_383 = arith.constant 0 : i32
        %dma_wait3A_384 = tpu.memref_slice %arg10[%dma_wait3A_382, %dma_wait3A_383] : memref<10112x16xf32, #tpu.memory_space<vmem_shared>> -> memref<10112x16xf32, #tpu.memory_space<vmem_shared>>
        tpu.wait_indirect_dma semaphore(%run_scoped3A_364 : memref<!tpu.dma_semaphore, #tpu.memory_space<semaphore_mem>>) src(%dma_wait3A_378 : memref<128x16xf32, #tpu.memory_space<vmem>>) dst(%dma_wait3A_384 : memref<10112x16xf32, #tpu.memory_space<vmem_shared>>)
        tpu.yield
      }) : () -> ()
    }
    %scan3A_58 = arith.constant 10 : i32
    %dma_wait3A = arith.constant 80 : i32
    %dma_wait3A_59 = arith.constant 0 : i32
    %dma_wait3A_60 = arith.constant 0 : i32
    %dma_wait3A_61 = arith.constant 0 : i32
    %dma_wait3A_62 = tpu.memref_slice %arg8[%dma_wait3A_59, %dma_wait3A_60, %dma_wait3A_61] : memref<8x128x16xf32, #tpu.memory_space<vmem>> -> memref<1x128x16xf32, #tpu.memory_space<vmem>>
    %dma_wait3A_63 = tpu.memref_squeeze %dma_wait3A_62 : memref<1x128x16xf32, #tpu.memory_space<vmem>> -> memref<128x16xf32, #tpu.memory_space<vmem>>
    %dma_wait3A_64 = arith.constant 0 : i32
    %dma_wait3A_65 = tpu.memref_slice %arg6[%dma_wait3A, %dma_wait3A_64] : memref<84x128xi32, #tpu.memory_space<vmem>> -> memref<1x128xi32, #tpu.memory_space<vmem>>
    %dma_wait3A_66 = tpu.memref_squeeze %dma_wait3A_65 : memref<1x128xi32, #tpu.memory_space<vmem>> -> memref<128xi32, #tpu.memory_space<vmem>>
    %dma_wait3A_67 = arith.constant 0 : i32
    %dma_wait3A_68 = arith.constant 0 : i32
    %dma_wait3A_69 = tpu.memref_slice %arg2[%dma_wait3A_67, %dma_wait3A_68] : memref<10000x16xf32, #tpu.memory_space<hbm>> -> memref<10000x16xf32, #tpu.memory_space<hbm>>
    tpu.wait_indirect_dma semaphore(%arg11 : memref<!tpu.dma_semaphore, #tpu.memory_space<semaphore_mem>>) src(%dma_wait3A_69 : memref<10000x16xf32, #tpu.memory_space<hbm>>) dst(%dma_wait3A_63 : memref<128x16xf32, #tpu.memory_space<vmem>>)
    %dma_wait3A_70 = arith.constant 81 : i32
    %dma_wait3A_71 = arith.constant 1 : i32
    %dma_wait3A_72 = arith.constant 0 : i32
    %dma_wait3A_73 = arith.constant 0 : i32
    %dma_wait3A_74 = tpu.memref_slice %arg8[%dma_wait3A_71, %dma_wait3A_72, %dma_wait3A_73] : memref<8x128x16xf32, #tpu.memory_space<vmem>> -> memref<1x128x16xf32, #tpu.memory_space<vmem>>
    %dma_wait3A_75 = tpu.memref_squeeze %dma_wait3A_74 : memref<1x128x16xf32, #tpu.memory_space<vmem>> -> memref<128x16xf32, #tpu.memory_space<vmem>>
    %dma_wait3A_76 = arith.constant 0 : i32
    %dma_wait3A_77 = tpu.memref_slice %arg6[%dma_wait3A_70, %dma_wait3A_76] : memref<84x128xi32, #tpu.memory_space<vmem>> -> memref<1x128xi32, #tpu.memory_space<vmem>>
    %dma_wait3A_78 = tpu.memref_squeeze %dma_wait3A_77 : memref<1x128xi32, #tpu.memory_space<vmem>> -> memref<128xi32, #tpu.memory_space<vmem>>
    %dma_wait3A_79 = arith.constant 0 : i32
    %dma_wait3A_80 = arith.constant 0 : i32
    %dma_wait3A_81 = tpu.memref_slice %arg2[%dma_wait3A_79, %dma_wait3A_80] : memref<10000x16xf32, #tpu.memory_space<hbm>> -> memref<10000x16xf32, #tpu.memory_space<hbm>>
    tpu.wait_indirect_dma semaphore(%arg11 : memref<!tpu.dma_semaphore, #tpu.memory_space<semaphore_mem>>) src(%dma_wait3A_81 : memref<10000x16xf32, #tpu.memory_space<hbm>>) dst(%dma_wait3A_75 : memref<128x16xf32, #tpu.memory_space<vmem>>)
    %dma_wait3A_82 = arith.constant 82 : i32
    %dma_wait3A_83 = arith.constant 2 : i32
    %dma_wait3A_84 = arith.constant 0 : i32
    %dma_wait3A_85 = arith.constant 0 : i32
    %dma_wait3A_86 = tpu.memref_slice %arg8[%dma_wait3A_83, %dma_wait3A_84, %dma_wait3A_85] : memref<8x128x16xf32, #tpu.memory_space<vmem>> -> memref<1x128x16xf32, #tpu.memory_space<vmem>>
    %dma_wait3A_87 = tpu.memref_squeeze %dma_wait3A_86 : memref<1x128x16xf32, #tpu.memory_space<vmem>> -> memref<128x16xf32, #tpu.memory_space<vmem>>
    %dma_wait3A_88 = arith.constant 0 : i32
    %dma_wait3A_89 = tpu.memref_slice %arg6[%dma_wait3A_82, %dma_wait3A_88] : memref<84x128xi32, #tpu.memory_space<vmem>> -> memref<1x128xi32, #tpu.memory_space<vmem>>
    %dma_wait3A_90 = tpu.memref_squeeze %dma_wait3A_89 : memref<1x128xi32, #tpu.memory_space<vmem>> -> memref<128xi32, #tpu.memory_space<vmem>>
    %dma_wait3A_91 = arith.constant 0 : i32
    %dma_wait3A_92 = arith.constant 0 : i32
    %dma_wait3A_93 = tpu.memref_slice %arg2[%dma_wait3A_91, %dma_wait3A_92] : memref<10000x16xf32, #tpu.memory_space<hbm>> -> memref<10000x16xf32, #tpu.memory_space<hbm>>
    tpu.wait_indirect_dma semaphore(%arg11 : memref<!tpu.dma_semaphore, #tpu.memory_space<semaphore_mem>>) src(%dma_wait3A_93 : memref<10000x16xf32, #tpu.memory_space<hbm>>) dst(%dma_wait3A_87 : memref<128x16xf32, #tpu.memory_space<vmem>>)
    %dma_wait3A_94 = arith.constant 83 : i32
    %dma_wait3A_95 = arith.constant 3 : i32
    %dma_wait3A_96 = arith.constant 0 : i32
    %dma_wait3A_97 = arith.constant 0 : i32
    %dma_wait3A_98 = tpu.memref_slice %arg8[%dma_wait3A_95, %dma_wait3A_96, %dma_wait3A_97] : memref<8x128x16xf32, #tpu.memory_space<vmem>> -> memref<1x128x16xf32, #tpu.memory_space<vmem>>
    %dma_wait3A_99 = tpu.memref_squeeze %dma_wait3A_98 : memref<1x128x16xf32, #tpu.memory_space<vmem>> -> memref<128x16xf32, #tpu.memory_space<vmem>>
    %dma_wait3A_100 = arith.constant 0 : i32
    %dma_wait3A_101 = tpu.memref_slice %arg6[%dma_wait3A_94, %dma_wait3A_100] : memref<84x128xi32, #tpu.memory_space<vmem>> -> memref<1x128xi32, #tpu.memory_space<vmem>>
    %dma_wait3A_102 = tpu.memref_squeeze %dma_wait3A_101 : memref<1x128xi32, #tpu.memory_space<vmem>> -> memref<128xi32, #tpu.memory_space<vmem>>
    %dma_wait3A_103 = arith.constant 0 : i32
    %dma_wait3A_104 = arith.constant 0 : i32
    %dma_wait3A_105 = tpu.memref_slice %arg2[%dma_wait3A_103, %dma_wait3A_104] : memref<10000x16xf32, #tpu.memory_space<hbm>> -> memref<10000x16xf32, #tpu.memory_space<hbm>>
    tpu.wait_indirect_dma semaphore(%arg11 : memref<!tpu.dma_semaphore, #tpu.memory_space<semaphore_mem>>) src(%dma_wait3A_105 : memref<10000x16xf32, #tpu.memory_space<hbm>>) dst(%dma_wait3A_99 : memref<128x16xf32, #tpu.memory_space<vmem>>)
    %barrier3A_106 = arith.constant 0 : index
    tpu.barrier barrier_id(%barrier3A_106)
    %mul3A_107 = arith.constant 632 : i32
    %mul3A_108 = arith.muli %arg1, %mul3A_107 : i32
    "tpu.region"() ({
      %run_scoped3A = tpu.sem_alloc : memref<!tpu.dma_semaphore, #tpu.memory_space<semaphore_mem>>
      %dma_start3A_111 = arith.constant 0 : i32
      %dma_start3A_112 = tpu.memref_slice %arg10[%mul3A_108, %dma_start3A_111] : memref<10112x16xf32, #tpu.memory_space<vmem_shared>> -> memref<632x16xf32, #tpu.memory_space<vmem_shared>>
      %dma_start3A_113 = arith.constant 0 : i32
      %dma_start3A_114 = tpu.memref_slice %arg10[%mul3A_108, %dma_start3A_113] : memref<10112x16xf32, #tpu.memory_space<vmem_shared>> -> memref<632x16xf32, #tpu.memory_space<vmem_shared>>
      tpu.enqueue_dma source(%dma_start3A_114 : memref<632x16xf32, #tpu.memory_space<vmem_shared>>) target(%arg9 : memref<632x16xf32, #tpu.memory_space<vmem>>) target_semaphore(%run_scoped3A : memref<!tpu.dma_semaphore, #tpu.memory_space<semaphore_mem>>)
      %dma_wait3A_115 = arith.constant 0 : i32
      %dma_wait3A_116 = tpu.memref_slice %arg10[%mul3A_108, %dma_wait3A_115] : memref<10112x16xf32, #tpu.memory_space<vmem_shared>> -> memref<632x16xf32, #tpu.memory_space<vmem_shared>>
      %dma_wait3A_117 = arith.constant 0 : i32
      %dma_wait3A_118 = tpu.memref_slice %arg10[%mul3A_108, %dma_wait3A_117] : memref<10112x16xf32, #tpu.memory_space<vmem_shared>> -> memref<632x16xf32, #tpu.memory_space<vmem_shared>>
      tpu.wait_dma2 semaphore(%run_scoped3A : memref<!tpu.dma_semaphore, #tpu.memory_space<semaphore_mem>>) src(%dma_wait3A_118 : memref<632x16xf32, #tpu.memory_space<vmem_shared>>) dst(%arg9 : memref<632x16xf32, #tpu.memory_space<vmem>>)
      tpu.yield
    }) : () -> ()
    %mul3A_109 = arith.constant 632 : i32
    %mul3A_110 = arith.muli %arg1, %mul3A_109 : i32
    "tpu.region"() ({
      %run_scoped3A = tpu.sem_alloc : memref<!tpu.dma_semaphore, #tpu.memory_space<semaphore_mem>>
      %dma_start3A_111 = arith.constant 0 : i32
      %dma_start3A_112 = tpu.memref_slice %arg5[%arg0, %mul3A_110, %dma_start3A_111] : memref<2x10112x16xf32, #tpu.memory_space<hbm>> -> memref<1x632x16xf32, #tpu.memory_space<hbm>>
      %dma_start3A_113 = tpu.memref_squeeze %dma_start3A_112 : memref<1x632x16xf32, #tpu.memory_space<hbm>> -> memref<632x16xf32, #tpu.memory_space<hbm>>
      %dma_start3A_114 = arith.constant 0 : i32
      %dma_start3A_115 = tpu.memref_slice %arg5[%arg0, %mul3A_110, %dma_start3A_114] : memref<2x10112x16xf32, #tpu.memory_space<hbm>> -> memref<1x632x16xf32, #tpu.memory_space<hbm>>
      %dma_start3A_116 = tpu.memref_squeeze %dma_start3A_115 : memref<1x632x16xf32, #tpu.memory_space<hbm>> -> memref<632x16xf32, #tpu.memory_space<hbm>>
      tpu.enqueue_dma source(%arg9 : memref<632x16xf32, #tpu.memory_space<vmem>>) target(%dma_start3A_116 : memref<632x16xf32, #tpu.memory_space<hbm>>) target_semaphore(%run_scoped3A : memref<!tpu.dma_semaphore, #tpu.memory_space<semaphore_mem>>)
      %dma_wait3A_117 = arith.constant 0 : i32
      %dma_wait3A_118 = tpu.memref_slice %arg5[%arg0, %mul3A_110, %dma_wait3A_117] : memref<2x10112x16xf32, #tpu.memory_space<hbm>> -> memref<1x632x16xf32, #tpu.memory_space<hbm>>
      %dma_wait3A_119 = tpu.memref_squeeze %dma_wait3A_118 : memref<1x632x16xf32, #tpu.memory_space<hbm>> -> memref<632x16xf32, #tpu.memory_space<hbm>>
      %dma_wait3A_120 = arith.constant 0 : i32
      %dma_wait3A_121 = tpu.memref_slice %arg5[%arg0, %mul3A_110, %dma_wait3A_120] : memref<2x10112x16xf32, #tpu.memory_space<hbm>> -> memref<1x632x16xf32, #tpu.memory_space<hbm>>
      %dma_wait3A_122 = tpu.memref_squeeze %dma_wait3A_121 : memref<1x632x16xf32, #tpu.memory_space<hbm>> -> memref<632x16xf32, #tpu.memory_space<hbm>>
      tpu.wait_dma2 semaphore(%run_scoped3A : memref<!tpu.dma_semaphore, #tpu.memory_space<semaphore_mem>>) src(%arg9 : memref<632x16xf32, #tpu.memory_space<vmem>>) dst(%dma_wait3A_122 : memref<632x16xf32, #tpu.memory_space<hbm>>)
      tpu.yield
    }) : () -> ()
    return
  }
}

module attributes {stable_mosaic.version = 14 : i64} {
  func.func @_mm1_body(%arg0: i32, %arg1: memref<2000x128xf32, #tpu.memory_space<vmem>>, %arg2: memref<128x16xf32, #tpu.memory_space<vmem>>, %arg3: memref<2000x16xf32, #tpu.memory_space<vmem>>) attributes {dimension_semantics = [#tpu.dimension_semantics<arbitrary>], iteration_bounds = array<i64: 5>, scalar_prefetch = 0 : i64, scratch_operands = 0 : i64, tpu.core_type = #tpu.core_type<tc>, window_params = [{transform_indices = @transform_0, window_bounds = array<i64: 2000, 128>}, {pipeline_mode = #tpu.pipeline_mode<synchronous>, transform_indices = @transform_1, window_bounds = array<i64: 128, 16>}, {transform_indices = @transform_2, window_bounds = array<i64: 2000, 16>}]} {
    %get3A = arith.constant 0 : index
    %get3A_0 = arith.constant 0 : index
    %get3A_1 = vector.load %arg1[%get3A, %get3A_0] : memref<2000x128xf32, #tpu.memory_space<vmem>>, vector<2000x128xf32>
    %get3A_2 = arith.constant 0 : index
    %get3A_3 = arith.constant 0 : index
    %get3A_4 = vector.load %arg2[%get3A_2, %get3A_3] : memref<128x16xf32, #tpu.memory_space<vmem>>, vector<128x16xf32>
    %dot_general3A = arith.constant dense<0.000000e+00> : vector<2000x16xf32>
    %dot_general3A_5 = tpu.matmul %get3A_1, %get3A_4, %dot_general3A {dimension_numbers = #tpu.dot_dimension_numbers<[1], [0], [0], [1], [0, 0, 1, 1], [], []>, transpose_lhs_hint = false} : vector<2000x128xf32>, vector<128x16xf32>, vector<2000x16xf32> -> vector<2000x16xf32>
    %swap3A = arith.constant 0 : index
    %swap3A_6 = arith.constant 0 : index
    %swap3A_7 = vector.load %arg3[%swap3A, %swap3A_6] : memref<2000x16xf32, #tpu.memory_space<vmem>>, vector<2000x16xf32>
    tpu.vector_store %arg3[%swap3A, %swap3A_6], %dot_general3A_5 {strides = array<i32>} : memref<2000x16xf32, #tpu.memory_space<vmem>>, vector<2000x16xf32>,
    return
  }
  func.func @transform_0(%arg0: i32) -> (i32, i32) {
    %c0_i32 = arith.constant 0 : i32
    %c0_i32_0 = arith.constant 0 : i32
    return %arg0, %c0_i32 : i32, i32
  }
  func.func @transform_1(%arg0: i32) -> (i32, i32) {
    %c0_i32 = arith.constant 0 : i32
    %c0_i32_0 = arith.constant 0 : i32
    %c0_i32_1 = arith.constant 0 : i32
    return %c0_i32, %c0_i32_0 : i32, i32
  }
  func.func @transform_2(%arg0: i32) -> (i32, i32) {
    %c0_i32 = arith.constant 0 : i32
    %c0_i32_0 = arith.constant 0 : i32
    return %arg0, %c0_i32 : i32, i32
  }
}

module attributes {stable_mosaic.version = 14 : i64} {
  func.func @_combine_body(%arg0: memref<10000x16xf32, #tpu.memory_space<vmem>>, %arg1: memref<10000x16xf32, #tpu.memory_space<vmem>>, %arg2: memref<10000x16xf32, #tpu.memory_space<vmem>>, %arg3: memref<1x16xf32, #tpu.memory_space<vmem>>, %arg4: memref<10000x16xf32, #tpu.memory_space<vmem>>) attributes {dimension_semantics = [], scalar_prefetch = 0 : i64, scratch_operands = 0 : i64, tpu.core_type = #tpu.core_type<tc>} {
    %get3A = arith.constant 0 : index
    %get3A_0 = arith.constant 0 : index
    %get3A_1 = vector.load %arg0[%get3A, %get3A_0] : memref<10000x16xf32, #tpu.memory_space<vmem>>, vector<10000x16xf32>
    %get3A_2 = arith.constant 0 : index
    %get3A_3 = arith.constant 0 : index
    %get3A_4 = vector.load %arg1[%get3A_2, %get3A_3] : memref<10000x16xf32, #tpu.memory_space<vmem>>, vector<10000x16xf32>
    %add3A = arith.addf %get3A_1, %get3A_4 : vector<10000x16xf32>
    %get3A_5 = arith.constant 0 : index
    %get3A_6 = arith.constant 0 : index
    %get3A_7 = vector.load %arg2[%get3A_5, %get3A_6] : memref<10000x16xf32, #tpu.memory_space<vmem>>, vector<10000x16xf32>
    %add3A_8 = arith.addf %add3A, %get3A_7 : vector<10000x16xf32>
    %get3A_9 = arith.constant 0 : index
    %get3A_10 = arith.constant 0 : index
    %get3A_11 = vector.load %arg3[%get3A_9, %get3A_10] : memref<1x16xf32, #tpu.memory_space<vmem>>, vector<1x16xf32>
    %add3A_12 = vector.broadcast %get3A_11 : vector<1x16xf32> to vector<10000x16xf32>
    %add3A_13 = arith.addf %add3A_8, %add3A_12 : vector<10000x16xf32>
    %max3A = arith.constant 0.000000e+00 : f32
    %max3A_14 = vector.broadcast %max3A : f32 to vector<10000x16xf32>
    %max3A_15 = arith.maximumf %add3A_13, %max3A_14 : vector<10000x16xf32>
    %swap3A = arith.constant 0 : index
    %swap3A_16 = arith.constant 0 : index
    %swap3A_17 = vector.load %arg4[%swap3A, %swap3A_16] : memref<10000x16xf32, #tpu.memory_space<vmem>>, vector<10000x16xf32>
    tpu.vector_store %arg4[%swap3A, %swap3A_16], %max3A_15 {strides = array<i32>} : memref<10000x16xf32, #tpu.memory_space<vmem>>, vector<10000x16xf32>,
    return
  }
}

module attributes {stable_mosaic.version = 14 : i64} {
  func.func @_layer2_body(%arg0: i32, %arg1: memref<2000x16xf32, #tpu.memory_space<vmem>>, %arg2: memref<2000x16xf32, #tpu.memory_space<vmem>>, %arg3: memref<2000x16xf32, #tpu.memory_space<vmem>>, %arg4: memref<16x64xf32, #tpu.memory_space<vmem>>, %arg5: memref<1x64xf32, #tpu.memory_space<vmem>>, %arg6: memref<2000x64xf32, #tpu.memory_space<vmem>>) attributes {dimension_semantics = [#tpu.dimension_semantics<arbitrary>], iteration_bounds = array<i64: 5>, scalar_prefetch = 0 : i64, scratch_operands = 0 : i64, tpu.core_type = #tpu.core_type<tc>, window_params = [{transform_indices = @transform_0, window_bounds = array<i64: 2000, 16>}, {transform_indices = @transform_1, window_bounds = array<i64: 2000, 16>}, {transform_indices = @transform_2, window_bounds = array<i64: 2000, 16>}, {pipeline_mode = #tpu.pipeline_mode<synchronous>, transform_indices = @transform_3, window_bounds = array<i64: 16, 64>}, {pipeline_mode = #tpu.pipeline_mode<synchronous>, transform_indices = @transform_4, window_bounds = array<i64: 1, 64>}, {transform_indices = @transform_5, window_bounds = array<i64: 2000, 64>}]} {
    %get3A = arith.constant 0 : index
    %get3A_0 = arith.constant 0 : index
    %get3A_1 = vector.load %arg1[%get3A, %get3A_0] : memref<2000x16xf32, #tpu.memory_space<vmem>>, vector<2000x16xf32>
    %get3A_2 = arith.constant 0 : index
    %get3A_3 = arith.constant 0 : index
    %get3A_4 = vector.load %arg2[%get3A_2, %get3A_3] : memref<2000x16xf32, #tpu.memory_space<vmem>>, vector<2000x16xf32>
    %add3A = arith.addf %get3A_1, %get3A_4 : vector<2000x16xf32>
    %get3A_5 = arith.constant 0 : index
    %get3A_6 = arith.constant 0 : index
    %get3A_7 = vector.load %arg3[%get3A_5, %get3A_6] : memref<2000x16xf32, #tpu.memory_space<vmem>>, vector<2000x16xf32>
    %add3A_8 = arith.addf %add3A, %get3A_7 : vector<2000x16xf32>
    %get3A_9 = arith.constant 0 : index
    %get3A_10 = arith.constant 0 : index
    %get3A_11 = vector.load %arg4[%get3A_9, %get3A_10] : memref<16x64xf32, #tpu.memory_space<vmem>>, vector<16x64xf32>
    %dot_general3A = arith.constant dense<0.000000e+00> : vector<2000x64xf32>
    %dot_general3A_12 = tpu.matmul %add3A_8, %get3A_11, %dot_general3A {dimension_numbers = #tpu.dot_dimension_numbers<[1], [0], [0], [1], [0, 0, 1, 1], [], []>, transpose_lhs_hint = false} : vector<2000x16xf32>, vector<16x64xf32>, vector<2000x64xf32> -> vector<2000x64xf32>
    %get3A_13 = arith.constant 0 : index
    %get3A_14 = arith.constant 0 : index
    %get3A_15 = vector.load %arg5[%get3A_13, %get3A_14] : memref<1x64xf32, #tpu.memory_space<vmem>>, vector<1x64xf32>
    %add3A_16 = vector.broadcast %get3A_15 : vector<1x64xf32> to vector<2000x64xf32>
    %add3A_17 = arith.addf %dot_general3A_12, %add3A_16 : vector<2000x64xf32>
    %reduce_max3A = arith.constant dense<0xFF800000> : vector<2000xf32>
    %reduce_max3A_18 = vector.multi_reduction <maximumf>, %add3A_17, %reduce_max3A [1] : vector<2000x64xf32> to vector<2000xf32>
    %broadcast_in_dim3A = vector.shape_cast %reduce_max3A_18 : vector<2000xf32> to vector<2000x1xf32>
    %sub3A = vector.broadcast %broadcast_in_dim3A : vector<2000x1xf32> to vector<2000x64xf32>
    %sub3A_19 = arith.subf %add3A_17, %sub3A : vector<2000x64xf32>
    %exp3A = math.exp %sub3A_19 : vector<2000x64xf32>
    %reduce_sum3A = arith.constant dense<0.000000e+00> : vector<2000xf32>
    %reduce_sum3A_20 = vector.multi_reduction <add>, %exp3A, %reduce_sum3A [1] : vector<2000x64xf32> to vector<2000xf32>
    %broadcast_in_dim3A_21 = vector.shape_cast %reduce_sum3A_20 : vector<2000xf32> to vector<2000x1xf32>
    %log3A = math.log %broadcast_in_dim3A_21 : vector<2000x1xf32>
    %sub3A_22 = vector.broadcast %log3A : vector<2000x1xf32> to vector<2000x64xf32>
    %sub3A_23 = arith.subf %sub3A_19, %sub3A_22 : vector<2000x64xf32>
    %swap3A = arith.constant 0 : index
    %swap3A_24 = arith.constant 0 : index
    %swap3A_25 = vector.load %arg6[%swap3A, %swap3A_24] : memref<2000x64xf32, #tpu.memory_space<vmem>>, vector<2000x64xf32>
    tpu.vector_store %arg6[%swap3A, %swap3A_24], %sub3A_23 {strides = array<i32>} : memref<2000x64xf32, #tpu.memory_space<vmem>>, vector<2000x64xf32>,
    return
  }
  func.func @transform_0(%arg0: i32) -> (i32, i32) {
    %c0_i32 = arith.constant 0 : i32
    %c0_i32_0 = arith.constant 0 : i32
    return %arg0, %c0_i32 : i32, i32
  }
  func.func @transform_1(%arg0: i32) -> (i32, i32) {
    %c0_i32 = arith.constant 0 : i32
    %c0_i32_0 = arith.constant 0 : i32
    return %arg0, %c0_i32 : i32, i32
  }
  func.func @transform_2(%arg0: i32) -> (i32, i32) {
    %c0_i32 = arith.constant 0 : i32
    %c0_i32_0 = arith.constant 0 : i32
    return %arg0, %c0_i32 : i32, i32
  }
  func.func @transform_3(%arg0: i32) -> (i32, i32) {
    %c0_i32 = arith.constant 0 : i32
    %c0_i32_0 = arith.constant 0 : i32
    %c0_i32_1 = arith.constant 0 : i32
    return %c0_i32, %c0_i32_0 : i32, i32
  }
  func.func @transform_4(%arg0: i32) -> (i32, i32) {
    %c0_i32 = arith.constant 0 : i32
    %c0_i32_0 = arith.constant 0 : i32
    %c0_i32_1 = arith.constant 0 : i32
    return %c0_i32, %c0_i32_0 : i32, i32
  }
  func.func @transform_5(%arg0: i32) -> (i32, i32) {
    %c0_i32 = arith.constant 0 : i32
    %c0_i32_0 = arith.constant 0 : i32
    return %arg0, %c0_i32 : i32, i32
  }
}

</mosaic_0001>

<sc_bundles>
// kernel: kernel.10.cloned.1.call-start
scs
__scs_entry_jumppad:
0x0: {  	(pc) =	sbr.rel $0x88, $3  }
0x1: {  	(tag) =	ssettag $0x0;
	lr =	simm.s32 $0x1  }
0x2: {  	[smem:$0x3F9B] =	sst lr;
	_ =	strace $0xD0000000  }
0x3: {  	_ = 	snop  }
0x4: {  	_ = 	snop  }
0x5: {  	_ = 	snop  }
0x6: {  	_ = 	snop  }
0x7: {  	_ = 	snop  }
__scs_overlays_trampoline_lowered:
0x8: {  	[smem:$0x3FAA] =	sst s0  }
0x9: {  	[smem:$0x3FAB] =	sst s1  }
0xa: {  	[smem:$0x3FAC] =	sst s2  }
0xb: {  	[smem:$0x3FAD] =	sst s3  }
0xc: {  	[smem:$0x3FAE] =	sst s4  }
0xd: {  	[smem:$0x3FAF] =	sst s5  }
0xe: {  	[smem:$0x3FB0] =	sst s6  }
0xf: {  	[smem:$0x3FB1] =	sst s7  }
0x10: {  	[smem:$0x3FB2] =	sst s8  }
0x11: {  	[smem:$0x3FB3] =	sst s9;
	s0 =	simm.s32 @!p0 $0x0  }
0x12: {  	s1 =	sld [smem:$0x3F99];
	s0 =	simm.s32 @p0 $0x1  }
0x13: {  	[smem:$0x3FB4] =	sst s0;
	s0 =	simm.s32 @!p1 $0x0  }
0x14: {  	s2 =	sld [smem:$0x3F98];
	s0 =	simm.s32 @p1 $0x1  }
0x15: {  	[smem:$0x3FB5] =	sst s0;
	s0 =	simm.s32 @!p2 $0x0  }
0x16: {  	s3 =	sld [smem:$0x3FDB];
	s0 =	simm.s32 @p2 $0x1  }
0x17: {  	s4 =	simm.s32 $0x1BF5;
	[smem:$0x3FB7] =	sst s0  }
0x18: {  	s0 =	sld [smem:$0x3F9A];
	_ =	swait.ge [sflag:s4], $0x0  }
0x19: {  	s7 =	sld [smem:$0x3F9B]  }
0x1a: {  	s8 =	sadd.s32 $0xFFFFE003, lr  }
0x1b: {  	s9 =	sadd.s32 $0xFFFFFEF7, lr;
	s5 =	simm.s32 $0xFFFFFFFF;
	p2 =	slt.u32 s8, $0xFFFFF086  }
0x1c: {  	p1 =	slt.u32 s9, $0xF7A;
	s5 =	simm.s32 @!p2 $0x0  }
0x1d: {  	s5 =	simm.s32 @p1 $0x1;
	p0 =	seq.s32 s7, s2  }
0x1e: {  	s7 =	smul.u32 @!p0 $0xF7A, s2;
	p2 =	seq.s32 @!p0 s5, $0x0  }
0x1f: {  	s9 =	smul.u32 $0xF7A, s1;
	s8 =	simm.s32 @!p0 $0x1BF5;
	p2 =	por !p2, p0  }
0x20: {  	[sflag:s8] =	ssyncset.s32 @!p0 $0xFFFFF086;
	s6 =	sadd.s32 @!p0 s3, s7;
	s7 =	simm.s32 @!p0 $0x108  }
0x21: {  	s3 =	sadd.s32 s3, s9;
	s6 =	sadd.s32 @!p0 $0x88, s6;
	s7 =	simm.s32 @p2 $0x1082  }
0x22: {  	[simem:s7], [sflag:s8] =	dma.local @!p0 [hbm:s6], $0xF7A  }
0x23: {  	s9 =	sor.u32 $0xD0000000, s2;
	s6 =	simm.s32 $0x108;
	_ =	swait.ge @!p0 [sflag:s8], $0x0  }
0x24: {  	s3 =	sadd.s32 $0x88, s3;
	s6 =	simm.s32 @!p1 $0x1082;
	[sflag:s4] =	ssyncset.s32 $0xFFFFF086  }
0x25: {  	[simem:s6], [sflag:s4] =	dma.local [hbm:s3], $0xF7A  }
0x26: {  	[smem:$0x3F9B] =	sst s1;
	(tag) =	ssettag s2;
	_ =	strace s9  }
0x27: {  	s1 =	sld [smem:$0x3FAB]  }
0x28: {  	s2 =	sld [smem:$0x3FAC]  }
0x29: {  	s4 =	sld [smem:$0x3FAE]  }
0x2a: {  	p0 =	seq.s32 s5, $0x0;
	s5 =	sld [smem:$0x3FAF]  }
0x2b: {  	s6 =	sld [smem:$0x3FB0]  }
0x2c: {  	s7 =	sld [smem:$0x3FB1]  }
0x2d: {  	s3 =	simm.s32 $0x108;
	s8 =	sld [smem:$0x3FB2]  }
0x2e: {  	s3 =	simm.s32 @!p0 $0x1082;
	s9 =	sld [smem:$0x3FB3]  }
0x2f: {  	lr =	sadd.s32 s0, s3;
	s0 =	sld [smem:$0x3FAA]  }
0x30: {  	s3 =	sld [smem:$0x3FAD]  }
0x31: {  	[smem:$0x3FB6] =	sst s10  }
0x32: {  	s10 =	sld [smem:$0x3FB4];
	_ =	sdelay $0x3  }
0x33: {  	p0 =	seq.s32 s10, $0x1;
	s10 =	sld [smem:$0x3FB6];
	_ =	sdelay $0x3  }
0x34: {  	[smem:$0x3FB6] =	sst s10  }
0x35: {  	s10 =	sld [smem:$0x3FB5];
	_ =	sdelay $0x3  }
0x36: {  	p1 =	seq.s32 s10, $0x1;
	s10 =	sld [smem:$0x3FB6];
	_ =	sdelay $0x3  }
0x37: {  	[smem:$0x3FB6] =	sst s10  }
0x38: {  	s10 =	sld [smem:$0x3FB7]  }
0x39: {  	_ = 	snop;
	(pc) =	sbr.ind lr, $3  }
0x3a: {  	_ = 	snop  }
0x3b: {  	_ = 	snop  }
0x3c: {  	p2 =	seq.s32 s10, $0x1;
	s10 =	sld [smem:$0x3FB6]  }
0x3d: {  	_ =	shalt  }
0x3e: {  	_ =	shalt  }
0x3f: {  	_ =	shalt  }
0x40: {  	_ =	shalt  }
0x41: {  	_ =	shalt  }
0x42: {  	_ =	shalt  }
0x43: {  	_ =	shalt  }
0x44: {  	_ =	shalt  }
0x45: {  	_ =	shalt  }
0x46: {  	_ =	shalt  }
0x47: {  	_ =	shalt  }
0x48: {  	_ =	shalt  }
0x49: {  	_ =	shalt  }
0x4a: {  	_ =	shalt  }
0x4b: {  	_ =	shalt  }
0x4c: {  	_ =	shalt  }
0x4d: {  	_ =	shalt  }
0x4e: {  	_ =	shalt  }
0x4f: {  	_ =	shalt  }
0x50: {  	_ =	shalt  }
0x51: {  	_ =	shalt  }
0x52: {  	_ =	shalt  }
0x53: {  	_ =	shalt  }
0x54: {  	_ =	shalt  }
0x55: {  	_ =	shalt  }
0x56: {  	_ =	shalt  }
0x57: {  	_ =	shalt  }
0x58: {  	_ =	shalt  }
0x59: {  	_ =	shalt  }
0x5a: {  	_ =	shalt  }
0x5b: {  	_ =	shalt  }
0x5c: {  	_ =	shalt  }
0x5d: {  	_ =	shalt  }
0x5e: {  	_ =	shalt  }
0x5f: {  	_ =	shalt  }
0x60: {  	_ =	shalt  }
0x61: {  	_ =	shalt  }
0x62: {  	_ =	shalt  }
0x63: {  	_ =	shalt  }
0x64: {  	_ =	shalt  }
0x65: {  	_ =	shalt  }
0x66: {  	_ =	shalt  }
0x67: {  	_ =	shalt  }
0x68: {  	_ =	shalt  }
0x69: {  	_ =	shalt  }
0x6a: {  	_ =	shalt  }
0x6b: {  	_ =	shalt  }
0x6c: {  	_ =	shalt  }
0x6d: {  	_ =	shalt  }
0x6e: {  	_ =	shalt  }
0x6f: {  	_ =	shalt  }
0x70: {  	_ =	shalt  }
0x71: {  	_ =	shalt  }
0x72: {  	_ =	shalt  }
0x73: {  	_ =	shalt  }
0x74: {  	_ =	shalt  }
0x75: {  	_ =	shalt  }
0x76: {  	_ =	shalt  }
0x77: {  	_ =	shalt  }
0x78: {  	_ =	shalt  }
0x79: {  	_ =	shalt  }
0x7a: {  	_ =	shalt  }
0x7b: {  	_ =	shalt  }
0x7c: {  	_ =	shalt  }
0x7d: {  	_ =	shalt  }
0x7e: {  	_ =	shalt  }
0x7f: {  	_ =	shalt  }
0x80: {  	_ =	shalt  }
0x81: {  	_ =	shalt  }
0x82: {  	_ =	shalt  }
0x83: {  	_ =	shalt  }
0x84: {  	_ =	shalt  }
0x85: {  	_ =	shalt  }
0x86: {  	_ =	shalt  }
0x87: {  	_ =	shalt  }
.Lfunc_end0:
.L_simem_size_0:
called_computation.1_lowered:
.L_overlay_start_0:
0x88: {  	s2 =	sld [smem:$0x3FD9]  }
0x89: {  	s3 =	sld [smem:$0x3FFE];
	_ =	sdelay $0x1  }
0x8a: {  	s1 =	srdreg.scid  }
0x8b: {  	s0 =	sand.u32 $0x1, s1  }
0x8c: {  	s17 =	sshll.u32 s0, $0xA;
	s2 =	sadd.s32 s3, s2  }
0x8d: {  	s2 =	sadd.s32 s2, s17  }
0x8e: {  	[smem:$0x3FC2] =	sst s2  }
0x8f: {  	_ = 	snop  }
0x90: {  	s2 =	sld [smem:$0x3FD0];
	(tm) =	ssettm $0x1  }
0x91: {  	s18 =	sld [smem:$0x3FFB];
	_ =	sdelay $0x3  }
0x92: {  	_ =	strace s18  }
0x93: {  	s3 =	sld [smem:$0x3FFC];
	_ =	sdelay $0x3  }
0x94: {  	_ =	strace s3  }
0x95: {  	s3 =	sld [smem:$0x3FFD];
	_ =	sdelay $0x3  }
0x96: {  	_ =	strace s3  }
0x97: {  	_ =	strace $0x8FFFFFFF  }
0x98: {  	s19 =	sld [smem:$0x3FDB];
	_ =	sdelay $0x1  }
0x99: {  	s4 =	simm.s32 $_scs_section_size  }
0x9a: {  	s5 =	simm.s32 $_size__tile_overlayer_lowered;
	s6 =	simm.s32 $_tile_overlayer_lowered  }
0x9b: {  	s22 =	simm.s32 $0x1BFF;
	s21 =	sshll.u32 s6, $0x1;
	s3 =	sadd.s32 s4, s19  }
0x9c: {  	s7 =	simm.s32 $0x0;
	s20 =	sshll.u32 s5, $0x1;
	s5 =	sadd.s32 s21, s3  }
0x9d: {  	[timem:s7], [sflag:s22] =	dma.local [hbm:s5], s20  }
0x9e: {  	_ =	swait.ge [sflag:s22], s20  }
0x9f: {  	s4 =	ssub.s32 $0x0, s20;
	[sflag:s22] =	ssyncset.done $0x0  }
0xa0: {  	[sflag:s22] =	ssyncadd.s32 s4;
	_ =	sdelay $0x1  }
0xa1: {  	s23 =	simm.s32 $0x1B8B  }
0xa2: {  	_ =	swait.ge [sflag:s23], $0x1  }
0xa3: {  	[sflag:s23] =	ssyncset.done $0x0  }
0xa4: {  	s25 =	simm.s32 $0x1B8E;
	s24 =	sld [smem:$0x3FFE];
	[sflag:s23] =	ssyncadd.s32 $0xFFFFFFFF  }
0xa5: {  	s26 =	simm.s32 $execute0_lowered;
	[smem:$0x3FD2] =	sst s25  }
0xa6: {  	s5 =	sshll.u32 s26, $0x1;
	_ =	strace $0x80000049;
	[dreg:$0x1] =	wrdreg $0xFFFFFFFF  }
0xa7: {  	s28 =	simm.s32 $_size_execute0_lowered;
	s3 =	sadd.s32 s3, s5;
	[dreg:$0x0] =	wrdreg $0x0  }
0xa8: {  	s5 =	sshll.u32 s28, $0x1;
	[dreg:$0x2] =	wrdreg s3  }
0xa9: {  	[dreg:$0x3] =	wrdreg s5  }
0xaa: {  	[dreg:$0x4] =	wrdreg $0xC0  }
0xab: {  	_ =	task [dreg:s7], $0x5FFFF  }
0xac: {  	[dreg:$0x1] =	wrdreg $0xFFFFFFFF  }
0xad: {  	[dreg:$0x0] =	wrdreg $0x60  }
0xae: {  	[dreg:$0x2] =	wrdreg s24  }
0xaf: {  	[dreg:$0x3] =	wrdreg s2  }
0xb0: {  	[dreg:$0x4] =	wrdreg $0xBB800  }
0xb1: {  	[dreg:$0x5] =	wrdreg $0x9  }
0xb2: {  	_ =	task.clear_ibuf [dreg:s7], $0x6FFFF;
	_ =	strace $0x90000049  }
0xb3: {  	s29 =	simm.s32 $0x9;
	_ =	strace $0x8000004B  }
0xb4: {  	_ =	swait.ge [sflag:s29], $0x1  }
0xb5: {  	[sflag:s29] =	ssyncadd.s32 $0xFFFFFFFF  }
0xb6: {  	_ =	strace $0x9000004B  }
0xb7: {  	_ =	sfence  }
0xb8: {  	s30 =	sld [smem:$0x0];
	_ =	sdelay $0x2  }
0xb9: {  	s31 =	sshll.u32 s1, $0xD;
	s1 =	sshrl.u32 s1, $0x2  }
0xba: {  	s3 =	sand.u32 $0x4000, s31;
	s1 =	sadd.s32 s1, s30  }
0xbb: {  	s0 =	sor.u32 s3, s0;
	s1 =	sshll.u32 s1, $0x11  }
0xbc: {  	s0 =	sor.u32 s1, s0  }
0xbd: {  	s0 =	sadd.s32 $0x8F2B, s0  }
0xbe: {  	[sflag:s0] =	ssyncadd.remote.s32 $0x1  }
0xbf: {  	_ =	sfence.sel $0xFFFF  }
0xc0: {  	[dreg:$0x0] =	wrdreg $0xFFFFFFFF;
	(pc) =	sbr.abs _section_cstart, $3  }
0xc1: {  	[dreg:$0x1] =	wrdreg $0xFFFFFFFF  }
0xc2: {  	_ =	task.clear_ibuf [dreg:s7], $0x2FFFF;
	_ =	strace $0x9FFFFFFF  }
0xc3: {  	(tm) =	ssettm $0x7FFFFFFF  }
tec
execute0_lowered:
.L_overlay_start_1:
0x0: {  	(tag) =	ssettag $0x1  }
0x1: {  	s5 =	rddreg [dreg:$0x0]  }
0x2: {  	s6 =	rddreg [dreg:$0x1]  }
0x3: {  	s0 =	srdreg.scid;
	s2 =	rddreg [dreg:$0x2]  }
0x4: {  	s1 =	rddreg [dreg:$0x3];
	s3 =	simm.s32 $0x0;
	s13 =	simm.s32 $0x80  }
0x5: {  	s14 =	simm.s32 $0x5400;
	s15 =	simm.s32 $0x5C00;
	s16 =	simm.s32 $0x100  }
0x6: {  	s17 =	simm.s32 $0x6400;
	s18 =	simm.s32 $0x180;
	s19 =	simm.s32 $0x6C00  }
0x7: {  	s20 =	simm.s32 $0x1;
	s21 =	simm.s32 $0x7400;
	s7 =	sand.u32 $0x1, s0  }
0x8: {  	s22 =	simm.s32 $0x7C00;
	s0 =	stileid.u32;
	s8 =	smul.u32 $0x2A000, s7  }
0x9: {  	s23 =	simm.s32 $0x8400;
	s24 =	simm.s32 $0x8C00;
	s9 =	smul.u32 $0x2A00, s0  }
0xa: {  	s25 =	simm.s32 $0x2;
	s26 =	simm.s32 $0x0;
	s10 =	smul.u32 $0x2780, s0  }
0xb: {  	[smem:$0x7FF] =	sst s3;
	s11 =	smul.u32 $0x27800, s7;
	s7 =	ssub.s32 $0x2, s7  }
0xc: {  	s4 =	sadd.s32 $0xBA00, s5;
	_ =	strace $0x8000004A;
	s12 =	sshrl.u32 s7, $0x1  }
0xd: {  	s8 =	sadd.s32 s9, s8;
	s30 =	sadd.s32 s10, s11;
	s12 =	ssub.s32 s7, s12  }
0xe: {  	s7 =	sadd.s32 s10, s2;
	s10 =	simm.s32 $0x3;
	s8 =	sshrl.u32 s8, $0x3  }
0xf: {  	s11 =	simm.s32 $0x2A00;
	s9 =	sshrl.u32 s30, $0x3;
	s31 =	sadd.s32 s8, s5  }
0x10: {  	s9 =	sadd.s32 s9, s5;
	s5 =	sadd.s32 s6, s8;
	s6 =	sadd.s32 $0x1200, s31  }
0x11: {  	v0 =	vimm.f32 $0.0e+00;
	s8 =	sadd.s32 $0x10A00, s9;
	s9 =	smax.u32 s12, $0x1;
	s12 =	simm.s32 $0x9400  }
.LBB2_1:
0x12: {  	[tilespmem:s3], [sflag:$0x3] =	stream.linear.gather [hbm4b:s5+s3], $0x2A00, $0x38;
	[tilespmem:$0xE300] =	vst v63  }
0x13: {  	_ =	swait.ge [sflag:s10], $0x2A00  }
0x14: {  	[sflag:s10] =	ssyncset.done $0x0  }
0x15: {  	[sflag:s10] =	ssyncadd.s32 $0xFFFFD600  }
0x16: {  	[tilespmem:s11], [sflag:$0x3] =	stream.linear.gather [hbm4b:s6+s3], $0x2A00, $0x38;
	[tilespmem:$0xE300] =	vst v63  }
0x17: {  	_ =	swait.ge [sflag:s10], $0x2A00  }
0x18: {  	[sflag:s10] =	ssyncset.done $0x0  }
0x19: {  	s28 =	simm.s32 $0x40;
	s29 =	simm.s32 $0x0;
	[sflag:s10] =	ssyncadd.s32 $0xFFFFD600  }
.LBB2_2:
0x1a: {  	p0 =	sne.s32 s28, $0x9DC0;
	[tilespmem:s29+$0x9400] =	vst v0;
	s29 =	smov.u32 s28;
	s28 =	sadd.s32 $0x40, s28  }
.Ltmp0:
0x1b: {  	(pc) =	sbr.rel @p0 .LBB2_2-.Ltmp0, $2  }
0x1c: {  	_ =	sdelay $0x2  }
0x1d: {  	s29 =	sshra.s32 s29, $0x2  }
0x1e: {  	[tilespmem:s29+$0x9400] =	vst v0  }
0x1f: {  	[spmem:s7] =	stream.linear.scatter [tilespmem:s12], [sflag:$0x3], $0x2780, $0x38;
	[tilespmem:$0xE300] =	vst v63  }
0x20: {  	_ =	swait.ge [sflag:s10], $0x2780  }
0x21: {  	[sflag:s10] =	ssyncset.done $0x0  }
0x22: {  	[sflag:s10] =	ssyncadd.s32 $0xFFFFD880  }
0x23: {  	s28 =	simm.s32 $0x0;
	[bflag:$0x0] =	sbarrier.arrive $0xFFFF  }
0x24: {  	[tilespmem:s14], [sflag:$0x1] =	stream.indirect.gather [hbm4b:s4+s13], $0x10, s28, s13, $0xb8;
	[tilespmem:$0xE300] =	vst v63  }
0x25: {  	_ = 	snop  }
0x26: {  	[tilespmem:s15], [sflag:$0x1] =	stream.indirect.gather [hbm4b:s4+s13], $0x10, s13, s13, $0xb8;
	[tilespmem:$0xE300] =	vst v63  }
0x27: {  	_ = 	snop  }
0x28: {  	[tilespmem:s17], [sflag:$0x1] =	stream.indirect.gather [hbm4b:s4+s13], $0x10, s16, s13, $0xb8;
	[tilespmem:$0xE300] =	vst v63  }
0x29: {  	_ = 	snop  }
0x2a: {  	[tilespmem:s19], [sflag:$0x1] =	stream.indirect.gather [hbm4b:s4+s13], $0x10, s18, s13, $0xb8;
	[tilespmem:$0xE300] =	vst v63  }
0x2b: {  	_ =	swait.ge [sflag:s20], $0x800  }
0x2c: {  	[sflag:s20] =	ssyncset.done $0x0  }
0x2d: {  	s28 =	simm.s32 $0x200;
	[sflag:s20] =	ssyncadd.s32 $0xFFFFF800  }
0x2e: {  	[tilespmem:s21], [sflag:$0x2] =	stream.indirect.gather [hbm4b:s4+s13], $0x10, s28, s13, $0xb8;
	[tilespmem:$0xE300] =	vst v63  }
0x2f: {  	_ =	swait.ge [sflag:s20], $0x800  }
0x30: {  	[sflag:s20] =	ssyncset.done $0x0  }
0x31: {  	s28 =	simm.s32 $0x280;
	[sflag:s20] =	ssyncadd.s32 $0xFFFFF800  }
0x32: {  	[tilespmem:s22], [sflag:$0x2] =	stream.indirect.gather [hbm4b:s4+s13], $0x10, s28, s13, $0xb8;
	[tilespmem:$0xE300] =	vst v63  }
0x33: {  	_ =	swait.ge [sflag:s20], $0x800  }
0x34: {  	[sflag:s20] =	ssyncset.done $0x0  }
0x35: {  	s28 =	simm.s32 $0x300;
	[sflag:s20] =	ssyncadd.s32 $0xFFFFF800  }
0x36: {  	[tilespmem:s23], [sflag:$0x2] =	stream.indirect.gather [hbm4b:s4+s13], $0x10, s28, s13, $0xb8;
	[tilespmem:$0xE300] =	vst v63  }
0x37: {  	_ =	swait.ge [sflag:s20], $0x800  }
0x38: {  	[sflag:s20] =	ssyncset.done $0x0  }
0x39: {  	s28 =	simm.s32 $0x380;
	[sflag:s20] =	ssyncadd.s32 $0xFFFFF800  }
0x3a: {  	[tilespmem:s24], [sflag:$0x2] =	stream.indirect.gather [hbm4b:s4+s13], $0x10, s28, s13, $0xb8;
	[tilespmem:$0xE300] =	vst v63  }
0x3b: {  	s28 =	simm.s32 $0x2A00  }
0x3c: {  	[spmem:s2] =	stream.indirect.scatter.add.f32 [tilespmem:s14], [sflag:$0x3], $0x10, s28, s13, $0xb8;
	[tilespmem:$0xE300] =	vst v63  }
0x3d: {  	_ =	swait.ge [sflag:s10], $0x800  }
0x3e: {  	[sflag:s10] =	ssyncset.done $0x0  }
0x3f: {  	s28 =	simm.s32 $0x2A80;
	[sflag:s10] =	ssyncadd.s32 $0xFFFFF800  }
0x40: {  	[spmem:s2] =	stream.indirect.scatter.add.f32 [tilespmem:s15], [sflag:$0x3], $0x10, s28, s13, $0xb8;
	[tilespmem:$0xE300] =	vst v63  }
0x41: {  	_ =	swait.ge [sflag:s10], $0x800  }
0x42: {  	[sflag:s10] =	ssyncset.done $0x0  }
0x43: {  	s28 =	simm.s32 $0x2B00;
	[sflag:s10] =	ssyncadd.s32 $0xFFFFF800  }
0x44: {  	[spmem:s2] =	stream.indirect.scatter.add.f32 [tilespmem:s17], [sflag:$0x3], $0x10, s28, s13, $0xb8;
	[tilespmem:$0xE300] =	vst v63  }
0x45: {  	_ =	swait.ge [sflag:s10], $0x800  }
0x46: {  	[sflag:s10] =	ssyncset.done $0x0  }
0x47: {  	s28 =	simm.s32 $0x2B80;
	[sflag:s10] =	ssyncadd.s32 $0xFFFFF800  }
0x48: {  	[spmem:s2] =	stream.indirect.scatter.add.f32 [tilespmem:s19], [sflag:$0x3], $0x10, s28, s13, $0xb8;
	[tilespmem:$0xE300] =	vst v63  }
0x49: {  	_ =	swait.ge [sflag:s10], $0x800  }
0x4a: {  	[sflag:s10] =	ssyncset.done $0x0  }
0x4b: {  	[sflag:s10] =	ssyncadd.s32 $0xFFFFF800  }
0x4c: {  	_ =	swait.ge [sflag:s25], $0x800  }
0x4d: {  	[sflag:s25] =	ssyncset.done $0x0  }
0x4e: {  	s28 =	simm.s32 $0x400;
	[sflag:s25] =	ssyncadd.s32 $0xFFFFF800  }
0x4f: {  	[tilespmem:s14], [sflag:$0x1] =	stream.indirect.gather [hbm4b:s4+s13], $0x10, s28, s13, $0xb8;
	[tilespmem:$0xE300] =	vst v63  }
0x50: {  	_ =	swait.ge [sflag:s25], $0x800  }
0x51: {  	[sflag:s25] =	ssyncset.done $0x0  }
0x52: {  	s28 =	simm.s32 $0x480;
	[sflag:s25] =	ssyncadd.s32 $0xFFFFF800  }
0x53: {  	[tilespmem:s15], [sflag:$0x1] =	stream.indirect.gather [hbm4b:s4+s13], $0x10, s28, s13, $0xb8;
	[tilespmem:$0xE300] =	vst v63  }
0x54: {  	_ =	swait.ge [sflag:s25], $0x800  }
0x55: {  	[sflag:s25] =	ssyncset.done $0x0  }
0x56: {  	s28 =	simm.s32 $0x500;
	[sflag:s25] =	ssyncadd.s32 $0xFFFFF800  }
0x57: {  	[tilespmem:s17], [sflag:$0x1] =	stream.indirect.gather [hbm4b:s4+s13], $0x10, s28, s13, $0xb8;
	[tilespmem:$0xE300] =	vst v63  }
0x58: {  	_ =	swait.ge [sflag:s25], $0x800  }
0x59: {  	[sflag:s25] =	ssyncset.done $0x0  }
0x5a: {  	s28 =	simm.s32 $0x580;
	[sflag:s25] =	ssyncadd.s32 $0xFFFFF800  }
0x5b: {  	[tilespmem:s19], [sflag:$0x1] =	stream.indirect.gather [hbm4b:s4+s13], $0x10, s28, s13, $0xb8;
	[tilespmem:$0xE300] =	vst v63  }
0x5c: {  	s28 =	simm.s32 $0x2C00  }
0x5d: {  	[spmem:s2] =	stream.indirect.scatter.add.f32 [tilespmem:s21], [sflag:$0x3], $0x10, s28, s13, $0xb8;
	[tilespmem:$0xE300] =	vst v63  }
0x5e: {  	_ =	swait.ge [sflag:s10], $0x800  }
0x5f: {  	[sflag:s10] =	ssyncset.done $0x0  }
0x60: {  	s28 =	simm.s32 $0x2C80;
	[sflag:s10] =	ssyncadd.s32 $0xFFFFF800  }
0x61: {  	[spmem:s2] =	stream.indirect.scatter.add.f32 [tilespmem:s22], [sflag:$0x3], $0x10, s28, s13, $0xb8;
	[tilespmem:$0xE300] =	vst v63  }
0x62: {  	_ =	swait.ge [sflag:s10], $0x800  }
0x63: {  	[sflag:s10] =	ssyncset.done $0x0  }
0x64: {  	s28 =	simm.s32 $0x2D00;
	[sflag:s10] =	ssyncadd.s32 $0xFFFFF800  }
0x65: {  	[spmem:s2] =	stream.indirect.scatter.add.f32 [tilespmem:s23], [sflag:$0x3], $0x10, s28, s13, $0xb8;
	[tilespmem:$0xE300] =	vst v63  }
0x66: {  	_ =	swait.ge [sflag:s10], $0x800  }
0x67: {  	[sflag:s10] =	ssyncset.done $0x0  }
0x68: {  	s28 =	simm.s32 $0x2D80;
	[sflag:s10] =	ssyncadd.s32 $0xFFFFF800  }
0x69: {  	[spmem:s2] =	stream.indirect.scatter.add.f32 [tilespmem:s24], [sflag:$0x3], $0x10, s28, s13, $0xb8;
	[tilespmem:$0xE300] =	vst v63  }
0x6a: {  	_ =	swait.ge [sflag:s10], $0x800  }
0x6b: {  	s28 =	simm.s32 $0x1000;
	[sflag:s10] =	ssyncset.done $0x0  }
.LBB2_4:
0x6c: {  	p0 =	sne.s32 s28, $0x9000  }
0x6d: {  	[sflag:s10] =	ssyncadd.s32 $0xFFFFF800;
	s29 =	smov.u32 s28;
	s28 =	sadd.s32 $0x1000, s28  }
0x6e: {  	_ =	swait.ge [sflag:s20], $0x800  }
0x6f: {  	s29 =	sshra.s32 s29, $0x2;
	[sflag:s20] =	ssyncset.done $0x0  }
0x70: {  	s30 =	sadd.s32 $0x200, s29;
	[sflag:s20] =	ssyncadd.s32 $0xFFFFF800  }
0x71: {  	[tilespmem:s21], [sflag:$0x2] =	stream.indirect.gather [hbm4b:s4+s13], $0x10, s30, s13, $0xb8;
	[tilespmem:$0xE300] =	vst v63  }
0x72: {  	_ =	swait.ge [sflag:s20], $0x800  }
0x73: {  	[sflag:s20] =	ssyncset.done $0x0  }
0x74: {  	s30 =	sadd.s32 $0x280, s29;
	[sflag:s20] =	ssyncadd.s32 $0xFFFFF800  }
0x75: {  	[tilespmem:s22], [sflag:$0x2] =	stream.indirect.gather [hbm4b:s4+s13], $0x10, s30, s13, $0xb8;
	[tilespmem:$0xE300] =	vst v63  }
0x76: {  	_ =	swait.ge [sflag:s20], $0x800  }
0x77: {  	[sflag:s20] =	ssyncset.done $0x0  }
0x78: {  	s30 =	sadd.s32 $0x300, s29;
	[sflag:s20] =	ssyncadd.s32 $0xFFFFF800  }
0x79: {  	[tilespmem:s23], [sflag:$0x2] =	stream.indirect.gather [hbm4b:s4+s13], $0x10, s30, s13, $0xb8;
	[tilespmem:$0xE300] =	vst v63  }
0x7a: {  	_ =	swait.ge [sflag:s20], $0x800  }
0x7b: {  	[sflag:s20] =	ssyncset.done $0x0  }
0x7c: {  	s30 =	sadd.s32 $0x380, s29;
	[sflag:s20] =	ssyncadd.s32 $0xFFFFF800  }
0x7d: {  	[tilespmem:s24], [sflag:$0x2] =	stream.indirect.gather [hbm4b:s4+s13], $0x10, s30, s13, $0xb8;
	[tilespmem:$0xE300] =	vst v63  }
0x7e: {  	s30 =	sadd.s32 $0x2A00, s29  }
0x7f: {  	[spmem:s2] =	stream.indirect.scatter.add.f32 [tilespmem:s14], [sflag:$0x3], $0x10, s30, s13, $0xb8;
	[tilespmem:$0xE300] =	vst v63  }
0x80: {  	_ =	swait.ge [sflag:s10], $0x800  }
0x81: {  	[sflag:s10] =	ssyncset.done $0x0  }
0x82: {  	s30 =	sadd.s32 $0x2A80, s29;
	[sflag:s10] =	ssyncadd.s32 $0xFFFFF800  }
0x83: {  	[spmem:s2] =	stream.indirect.scatter.add.f32 [tilespmem:s15], [sflag:$0x3], $0x10, s30, s13, $0xb8;
	[tilespmem:$0xE300] =	vst v63  }
0x84: {  	_ =	swait.ge [sflag:s10], $0x800  }
0x85: {  	[sflag:s10] =	ssyncset.done $0x0  }
0x86: {  	s30 =	sadd.s32 $0x2B00, s29;
	[sflag:s10] =	ssyncadd.s32 $0xFFFFF800  }
0x87: {  	[spmem:s2] =	stream.indirect.scatter.add.f32 [tilespmem:s17], [sflag:$0x3], $0x10, s30, s13, $0xb8;
	[tilespmem:$0xE300] =	vst v63  }
0x88: {  	_ =	swait.ge [sflag:s10], $0x800  }
0x89: {  	[sflag:s10] =	ssyncset.done $0x0  }
0x8a: {  	s30 =	sadd.s32 $0x2B80, s29;
	[sflag:s10] =	ssyncadd.s32 $0xFFFFF800  }
0x8b: {  	[spmem:s2] =	stream.indirect.scatter.add.f32 [tilespmem:s19], [sflag:$0x3], $0x10, s30, s13, $0xb8;
	[tilespmem:$0xE300] =	vst v63  }
0x8c: {  	_ =	swait.ge [sflag:s10], $0x800  }
0x8d: {  	[sflag:s10] =	ssyncset.done $0x0  }
0x8e: {  	[sflag:s10] =	ssyncadd.s32 $0xFFFFF800  }
0x8f: {  	_ =	swait.ge [sflag:s25], $0x800  }
0x90: {  	[sflag:s25] =	ssyncset.done $0x0  }
0x91: {  	s30 =	sadd.s32 $0x400, s29;
	[sflag:s25] =	ssyncadd.s32 $0xFFFFF800  }
0x92: {  	[tilespmem:s14], [sflag:$0x1] =	stream.indirect.gather [hbm4b:s4+s13], $0x10, s30, s13, $0xb8;
	[tilespmem:$0xE300] =	vst v63  }
0x93: {  	_ =	swait.ge [sflag:s25], $0x800  }
0x94: {  	[sflag:s25] =	ssyncset.done $0x0  }
0x95: {  	s30 =	sadd.s32 $0x480, s29;
	[sflag:s25] =	ssyncadd.s32 $0xFFFFF800  }
0x96: {  	[tilespmem:s15], [sflag:$0x1] =	stream.indirect.gather [hbm4b:s4+s13], $0x10, s30, s13, $0xb8;
	[tilespmem:$0xE300] =	vst v63  }
0x97: {  	_ =	swait.ge [sflag:s25], $0x800  }
0x98: {  	[sflag:s25] =	ssyncset.done $0x0  }
0x99: {  	s30 =	sadd.s32 $0x500, s29;
	[sflag:s25] =	ssyncadd.s32 $0xFFFFF800  }
0x9a: {  	[tilespmem:s17], [sflag:$0x1] =	stream.indirect.gather [hbm4b:s4+s13], $0x10, s30, s13, $0xb8;
	[tilespmem:$0xE300] =	vst v63  }
0x9b: {  	_ =	swait.ge [sflag:s25], $0x800  }
0x9c: {  	[sflag:s25] =	ssyncset.done $0x0  }
0x9d: {  	s30 =	sadd.s32 $0x580, s29;
	[sflag:s25] =	ssyncadd.s32 $0xFFFFF800  }
0x9e: {  	[tilespmem:s19], [sflag:$0x1] =	stream.indirect.gather [hbm4b:s4+s13], $0x10, s30, s13, $0xb8;
	[tilespmem:$0xE300] =	vst v63  }
0x9f: {  	s30 =	sadd.s32 $0x2C00, s29  }
0xa0: {  	[spmem:s2] =	stream.indirect.scatter.add.f32 [tilespmem:s21], [sflag:$0x3], $0x10, s30, s13, $0xb8;
	[tilespmem:$0xE300] =	vst v63  }
0xa1: {  	_ =	swait.ge [sflag:s10], $0x800  }
0xa2: {  	[sflag:s10] =	ssyncset.done $0x0  }
0xa3: {  	s30 =	sadd.s32 $0x2C80, s29;
	[sflag:s10] =	ssyncadd.s32 $0xFFFFF800  }
0xa4: {  	[spmem:s2] =	stream.indirect.scatter.add.f32 [tilespmem:s22], [sflag:$0x3], $0x10, s30, s13, $0xb8;
	[tilespmem:$0xE300] =	vst v63  }
0xa5: {  	_ =	swait.ge [sflag:s10], $0x800  }
0xa6: {  	[sflag:s10] =	ssyncset.done $0x0  }
0xa7: {  	s30 =	sadd.s32 $0x2D00, s29;
	[sflag:s10] =	ssyncadd.s32 $0xFFFFF800  }
0xa8: {  	[spmem:s2] =	stream.indirect.scatter.add.f32 [tilespmem:s23], [sflag:$0x3], $0x10, s30, s13, $0xb8;
	[tilespmem:$0xE300] =	vst v63  }
0xa9: {  	_ =	swait.ge [sflag:s10], $0x800  }
.Ltmp1:
0xaa: {  	[sflag:s10] =	ssyncset.done $0x0;
	(pc) =	sbr.rel @p0 .LBB2_4-.Ltmp1, $4  }
0xab: {  	s29 =	sadd.s32 $0x2D80, s29;
	[sflag:s10] =	ssyncadd.s32 $0xFFFFF800  }
0xac: {  	[spmem:s2] =	stream.indirect.scatter.add.f32 [tilespmem:s24], [sflag:$0x3], $0x10, s29, s13, $0xb8;
	[tilespmem:$0xE300] =	vst v63  }
0xad: {  	_ =	swait.ge [sflag:s10], $0x800  }
0xae: {  	[sflag:s10] =	ssyncset.done $0x0  }
0xaf: {  	[sflag:s10] =	ssyncadd.s32 $0xFFFFF800  }
0xb0: {  	_ =	swait.ge [sflag:s20], $0x800  }
0xb1: {  	[sflag:s20] =	ssyncset.done $0x0  }
0xb2: {  	[sflag:s20] =	ssyncadd.s32 $0xFFFFF800  }
0xb3: {  	_ =	swait.ge [sflag:s20], $0x800  }
0xb4: {  	[sflag:s20] =	ssyncset.done $0x0  }
0xb5: {  	[sflag:s20] =	ssyncadd.s32 $0xFFFFF800  }
0xb6: {  	_ =	swait.ge [sflag:s20], $0x800  }
0xb7: {  	[sflag:s20] =	ssyncset.done $0x0  }
0xb8: {  	[sflag:s20] =	ssyncadd.s32 $0xFFFFF800  }
0xb9: {  	_ =	swait.ge [sflag:s20], $0x800  }
0xba: {  	[sflag:s20] =	ssyncset.done $0x0  }
0xbb: {  	[sflag:s20] =	ssyncadd.s32 $0xFFFFF800  }
0xbc: {  	[bflag:$0x0] =	sbarrier.arrive $0xFFFF  }
0xbd: {  	[tilespmem:s12], [sflag:$0x3] =	stream.linear.gather [spmem:s7], $0x2780, $0x38;
	[tilespmem:$0xE300] =	vst v63  }
0xbe: {  	s26 =	sadd.s32 $0x1, s26;
	_ =	swait.ge [sflag:s10], $0x2780  }
0xbf: {  	p0 =	sne.s32 s26, s9;
	[sflag:s10] =	ssyncset.done $0x0  }
.Ltmp2:
0xc0: {  	[sflag:s10] =	ssyncadd.s32 $0xFFFFD880;
	(pc) =	sbr.rel @p0 .LBB2_1-.Ltmp2, $4  }
0xc1: {  	[hbm4b:s8+s3] =	stream.linear.scatter [tilespmem:s12], [sflag:$0x3], $0x2780, $0x38;
	[tilespmem:$0xE300] =	vst v63  }
0xc2: {  	_ =	swait.ge [sflag:s10], $0x2780  }
0xc3: {  	[sflag:s10] =	ssyncset.done $0x0  }
0xc4: {  	[sflag:s10] =	ssyncadd.s32 $0xFFFFD880  }
0xc5: {  	_ =	sfence.sel $0x180000  }
0xc6: {  	[bflag:$0x0] =	sbarrier.arrive $0xFFFF  }
0xc7: {  	p0 =	sne.s32 s0, $0x0;
	_ =	strace $0x9000004A  }
0xc8: {  	s0 =	sadd.s32 @!p0 $0x100000, s1;
	[bflag:$0x2] =	sbarrier.arrive $0xFFFF  }
0xc9: {  	[sflag:s0] =	ssyncadd.tile.s32 @!p0 $0x1;
	_ =	shalt  }
.Lfunc_end2:
_tile_overlayer_lowered:
.L_overlay_start_2:
0xca: {  	(tag) =	ssettag $0x2  }
0xcb: {  	s0 =	rddreg [dreg:$0x0];
	s2 =	stileid.u32  }
0xcc: {  	s1 =	rddreg [dreg:$0x1];
	p0 =	sne.s32 s2, $0x0  }
0xcd: {  	s3 =	rddreg [dreg:$0x2];
	[bflag:$0x3] =	sbarrier.arrive $0xFFFF;
	s2 =	simm.s32 @!p0 $0x1C03  }
0xce: {  	[timem:s3], [sflag:s2] =	dma.local @!p0 [hbm:s0], s1  }
0xcf: {  	s0 =	simm.s32 @!p0 $0x3  }
0xd0: {  	_ =	swait.ge @!p0 [sflag:s0], s1  }
0xd1: {  	s1 =	ssub.s32 @!p0 $0x0, s1;
	[sflag:s0] =	ssyncset.done @!p0 $0x0  }
0xd2: {  	[sflag:s0] =	ssyncadd.s32 @!p0 s1  }
0xd3: {  	[bflag:$0x3] =	sbarrier.arrive $0xFFFF  }
0xd4: {  	_ =	shalt  }

// kernel: kernel.7.cloned.1.call-start
scs
__scs_entry_jumppad:
0x0: {  	(pc) =	sbr.rel $0x88, $3  }
0x1: {  	(tag) =	ssettag $0x0;
	lr =	simm.s32 $0x1  }
0x2: {  	[smem:$0x3F9B] =	sst lr;
	_ =	strace $0xD0000000  }
0x3: {  	_ = 	snop  }
0x4: {  	_ = 	snop  }
0x5: {  	_ = 	snop  }
0x6: {  	_ = 	snop  }
0x7: {  	_ = 	snop  }
__scs_overlays_trampoline_lowered:
0x8: {  	[smem:$0x3FAA] =	sst s0  }
0x9: {  	[smem:$0x3FAB] =	sst s1  }
0xa: {  	[smem:$0x3FAC] =	sst s2  }
0xb: {  	[smem:$0x3FAD] =	sst s3  }
0xc: {  	[smem:$0x3FAE] =	sst s4  }
0xd: {  	[smem:$0x3FAF] =	sst s5  }
0xe: {  	[smem:$0x3FB0] =	sst s6  }
0xf: {  	[smem:$0x3FB1] =	sst s7  }
0x10: {  	[smem:$0x3FB2] =	sst s8  }
0x11: {  	[smem:$0x3FB3] =	sst s9;
	s0 =	simm.s32 @!p0 $0x0  }
0x12: {  	s1 =	sld [smem:$0x3F99];
	s0 =	simm.s32 @p0 $0x1  }
0x13: {  	[smem:$0x3FB4] =	sst s0;
	s0 =	simm.s32 @!p1 $0x0  }
0x14: {  	s2 =	sld [smem:$0x3F98];
	s0 =	simm.s32 @p1 $0x1  }
0x15: {  	[smem:$0x3FB5] =	sst s0;
	s0 =	simm.s32 @!p2 $0x0  }
0x16: {  	s3 =	sld [smem:$0x3FDB];
	s0 =	simm.s32 @p2 $0x1  }
0x17: {  	s4 =	simm.s32 $0x1BF5;
	[smem:$0x3FB7] =	sst s0  }
0x18: {  	s0 =	sld [smem:$0x3F9A];
	_ =	swait.ge [sflag:s4], $0x0  }
0x19: {  	s7 =	sld [smem:$0x3F9B]  }
0x1a: {  	s8 =	sadd.s32 $0xFFFFE003, lr  }
0x1b: {  	s9 =	sadd.s32 $0xFFFFFEF7, lr;
	s5 =	simm.s32 $0xFFFFFFFF;
	p2 =	slt.u32 s8, $0xFFFFF086  }
0x1c: {  	p1 =	slt.u32 s9, $0xF7A;
	s5 =	simm.s32 @!p2 $0x0  }
0x1d: {  	s5 =	simm.s32 @p1 $0x1;
	p0 =	seq.s32 s7, s2  }
0x1e: {  	s7 =	smul.u32 @!p0 $0xF7A, s2;
	p2 =	seq.s32 @!p0 s5, $0x0  }
0x1f: {  	s9 =	smul.u32 $0xF7A, s1;
	s8 =	simm.s32 @!p0 $0x1BF5;
	p2 =	por !p2, p0  }
0x20: {  	[sflag:s8] =	ssyncset.s32 @!p0 $0xFFFFF086;
	s6 =	sadd.s32 @!p0 s3, s7;
	s7 =	simm.s32 @!p0 $0x108  }
0x21: {  	s3 =	sadd.s32 s3, s9;
	s6 =	sadd.s32 @!p0 $0x88, s6;
	s7 =	simm.s32 @p2 $0x1082  }
0x22: {  	[simem:s7], [sflag:s8] =	dma.local @!p0 [hbm:s6], $0xF7A  }
0x23: {  	s9 =	sor.u32 $0xD0000000, s2;
	s6 =	simm.s32 $0x108;
	_ =	swait.ge @!p0 [sflag:s8], $0x0  }
0x24: {  	s3 =	sadd.s32 $0x88, s3;
	s6 =	simm.s32 @!p1 $0x1082;
	[sflag:s4] =	ssyncset.s32 $0xFFFFF086  }
0x25: {  	[simem:s6], [sflag:s4] =	dma.local [hbm:s3], $0xF7A  }
0x26: {  	[smem:$0x3F9B] =	sst s1;
	(tag) =	ssettag s2;
	_ =	strace s9  }
0x27: {  	s1 =	sld [smem:$0x3FAB]  }
0x28: {  	s2 =	sld [smem:$0x3FAC]  }
0x29: {  	s4 =	sld [smem:$0x3FAE]  }
0x2a: {  	p0 =	seq.s32 s5, $0x0;
	s5 =	sld [smem:$0x3FAF]  }
0x2b: {  	s6 =	sld [smem:$0x3FB0]  }
0x2c: {  	s7 =	sld [smem:$0x3FB1]  }
0x2d: {  	s3 =	simm.s32 $0x108;
	s8 =	sld [smem:$0x3FB2]  }
0x2e: {  	s3 =	simm.s32 @!p0 $0x1082;
	s9 =	sld [smem:$0x3FB3]  }
0x2f: {  	lr =	sadd.s32 s0, s3;
	s0 =	sld [smem:$0x3FAA]  }
0x30: {  	s3 =	sld [smem:$0x3FAD]  }
0x31: {  	[smem:$0x3FB6] =	sst s10  }
0x32: {  	s10 =	sld [smem:$0x3FB4];
	_ =	sdelay $0x3  }
0x33: {  	p0 =	seq.s32 s10, $0x1;
	s10 =	sld [smem:$0x3FB6];
	_ =	sdelay $0x3  }
0x34: {  	[smem:$0x3FB6] =	sst s10  }
0x35: {  	s10 =	sld [smem:$0x3FB5];
	_ =	sdelay $0x3  }
0x36: {  	p1 =	seq.s32 s10, $0x1;
	s10 =	sld [smem:$0x3FB6];
	_ =	sdelay $0x3  }
0x37: {  	[smem:$0x3FB6] =	sst s10  }
0x38: {  	s10 =	sld [smem:$0x3FB7]  }
0x39: {  	_ = 	snop;
	(pc) =	sbr.ind lr, $3  }
0x3a: {  	_ = 	snop  }
0x3b: {  	_ = 	snop  }
0x3c: {  	p2 =	seq.s32 s10, $0x1;
	s10 =	sld [smem:$0x3FB6]  }
0x3d: {  	_ =	shalt  }
0x3e: {  	_ =	shalt  }
0x3f: {  	_ =	shalt  }
0x40: {  	_ =	shalt  }
0x41: {  	_ =	shalt  }
0x42: {  	_ =	shalt  }
0x43: {  	_ =	shalt  }
0x44: {  	_ =	shalt  }
0x45: {  	_ =	shalt  }
0x46: {  	_ =	shalt  }
0x47: {  	_ =	shalt  }
0x48: {  	_ =	shalt  }
0x49: {  	_ =	shalt  }
0x4a: {  	_ =	shalt  }
0x4b: {  	_ =	shalt  }
0x4c: {  	_ =	shalt  }
0x4d: {  	_ =	shalt  }
0x4e: {  	_ =	shalt  }
0x4f: {  	_ =	shalt  }
0x50: {  	_ =	shalt  }
0x51: {  	_ =	shalt  }
0x52: {  	_ =	shalt  }
0x53: {  	_ =	shalt  }
0x54: {  	_ =	shalt  }
0x55: {  	_ =	shalt  }
0x56: {  	_ =	shalt  }
0x57: {  	_ =	shalt  }
0x58: {  	_ =	shalt  }
0x59: {  	_ =	shalt  }
0x5a: {  	_ =	shalt  }
0x5b: {  	_ =	shalt  }
0x5c: {  	_ =	shalt  }
0x5d: {  	_ =	shalt  }
0x5e: {  	_ =	shalt  }
0x5f: {  	_ =	shalt  }
0x60: {  	_ =	shalt  }
0x61: {  	_ =	shalt  }
0x62: {  	_ =	shalt  }
0x63: {  	_ =	shalt  }
0x64: {  	_ =	shalt  }
0x65: {  	_ =	shalt  }
0x66: {  	_ =	shalt  }
0x67: {  	_ =	shalt  }
0x68: {  	_ =	shalt  }
0x69: {  	_ =	shalt  }
0x6a: {  	_ =	shalt  }
0x6b: {  	_ =	shalt  }
0x6c: {  	_ =	shalt  }
0x6d: {  	_ =	shalt  }
0x6e: {  	_ =	shalt  }
0x6f: {  	_ =	shalt  }
0x70: {  	_ =	shalt  }
0x71: {  	_ =	shalt  }
0x72: {  	_ =	shalt  }
0x73: {  	_ =	shalt  }
0x74: {  	_ =	shalt  }
0x75: {  	_ =	shalt  }
0x76: {  	_ =	shalt  }
0x77: {  	_ =	shalt  }
0x78: {  	_ =	shalt  }
0x79: {  	_ =	shalt  }
0x7a: {  	_ =	shalt  }
0x7b: {  	_ =	shalt  }
0x7c: {  	_ =	shalt  }
0x7d: {  	_ =	shalt  }
0x7e: {  	_ =	shalt  }
0x7f: {  	_ =	shalt  }
0x80: {  	_ =	shalt  }
0x81: {  	_ =	shalt  }
0x82: {  	_ =	shalt  }
0x83: {  	_ =	shalt  }
0x84: {  	_ =	shalt  }
0x85: {  	_ =	shalt  }
0x86: {  	_ =	shalt  }
0x87: {  	_ =	shalt  }
.Lfunc_end0:
.L_simem_size_0:
called_computation_lowered:
.L_overlay_start_0:
0x88: {  	s2 =	sld [smem:$0x3FD9]  }
0x89: {  	s3 =	sld [smem:$0x3FFE];
	_ =	sdelay $0x1  }
0x8a: {  	s1 =	srdreg.scid  }
0x8b: {  	s0 =	sand.u32 $0x1, s1  }
0x8c: {  	s17 =	sshll.u32 s0, $0xA;
	s2 =	sadd.s32 s3, s2  }
0x8d: {  	s2 =	sadd.s32 s2, s17  }
0x8e: {  	[smem:$0x3FC2] =	sst s2  }
0x8f: {  	_ = 	snop  }
0x90: {  	s2 =	sld [smem:$0x3FD0];
	(tm) =	ssettm $0x1  }
0x91: {  	s18 =	sld [smem:$0x3FFB];
	_ =	sdelay $0x3  }
0x92: {  	_ =	strace s18  }
0x93: {  	s3 =	sld [smem:$0x3FFC];
	_ =	sdelay $0x3  }
0x94: {  	_ =	strace s3  }
0x95: {  	s3 =	sld [smem:$0x3FFD];
	_ =	sdelay $0x3  }
0x96: {  	_ =	strace s3  }
0x97: {  	_ =	strace $0x8FFFFFFF  }
0x98: {  	s19 =	sld [smem:$0x3FDB];
	_ =	sdelay $0x1  }
0x99: {  	s4 =	simm.s32 $_scs_section_size  }
0x9a: {  	s5 =	simm.s32 $_size__tile_overlayer_lowered;
	s6 =	simm.s32 $_tile_overlayer_lowered  }
0x9b: {  	s22 =	simm.s32 $0x1BFF;
	s21 =	sshll.u32 s6, $0x1;
	s3 =	sadd.s32 s4, s19  }
0x9c: {  	s7 =	simm.s32 $0x0;
	s20 =	sshll.u32 s5, $0x1;
	s5 =	sadd.s32 s21, s3  }
0x9d: {  	[timem:s7], [sflag:s22] =	dma.local [hbm:s5], s20  }
0x9e: {  	_ =	swait.ge [sflag:s22], s20  }
0x9f: {  	s4 =	ssub.s32 $0x0, s20;
	[sflag:s22] =	ssyncset.done $0x0  }
0xa0: {  	[sflag:s22] =	ssyncadd.s32 s4;
	_ =	sdelay $0x1  }
0xa1: {  	s23 =	simm.s32 $0x1B8B  }
0xa2: {  	_ =	swait.ge [sflag:s23], $0x1  }
0xa3: {  	[sflag:s23] =	ssyncset.done $0x0  }
0xa4: {  	s25 =	simm.s32 $0x1B8E;
	s24 =	sld [smem:$0x3FFE];
	[sflag:s23] =	ssyncadd.s32 $0xFFFFFFFF  }
0xa5: {  	s26 =	simm.s32 $execute0_lowered;
	[smem:$0x3FD2] =	sst s25  }
0xa6: {  	s5 =	sshll.u32 s26, $0x1;
	_ =	strace $0x80000046;
	[dreg:$0x1] =	wrdreg $0xFFFFFFFF  }
0xa7: {  	s28 =	simm.s32 $_size_execute0_lowered;
	s3 =	sadd.s32 s3, s5;
	[dreg:$0x0] =	wrdreg $0x0  }
0xa8: {  	s5 =	sshll.u32 s28, $0x1;
	[dreg:$0x2] =	wrdreg s3  }
0xa9: {  	[dreg:$0x3] =	wrdreg s5  }
0xaa: {  	[dreg:$0x4] =	wrdreg $0xC0  }
0xab: {  	_ =	task [dreg:s7], $0x5FFFF  }
0xac: {  	[dreg:$0x1] =	wrdreg $0xFFFFFFFF  }
0xad: {  	[dreg:$0x0] =	wrdreg $0x60  }
0xae: {  	[dreg:$0x2] =	wrdreg s24  }
0xaf: {  	[dreg:$0x3] =	wrdreg s2  }
0xb0: {  	[dreg:$0x4] =	wrdreg $0xBB800  }
0xb1: {  	[dreg:$0x5] =	wrdreg $0x9  }
0xb2: {  	_ =	task.clear_ibuf [dreg:s7], $0x6FFFF;
	_ =	strace $0x90000046  }
0xb3: {  	s29 =	simm.s32 $0x9;
	_ =	strace $0x80000048  }
0xb4: {  	_ =	swait.ge [sflag:s29], $0x1  }
0xb5: {  	[sflag:s29] =	ssyncadd.s32 $0xFFFFFFFF  }
0xb6: {  	_ =	strace $0x90000048  }
0xb7: {  	_ =	sfence  }
0xb8: {  	s30 =	sld [smem:$0x0];
	_ =	sdelay $0x2  }
0xb9: {  	s31 =	sshll.u32 s1, $0xD;
	s1 =	sshrl.u32 s1, $0x2  }
0xba: {  	s3 =	sand.u32 $0x4000, s31;
	s1 =	sadd.s32 s1, s30  }
0xbb: {  	s0 =	sor.u32 s3, s0;
	s1 =	sshll.u32 s1, $0x11  }
0xbc: {  	s0 =	sor.u32 s1, s0  }
0xbd: {  	s0 =	sadd.s32 $0x8F2B, s0  }
0xbe: {  	[sflag:s0] =	ssyncadd.remote.s32 $0x1  }
0xbf: {  	_ =	sfence.sel $0xFFFF  }
0xc0: {  	[dreg:$0x0] =	wrdreg $0xFFFFFFFF;
	(pc) =	sbr.abs _section_cstart, $3  }
0xc1: {  	[dreg:$0x1] =	wrdreg $0xFFFFFFFF  }
0xc2: {  	_ =	task.clear_ibuf [dreg:s7], $0x2FFFF;
	_ =	strace $0x9FFFFFFF  }
0xc3: {  	(tm) =	ssettm $0x7FFFFFFF  }
tec
execute0_lowered:
.L_overlay_start_1:
0x0: {  	(tag) =	ssettag $0x1  }
0x1: {  	s5 =	rddreg [dreg:$0x0]  }
0x2: {  	s6 =	rddreg [dreg:$0x1]  }
0x3: {  	s0 =	srdreg.scid;
	s2 =	rddreg [dreg:$0x2]  }
0x4: {  	s1 =	rddreg [dreg:$0x3];
	s3 =	simm.s32 $0x0;
	s13 =	simm.s32 $0x80  }
0x5: {  	s14 =	simm.s32 $0x5400;
	s15 =	simm.s32 $0x5C00;
	s16 =	simm.s32 $0x100  }
0x6: {  	s17 =	simm.s32 $0x6400;
	s18 =	simm.s32 $0x180;
	s19 =	simm.s32 $0x6C00  }
0x7: {  	s20 =	simm.s32 $0x1;
	s21 =	simm.s32 $0x7400;
	s7 =	sand.u32 $0x1, s0  }
0x8: {  	s22 =	simm.s32 $0x7C00;
	s0 =	stileid.u32;
	s8 =	smul.u32 $0x2A000, s7  }
0x9: {  	s23 =	simm.s32 $0x8400;
	s24 =	simm.s32 $0x8C00;
	s9 =	smul.u32 $0x2A00, s0  }
0xa: {  	s25 =	simm.s32 $0x2;
	s26 =	simm.s32 $0x0;
	s10 =	smul.u32 $0x2780, s0  }
0xb: {  	[smem:$0x7FF] =	sst s3;
	s11 =	smul.u32 $0x27800, s7;
	s7 =	ssub.s32 $0x2, s7  }
0xc: {  	s4 =	sadd.s32 $0xBA00, s5;
	_ =	strace $0x80000047;
	s12 =	sshrl.u32 s7, $0x1  }
0xd: {  	s8 =	sadd.s32 s9, s8;
	s30 =	sadd.s32 s10, s11;
	s12 =	ssub.s32 s7, s12  }
0xe: {  	s7 =	sadd.s32 s10, s2;
	s10 =	simm.s32 $0x3;
	s8 =	sshrl.u32 s8, $0x3  }
0xf: {  	s11 =	simm.s32 $0x2A00;
	s9 =	sshrl.u32 s30, $0x3;
	s31 =	sadd.s32 s8, s5  }
0x10: {  	s9 =	sadd.s32 s9, s5;
	s5 =	sadd.s32 s6, s8;
	s6 =	sadd.s32 $0x1200, s31  }
0x11: {  	v0 =	vimm.f32 $0.0e+00;
	s8 =	sadd.s32 $0x10A00, s9;
	s9 =	smax.u32 s12, $0x1;
	s12 =	simm.s32 $0x9400  }
.LBB2_1:
0x12: {  	[tilespmem:s3], [sflag:$0x3] =	stream.linear.gather [hbm4b:s5+s3], $0x2A00, $0x38;
	[tilespmem:$0xE300] =	vst v63  }
0x13: {  	_ =	swait.ge [sflag:s10], $0x2A00  }
0x14: {  	[sflag:s10] =	ssyncset.done $0x0  }
0x15: {  	[sflag:s10] =	ssyncadd.s32 $0xFFFFD600  }
0x16: {  	[tilespmem:s11], [sflag:$0x3] =	stream.linear.gather [hbm4b:s6+s3], $0x2A00, $0x38;
	[tilespmem:$0xE300] =	vst v63  }
0x17: {  	_ =	swait.ge [sflag:s10], $0x2A00  }
0x18: {  	[sflag:s10] =	ssyncset.done $0x0  }
0x19: {  	s28 =	simm.s32 $0x40;
	s29 =	simm.s32 $0x0;
	[sflag:s10] =	ssyncadd.s32 $0xFFFFD600  }
.LBB2_2:
0x1a: {  	p0 =	sne.s32 s28, $0x9DC0;
	[tilespmem:s29+$0x9400] =	vst v0;
	s29 =	smov.u32 s28;
	s28 =	sadd.s32 $0x40, s28  }
.Ltmp0:
0x1b: {  	(pc) =	sbr.rel @p0 .LBB2_2-.Ltmp0, $2  }
0x1c: {  	_ =	sdelay $0x2  }
0x1d: {  	s29 =	sshra.s32 s29, $0x2  }
0x1e: {  	[tilespmem:s29+$0x9400] =	vst v0  }
0x1f: {  	[spmem:s7] =	stream.linear.scatter [tilespmem:s12], [sflag:$0x3], $0x2780, $0x38;
	[tilespmem:$0xE300] =	vst v63  }
0x20: {  	_ =	swait.ge [sflag:s10], $0x2780  }
0x21: {  	[sflag:s10] =	ssyncset.done $0x0  }
0x22: {  	[sflag:s10] =	ssyncadd.s32 $0xFFFFD880  }
0x23: {  	s28 =	simm.s32 $0x0;
	[bflag:$0x0] =	sbarrier.arrive $0xFFFF  }
0x24: {  	[tilespmem:s14], [sflag:$0x1] =	stream.indirect.gather [hbm4b:s4+s13], $0x10, s28, s13, $0xb8;
	[tilespmem:$0xE300] =	vst v63  }
0x25: {  	_ = 	snop  }
0x26: {  	[tilespmem:s15], [sflag:$0x1] =	stream.indirect.gather [hbm4b:s4+s13], $0x10, s13, s13, $0xb8;
	[tilespmem:$0xE300] =	vst v63  }
0x27: {  	_ = 	snop  }
0x28: {  	[tilespmem:s17], [sflag:$0x1] =	stream.indirect.gather [hbm4b:s4+s13], $0x10, s16, s13, $0xb8;
	[tilespmem:$0xE300] =	vst v63  }
0x29: {  	_ = 	snop  }
0x2a: {  	[tilespmem:s19], [sflag:$0x1] =	stream.indirect.gather [hbm4b:s4+s13], $0x10, s18, s13, $0xb8;
	[tilespmem:$0xE300] =	vst v63  }
0x2b: {  	_ =	swait.ge [sflag:s20], $0x800  }
0x2c: {  	[sflag:s20] =	ssyncset.done $0x0  }
0x2d: {  	s28 =	simm.s32 $0x200;
	[sflag:s20] =	ssyncadd.s32 $0xFFFFF800  }
0x2e: {  	[tilespmem:s21], [sflag:$0x2] =	stream.indirect.gather [hbm4b:s4+s13], $0x10, s28, s13, $0xb8;
	[tilespmem:$0xE300] =	vst v63  }
0x2f: {  	_ =	swait.ge [sflag:s20], $0x800  }
0x30: {  	[sflag:s20] =	ssyncset.done $0x0  }
0x31: {  	s28 =	simm.s32 $0x280;
	[sflag:s20] =	ssyncadd.s32 $0xFFFFF800  }
0x32: {  	[tilespmem:s22], [sflag:$0x2] =	stream.indirect.gather [hbm4b:s4+s13], $0x10, s28, s13, $0xb8;
	[tilespmem:$0xE300] =	vst v63  }
0x33: {  	_ =	swait.ge [sflag:s20], $0x800  }
0x34: {  	[sflag:s20] =	ssyncset.done $0x0  }
0x35: {  	s28 =	simm.s32 $0x300;
	[sflag:s20] =	ssyncadd.s32 $0xFFFFF800  }
0x36: {  	[tilespmem:s23], [sflag:$0x2] =	stream.indirect.gather [hbm4b:s4+s13], $0x10, s28, s13, $0xb8;
	[tilespmem:$0xE300] =	vst v63  }
0x37: {  	_ =	swait.ge [sflag:s20], $0x800  }
0x38: {  	[sflag:s20] =	ssyncset.done $0x0  }
0x39: {  	s28 =	simm.s32 $0x380;
	[sflag:s20] =	ssyncadd.s32 $0xFFFFF800  }
0x3a: {  	[tilespmem:s24], [sflag:$0x2] =	stream.indirect.gather [hbm4b:s4+s13], $0x10, s28, s13, $0xb8;
	[tilespmem:$0xE300] =	vst v63  }
0x3b: {  	s28 =	simm.s32 $0x2A00  }
0x3c: {  	[spmem:s2] =	stream.indirect.scatter.add.f32 [tilespmem:s14], [sflag:$0x3], $0x10, s28, s13, $0xb8;
	[tilespmem:$0xE300] =	vst v63  }
0x3d: {  	_ =	swait.ge [sflag:s10], $0x800  }
0x3e: {  	[sflag:s10] =	ssyncset.done $0x0  }
0x3f: {  	s28 =	simm.s32 $0x2A80;
	[sflag:s10] =	ssyncadd.s32 $0xFFFFF800  }
0x40: {  	[spmem:s2] =	stream.indirect.scatter.add.f32 [tilespmem:s15], [sflag:$0x3], $0x10, s28, s13, $0xb8;
	[tilespmem:$0xE300] =	vst v63  }
0x41: {  	_ =	swait.ge [sflag:s10], $0x800  }
0x42: {  	[sflag:s10] =	ssyncset.done $0x0  }
0x43: {  	s28 =	simm.s32 $0x2B00;
	[sflag:s10] =	ssyncadd.s32 $0xFFFFF800  }
0x44: {  	[spmem:s2] =	stream.indirect.scatter.add.f32 [tilespmem:s17], [sflag:$0x3], $0x10, s28, s13, $0xb8;
	[tilespmem:$0xE300] =	vst v63  }
0x45: {  	_ =	swait.ge [sflag:s10], $0x800  }
0x46: {  	[sflag:s10] =	ssyncset.done $0x0  }
0x47: {  	s28 =	simm.s32 $0x2B80;
	[sflag:s10] =	ssyncadd.s32 $0xFFFFF800  }
0x48: {  	[spmem:s2] =	stream.indirect.scatter.add.f32 [tilespmem:s19], [sflag:$0x3], $0x10, s28, s13, $0xb8;
	[tilespmem:$0xE300] =	vst v63  }
0x49: {  	_ =	swait.ge [sflag:s10], $0x800  }
0x4a: {  	[sflag:s10] =	ssyncset.done $0x0  }
0x4b: {  	[sflag:s10] =	ssyncadd.s32 $0xFFFFF800  }
0x4c: {  	_ =	swait.ge [sflag:s25], $0x800  }
0x4d: {  	[sflag:s25] =	ssyncset.done $0x0  }
0x4e: {  	s28 =	simm.s32 $0x400;
	[sflag:s25] =	ssyncadd.s32 $0xFFFFF800  }
0x4f: {  	[tilespmem:s14], [sflag:$0x1] =	stream.indirect.gather [hbm4b:s4+s13], $0x10, s28, s13, $0xb8;
	[tilespmem:$0xE300] =	vst v63  }
0x50: {  	_ =	swait.ge [sflag:s25], $0x800  }
0x51: {  	[sflag:s25] =	ssyncset.done $0x0  }
0x52: {  	s28 =	simm.s32 $0x480;
	[sflag:s25] =	ssyncadd.s32 $0xFFFFF800  }
0x53: {  	[tilespmem:s15], [sflag:$0x1] =	stream.indirect.gather [hbm4b:s4+s13], $0x10, s28, s13, $0xb8;
	[tilespmem:$0xE300] =	vst v63  }
0x54: {  	_ =	swait.ge [sflag:s25], $0x800  }
0x55: {  	[sflag:s25] =	ssyncset.done $0x0  }
0x56: {  	s28 =	simm.s32 $0x500;
	[sflag:s25] =	ssyncadd.s32 $0xFFFFF800  }
0x57: {  	[tilespmem:s17], [sflag:$0x1] =	stream.indirect.gather [hbm4b:s4+s13], $0x10, s28, s13, $0xb8;
	[tilespmem:$0xE300] =	vst v63  }
0x58: {  	_ =	swait.ge [sflag:s25], $0x800  }
0x59: {  	[sflag:s25] =	ssyncset.done $0x0  }
0x5a: {  	s28 =	simm.s32 $0x580;
	[sflag:s25] =	ssyncadd.s32 $0xFFFFF800  }
0x5b: {  	[tilespmem:s19], [sflag:$0x1] =	stream.indirect.gather [hbm4b:s4+s13], $0x10, s28, s13, $0xb8;
	[tilespmem:$0xE300] =	vst v63  }
0x5c: {  	s28 =	simm.s32 $0x2C00  }
0x5d: {  	[spmem:s2] =	stream.indirect.scatter.add.f32 [tilespmem:s21], [sflag:$0x3], $0x10, s28, s13, $0xb8;
	[tilespmem:$0xE300] =	vst v63  }
0x5e: {  	_ =	swait.ge [sflag:s10], $0x800  }
0x5f: {  	[sflag:s10] =	ssyncset.done $0x0  }
0x60: {  	s28 =	simm.s32 $0x2C80;
	[sflag:s10] =	ssyncadd.s32 $0xFFFFF800  }
0x61: {  	[spmem:s2] =	stream.indirect.scatter.add.f32 [tilespmem:s22], [sflag:$0x3], $0x10, s28, s13, $0xb8;
	[tilespmem:$0xE300] =	vst v63  }
0x62: {  	_ =	swait.ge [sflag:s10], $0x800  }
0x63: {  	[sflag:s10] =	ssyncset.done $0x0  }
0x64: {  	s28 =	simm.s32 $0x2D00;
	[sflag:s10] =	ssyncadd.s32 $0xFFFFF800  }
0x65: {  	[spmem:s2] =	stream.indirect.scatter.add.f32 [tilespmem:s23], [sflag:$0x3], $0x10, s28, s13, $0xb8;
	[tilespmem:$0xE300] =	vst v63  }
0x66: {  	_ =	swait.ge [sflag:s10], $0x800  }
0x67: {  	[sflag:s10] =	ssyncset.done $0x0  }
0x68: {  	s28 =	simm.s32 $0x2D80;
	[sflag:s10] =	ssyncadd.s32 $0xFFFFF800  }
0x69: {  	[spmem:s2] =	stream.indirect.scatter.add.f32 [tilespmem:s24], [sflag:$0x3], $0x10, s28, s13, $0xb8;
	[tilespmem:$0xE300] =	vst v63  }
0x6a: {  	_ =	swait.ge [sflag:s10], $0x800  }
0x6b: {  	s28 =	simm.s32 $0x1000;
	[sflag:s10] =	ssyncset.done $0x0  }
.LBB2_4:
0x6c: {  	p0 =	sne.s32 s28, $0x9000  }
0x6d: {  	[sflag:s10] =	ssyncadd.s32 $0xFFFFF800;
	s29 =	smov.u32 s28;
	s28 =	sadd.s32 $0x1000, s28  }
0x6e: {  	_ =	swait.ge [sflag:s20], $0x800  }
0x6f: {  	s29 =	sshra.s32 s29, $0x2;
	[sflag:s20] =	ssyncset.done $0x0  }
0x70: {  	s30 =	sadd.s32 $0x200, s29;
	[sflag:s20] =	ssyncadd.s32 $0xFFFFF800  }
0x71: {  	[tilespmem:s21], [sflag:$0x2] =	stream.indirect.gather [hbm4b:s4+s13], $0x10, s30, s13, $0xb8;
	[tilespmem:$0xE300] =	vst v63  }
0x72: {  	_ =	swait.ge [sflag:s20], $0x800  }
0x73: {  	[sflag:s20] =	ssyncset.done $0x0  }
0x74: {  	s30 =	sadd.s32 $0x280, s29;
	[sflag:s20] =	ssyncadd.s32 $0xFFFFF800  }
0x75: {  	[tilespmem:s22], [sflag:$0x2] =	stream.indirect.gather [hbm4b:s4+s13], $0x10, s30, s13, $0xb8;
	[tilespmem:$0xE300] =	vst v63  }
0x76: {  	_ =	swait.ge [sflag:s20], $0x800  }
0x77: {  	[sflag:s20] =	ssyncset.done $0x0  }
0x78: {  	s30 =	sadd.s32 $0x300, s29;
	[sflag:s20] =	ssyncadd.s32 $0xFFFFF800  }
0x79: {  	[tilespmem:s23], [sflag:$0x2] =	stream.indirect.gather [hbm4b:s4+s13], $0x10, s30, s13, $0xb8;
	[tilespmem:$0xE300] =	vst v63  }
0x7a: {  	_ =	swait.ge [sflag:s20], $0x800  }
0x7b: {  	[sflag:s20] =	ssyncset.done $0x0  }
0x7c: {  	s30 =	sadd.s32 $0x380, s29;
	[sflag:s20] =	ssyncadd.s32 $0xFFFFF800  }
0x7d: {  	[tilespmem:s24], [sflag:$0x2] =	stream.indirect.gather [hbm4b:s4+s13], $0x10, s30, s13, $0xb8;
	[tilespmem:$0xE300] =	vst v63  }
0x7e: {  	s30 =	sadd.s32 $0x2A00, s29  }
0x7f: {  	[spmem:s2] =	stream.indirect.scatter.add.f32 [tilespmem:s14], [sflag:$0x3], $0x10, s30, s13, $0xb8;
	[tilespmem:$0xE300] =	vst v63  }
0x80: {  	_ =	swait.ge [sflag:s10], $0x800  }
0x81: {  	[sflag:s10] =	ssyncset.done $0x0  }
0x82: {  	s30 =	sadd.s32 $0x2A80, s29;
	[sflag:s10] =	ssyncadd.s32 $0xFFFFF800  }
0x83: {  	[spmem:s2] =	stream.indirect.scatter.add.f32 [tilespmem:s15], [sflag:$0x3], $0x10, s30, s13, $0xb8;
	[tilespmem:$0xE300] =	vst v63  }
0x84: {  	_ =	swait.ge [sflag:s10], $0x800  }
0x85: {  	[sflag:s10] =	ssyncset.done $0x0  }
0x86: {  	s30 =	sadd.s32 $0x2B00, s29;
	[sflag:s10] =	ssyncadd.s32 $0xFFFFF800  }
0x87: {  	[spmem:s2] =	stream.indirect.scatter.add.f32 [tilespmem:s17], [sflag:$0x3], $0x10, s30, s13, $0xb8;
	[tilespmem:$0xE300] =	vst v63  }
0x88: {  	_ =	swait.ge [sflag:s10], $0x800  }
0x89: {  	[sflag:s10] =	ssyncset.done $0x0  }
0x8a: {  	s30 =	sadd.s32 $0x2B80, s29;
	[sflag:s10] =	ssyncadd.s32 $0xFFFFF800  }
0x8b: {  	[spmem:s2] =	stream.indirect.scatter.add.f32 [tilespmem:s19], [sflag:$0x3], $0x10, s30, s13, $0xb8;
	[tilespmem:$0xE300] =	vst v63  }
0x8c: {  	_ =	swait.ge [sflag:s10], $0x800  }
0x8d: {  	[sflag:s10] =	ssyncset.done $0x0  }
0x8e: {  	[sflag:s10] =	ssyncadd.s32 $0xFFFFF800  }
0x8f: {  	_ =	swait.ge [sflag:s25], $0x800  }
0x90: {  	[sflag:s25] =	ssyncset.done $0x0  }
0x91: {  	s30 =	sadd.s32 $0x400, s29;
	[sflag:s25] =	ssyncadd.s32 $0xFFFFF800  }
0x92: {  	[tilespmem:s14], [sflag:$0x1] =	stream.indirect.gather [hbm4b:s4+s13], $0x10, s30, s13, $0xb8;
	[tilespmem:$0xE300] =	vst v63  }
0x93: {  	_ =	swait.ge [sflag:s25], $0x800  }
0x94: {  	[sflag:s25] =	ssyncset.done $0x0  }
0x95: {  	s30 =	sadd.s32 $0x480, s29;
	[sflag:s25] =	ssyncadd.s32 $0xFFFFF800  }
0x96: {  	[tilespmem:s15], [sflag:$0x1] =	stream.indirect.gather [hbm4b:s4+s13], $0x10, s30, s13, $0xb8;
	[tilespmem:$0xE300] =	vst v63  }
0x97: {  	_ =	swait.ge [sflag:s25], $0x800  }
0x98: {  	[sflag:s25] =	ssyncset.done $0x0  }
0x99: {  	s30 =	sadd.s32 $0x500, s29;
	[sflag:s25] =	ssyncadd.s32 $0xFFFFF800  }
0x9a: {  	[tilespmem:s17], [sflag:$0x1] =	stream.indirect.gather [hbm4b:s4+s13], $0x10, s30, s13, $0xb8;
	[tilespmem:$0xE300] =	vst v63  }
0x9b: {  	_ =	swait.ge [sflag:s25], $0x800  }
0x9c: {  	[sflag:s25] =	ssyncset.done $0x0  }
0x9d: {  	s30 =	sadd.s32 $0x580, s29;
	[sflag:s25] =	ssyncadd.s32 $0xFFFFF800  }
0x9e: {  	[tilespmem:s19], [sflag:$0x1] =	stream.indirect.gather [hbm4b:s4+s13], $0x10, s30, s13, $0xb8;
	[tilespmem:$0xE300] =	vst v63  }
0x9f: {  	s30 =	sadd.s32 $0x2C00, s29  }
0xa0: {  	[spmem:s2] =	stream.indirect.scatter.add.f32 [tilespmem:s21], [sflag:$0x3], $0x10, s30, s13, $0xb8;
	[tilespmem:$0xE300] =	vst v63  }
0xa1: {  	_ =	swait.ge [sflag:s10], $0x800  }
0xa2: {  	[sflag:s10] =	ssyncset.done $0x0  }
0xa3: {  	s30 =	sadd.s32 $0x2C80, s29;
	[sflag:s10] =	ssyncadd.s32 $0xFFFFF800  }
0xa4: {  	[spmem:s2] =	stream.indirect.scatter.add.f32 [tilespmem:s22], [sflag:$0x3], $0x10, s30, s13, $0xb8;
	[tilespmem:$0xE300] =	vst v63  }
0xa5: {  	_ =	swait.ge [sflag:s10], $0x800  }
0xa6: {  	[sflag:s10] =	ssyncset.done $0x0  }
0xa7: {  	s30 =	sadd.s32 $0x2D00, s29;
	[sflag:s10] =	ssyncadd.s32 $0xFFFFF800  }
0xa8: {  	[spmem:s2] =	stream.indirect.scatter.add.f32 [tilespmem:s23], [sflag:$0x3], $0x10, s30, s13, $0xb8;
	[tilespmem:$0xE300] =	vst v63  }
0xa9: {  	_ =	swait.ge [sflag:s10], $0x800  }
.Ltmp1:
0xaa: {  	[sflag:s10] =	ssyncset.done $0x0;
	(pc) =	sbr.rel @p0 .LBB2_4-.Ltmp1, $4  }
0xab: {  	s29 =	sadd.s32 $0x2D80, s29;
	[sflag:s10] =	ssyncadd.s32 $0xFFFFF800  }
0xac: {  	[spmem:s2] =	stream.indirect.scatter.add.f32 [tilespmem:s24], [sflag:$0x3], $0x10, s29, s13, $0xb8;
	[tilespmem:$0xE300] =	vst v63  }
0xad: {  	_ =	swait.ge [sflag:s10], $0x800  }
0xae: {  	[sflag:s10] =	ssyncset.done $0x0  }
0xaf: {  	[sflag:s10] =	ssyncadd.s32 $0xFFFFF800  }
0xb0: {  	_ =	swait.ge [sflag:s20], $0x800  }
0xb1: {  	[sflag:s20] =	ssyncset.done $0x0  }
0xb2: {  	[sflag:s20] =	ssyncadd.s32 $0xFFFFF800  }
0xb3: {  	_ =	swait.ge [sflag:s20], $0x800  }
0xb4: {  	[sflag:s20] =	ssyncset.done $0x0  }
0xb5: {  	[sflag:s20] =	ssyncadd.s32 $0xFFFFF800  }
0xb6: {  	_ =	swait.ge [sflag:s20], $0x800  }
0xb7: {  	[sflag:s20] =	ssyncset.done $0x0  }
0xb8: {  	[sflag:s20] =	ssyncadd.s32 $0xFFFFF800  }
0xb9: {  	_ =	swait.ge [sflag:s20], $0x800  }
0xba: {  	[sflag:s20] =	ssyncset.done $0x0  }
0xbb: {  	[sflag:s20] =	ssyncadd.s32 $0xFFFFF800  }
0xbc: {  	[bflag:$0x0] =	sbarrier.arrive $0xFFFF  }
0xbd: {  	[tilespmem:s12], [sflag:$0x3] =	stream.linear.gather [spmem:s7], $0x2780, $0x38;
	[tilespmem:$0xE300] =	vst v63  }
0xbe: {  	s26 =	sadd.s32 $0x1, s26;
	_ =	swait.ge [sflag:s10], $0x2780  }
0xbf: {  	p0 =	sne.s32 s26, s9;
	[sflag:s10] =	ssyncset.done $0x0  }
.Ltmp2:
0xc0: {  	[sflag:s10] =	ssyncadd.s32 $0xFFFFD880;
	(pc) =	sbr.rel @p0 .LBB2_1-.Ltmp2, $4  }
0xc1: {  	[hbm4b:s8+s3] =	stream.linear.scatter [tilespmem:s12], [sflag:$0x3], $0x2780, $0x38;
	[tilespmem:$0xE300] =	vst v63  }
0xc2: {  	_ =	swait.ge [sflag:s10], $0x2780  }
0xc3: {  	[sflag:s10] =	ssyncset.done $0x0  }
0xc4: {  	[sflag:s10] =	ssyncadd.s32 $0xFFFFD880  }
0xc5: {  	_ =	sfence.sel $0x180000  }
0xc6: {  	[bflag:$0x0] =	sbarrier.arrive $0xFFFF  }
0xc7: {  	p0 =	sne.s32 s0, $0x0;
	_ =	strace $0x90000047  }
0xc8: {  	s0 =	sadd.s32 @!p0 $0x100000, s1;
	[bflag:$0x2] =	sbarrier.arrive $0xFFFF  }
0xc9: {  	[sflag:s0] =	ssyncadd.tile.s32 @!p0 $0x1;
	_ =	shalt  }
.Lfunc_end2:
_tile_overlayer_lowered:
.L_overlay_start_2:
0xca: {  	(tag) =	ssettag $0x2  }
0xcb: {  	s0 =	rddreg [dreg:$0x0];
	s2 =	stileid.u32  }
0xcc: {  	s1 =	rddreg [dreg:$0x1];
	p0 =	sne.s32 s2, $0x0  }
0xcd: {  	s3 =	rddreg [dreg:$0x2];
	[bflag:$0x3] =	sbarrier.arrive $0xFFFF;
	s2 =	simm.s32 @!p0 $0x1C03  }
0xce: {  	[timem:s3], [sflag:s2] =	dma.local @!p0 [hbm:s0], s1  }
0xcf: {  	s0 =	simm.s32 @!p0 $0x3  }
0xd0: {  	_ =	swait.ge @!p0 [sflag:s0], s1  }
0xd1: {  	s1 =	ssub.s32 @!p0 $0x0, s1;
	[sflag:s0] =	ssyncset.done @!p0 $0x0  }
0xd2: {  	[sflag:s0] =	ssyncadd.s32 @!p0 s1  }
0xd3: {  	[bflag:$0x3] =	sbarrier.arrive $0xFFFF  }
0xd4: {  	_ =	shalt  }

</sc_bundles>
